<compile_context>
chip_gen: v7x
topology: tpu7x:2x2x1
jax: 0.10.2.dev20260603
libtpu: 0.0.44.dev20260713+nightly
codegen_flags: <defaults>
</compile_context>

<pallas_src>
import functools

import jax
import jax.numpy as jnp
from jax import lax
from jax.experimental import pallas as pl
from jax.experimental.pallas import tpu as pltpu
from jax.experimental.pallas import tpu_sc as plsc

N = 10000
E = 320000
D_IN = 128
F1 = 16
F2 = 32
C_OUT = 40
F3P = 48

NC = 2
NS = 16
NW = NC * NS

NP = 10112
ROWS_PER_TILE = NP // NS
EDGES_PER_TILE = E // NW
EBLK = 1000
BLK_PER_TILE = EDGES_PER_TILE // EBLK
ZROWS = 160

_mesh = plsc.VectorSubcoreMesh(
    core_axis_name="c", subcore_axis_name="s", num_cores=NC, num_subcores=NS
)


def _zero_rows(buf, nrows, ncols16):
    z = jnp.zeros((16,), jnp.float32)

    def body(i, carry):
        for k in range(ncols16):
            buf[i, pl.ds(k * 16, 16)] = z
        return carry

    lax.fori_loop(0, nrows, body, 0, unroll=4)


def _make_prop(F, GK, EBLK):
    BLK_PER_TILE = EDGES_PER_TILE // EBLK

    @functools.partial(
        pl.kernel,
        out_type=jax.ShapeDtypeStruct((NC, NP, F), jnp.float32),
        mesh=_mesh,
        compiler_params=pltpu.CompilerParams(use_tc_tiling_on_sc=False),
        scratch_types=[
            pltpu.VMEM((EDGES_PER_TILE,), jnp.int32),
            pltpu.VMEM((EDGES_PER_TILE,), jnp.int32),
            pltpu.VMEM((2 * GK * EBLK, F), jnp.float32),
            pltpu.VMEM((ZROWS, F), jnp.float32),
            pltpu.VMEM_SHARED((NP, F), jnp.float32),
            pltpu.SemaphoreType.DMA,
            pltpu.SemaphoreType.DMA,
        ],
    )
    def prop(h_hbm, ei_hbm, out_hbm, src_v, dst_v, rows_v, zbuf, acc, gsem, ssem):
        cid = lax.axis_index("c")
        sid = lax.axis_index("s")
        wid = sid * NC + cid

        _zero_rows(zbuf, ZROWS, F // 16)
        row0 = sid * ROWS_PER_TILE
        off = 0
        while off < ROWS_PER_TILE:
            n = min(ZROWS, ROWS_PER_TILE - off)
            pltpu.sync_copy(zbuf.at[pl.ds(0, n)], acc.at[pl.ds(row0 + off, n)])
            off += n
        plsc.subcore_barrier()

        base = wid * EDGES_PER_TILE
        pltpu.sync_copy(ei_hbm.at[0, pl.ds(base, EDGES_PER_TILE)], src_v)
        pltpu.sync_copy(ei_hbm.at[1, pl.ds(base, EDGES_PER_TILE)], dst_v)

        G = BLK_PER_TILE // GK

        def buf(g, b):
            return rows_v.at[pl.ds((g * GK + b) * EBLK, EBLK)]

        def idx(v, j):
            return v.at[pl.ds(j * EBLK, EBLK)]

        def fire_gathers(s, g):
            for b in range(GK):
                j = jnp.minimum(s * GK + b, BLK_PER_TILE - 1)
                pltpu.async_copy(h_hbm.at[idx(src_v, j)], buf(g, b), gsem)

        def drain_gathers(s, g):
            for b in range(GK):
                j = s * GK + b
                pltpu.make_async_copy(h_hbm.at[idx(src_v, j)], buf(g, b), gsem).wait()

        def fire_scatters(s, g):
            for b in range(GK):
                j = s * GK + b
                pltpu.async_copy(buf(g, b), acc.at[idx(dst_v, j)], ssem, add=True)

        def drain_scatters(s, g):
            for b in range(GK):
                j = s * GK + b
                pltpu.make_async_copy(buf(g, b), acc.at[idx(dst_v, j)], ssem).wait()

        fire_gathers(jnp.int32(0), jnp.int32(0))

        def step(s, carry):
            g = lax.rem(s, 2)

            drain_gathers(s, g)

            @pl.when(s > 0)
            def _():
                drain_scatters(s - 1, 1 - g)

            @pl.when(s < G - 1)
            def _():
                fire_gathers(s + 1, 1 - g)

            fire_scatters(s, g)
            return carry

        lax.fori_loop(0, G, step, 0)
        drain_scatters(jnp.int32(G - 1), jnp.int32((G - 1) % 2))
        plsc.subcore_barrier()

        pltpu.sync_copy(
            acc.at[pl.ds(row0, ROWS_PER_TILE)],
            out_hbm.at[cid, pl.ds(row0, ROWS_PER_TILE)],
        )

    return prop


@functools.partial(
    pl.kernel,
    out_type=jax.ShapeDtypeStruct((NC, NP, 16), jnp.float32),
    mesh=_mesh,
    compiler_params=pltpu.CompilerParams(use_tc_tiling_on_sc=False),
    scratch_types=[
        pltpu.VMEM((EDGES_PER_TILE,), jnp.int32),
        pltpu.VMEM((EBLK, 16), jnp.float32),
        pltpu.VMEM((ROWS_PER_TILE, 16), jnp.float32),
        pltpu.VMEM_SHARED((NP, 16), jnp.float32),
    ],
)
def _deg_kernel(ei_hbm, out_hbm, dst_v, ones_v, zbuf, acc):
    cid = lax.axis_index("c")
    sid = lax.axis_index("s")
    wid = sid * NC + cid

    one = jnp.ones((16,), jnp.float32)

    def fill(i, carry):
        ones_v[i, pl.ds(0, 16)] = one
        return carry

    lax.fori_loop(0, EBLK, fill, 0, unroll=4)

    _zero_rows(zbuf, ROWS_PER_TILE, 1)
    row0 = sid * ROWS_PER_TILE
    pltpu.sync_copy(zbuf, acc.at[pl.ds(row0, ROWS_PER_TILE)])
    plsc.subcore_barrier()

    pltpu.sync_copy(ei_hbm.at[1, pl.ds(wid * EDGES_PER_TILE, EDGES_PER_TILE)], dst_v)

    def step(j, carry):
        pltpu.sync_copy(ones_v, acc.at[dst_v.at[pl.ds(j * EBLK, EBLK)]], add=True)
        return carry

    lax.fori_loop(0, BLK_PER_TILE, step, 0)
    plsc.subcore_barrier()

    pltpu.sync_copy(
        acc.at[pl.ds(row0, ROWS_PER_TILE)],
        out_hbm.at[cid, pl.ds(row0, ROWS_PER_TILE)],
    )


_prop16 = _make_prop(F1, 2, 1000)
_prop32 = _make_prop(F2, 1, 1000)
_prop48 = _make_prop(F3P, 1, 400)



def _tc0_body(x_ref, w_ref, h_ref):
    h = lax.dot_general(
        x_ref[...], w_ref[...], (((1,), (0,)), ((), ())),
        preferred_element_type=jnp.float32,
    )
    h_ref[...] = jnp.pad(h, ((0, NP - N), (0, 0)))


def _tc1_body(h1_ref, degp_ref, h_ref, dinv_ref):
    deg = degp_ref[0, :, 0] + degp_ref[1, :, 0] + 1.0
    dinv = lax.rsqrt(deg)
    dinv_ref[...] = dinv
    h_ref[...] = h1_ref[...] * dinv[:, None]


def _tc_mid_body(sp_ref, hs_ref, dinv_ref, b_ref, w_ref, out_ref):
    dinv = dinv_ref[...]
    s = sp_ref[0] + sp_ref[1] + hs_ref[...]
    h = jnp.maximum(dinv[:, None] * s + b_ref[...], 0.0)
    h = lax.dot_general(
        h, w_ref[...], (((1,), (0,)), ((), ())),
        preferred_element_type=jnp.float32,
    )
    out_ref[...] = h * dinv[:, None]


def _tc4_body(sp_ref, hs_ref, dinv_ref, b_ref, out_ref):
    dinv = dinv_ref[...]
    h = dinv[:, None] * (sp_ref[0] + sp_ref[1] + hs_ref[...]) + b_ref[...]
    col = lax.broadcasted_iota(jnp.int32, h.shape, 1)
    h = jnp.where(col < C_OUT, h, -1e30)
    m = jnp.max(h, axis=1, keepdims=True)
    e = jnp.exp(h - m)
    ls = (h - m) - jnp.log(jnp.sum(e, axis=1, keepdims=True))
    out_ref[...] = ls[:N, :C_OUT]


def _tc0(x, W1):
    return pl.pallas_call(
        _tc0_body,
        out_shape=jax.ShapeDtypeStruct((NP, F1), jnp.float32),
    )(x, W1)


def _tc1(h1, degp):
    return pl.pallas_call(
        _tc1_body,
        out_shape=[
            jax.ShapeDtypeStruct((NP, F1), jnp.float32),
            jax.ShapeDtypeStruct((NP,), jnp.float32),
        ],
    )(h1, degp)


def _tc_mid(sp, hs, dinv, b2d, W, fout):
    return pl.pallas_call(
        _tc_mid_body,
        out_shape=jax.ShapeDtypeStruct((NP, fout), jnp.float32),
    )(sp, hs, dinv, b2d, W)


def _tc4(sp, hs, dinv, b2d):
    return pl.pallas_call(
        _tc4_body,
        out_shape=jax.ShapeDtypeStruct((N, C_OUT), jnp.float32),
    )(sp, hs, dinv, b2d)


def kernel(x, edge_index, W1, b1, W2, b2, W3, b3):
    W3p = jnp.pad(W3, ((0, 0), (0, F3P - C_OUT)))
    b3p = jnp.pad(b3, (0, F3P - C_OUT)).reshape(1, F3P)

    degp = _deg_kernel(edge_index)
    h1 = _tc0(x, W1)
    h1s, dinv = _tc1(h1, degp)
    s1 = _prop16(h1s, edge_index)
    h2s = _tc_mid(s1, h1s, dinv, b1.reshape(1, F1), W2, F2)
    s2 = _prop32(h2s, edge_index)
    h3s = _tc_mid(s2, h2s, dinv, b2.reshape(1, F2), W3p, F3P)
    s3 = _prop48(h3s, edge_index)
    return _tc4(s3, h3s, dinv, b3p)

# --- scband reference (transcript-rebuilt; emitter-appended) ---
"""Pipeline reference for scband-feature-propagation-module-85641647882660 (READ-ONLY COPY).

The authoritative reference and input builder live on the scoring server;
editing this copy changes nothing except your own understanding.
"""

import jax, jax.numpy as jnp
import numpy as np

N = 10000
E = 320000
D_IN = 128
F1 = 16
F2 = 32
C_OUT = 40


def setup_inputs(seed: int = 0) -> dict:
    key = jax.random.key(seed)
    ks = jax.random.split(key, 8)
    x = jax.random.normal(ks[0], (N, D_IN), dtype=jnp.float32)
    edge_index = jax.random.randint(ks[1], (2, E), 0, N, dtype=jnp.int32)
    W1 = jax.random.normal(ks[2], (D_IN, F1), dtype=jnp.float32) * (1.0 / np.sqrt(D_IN))
    b1 = jnp.zeros((F1,), dtype=jnp.float32)
    W2 = jax.random.normal(ks[3], (F1, F2), dtype=jnp.float32) * (1.0 / np.sqrt(F1))
    b2 = jnp.zeros((F2,), dtype=jnp.float32)
    W3 = jax.random.normal(ks[4], (F2, C_OUT), dtype=jnp.float32) * (1.0 / np.sqrt(F2))
    b3 = jnp.zeros((C_OUT,), dtype=jnp.float32)
    return {"x": x, "edge_index": edge_index, "W1": W1, "b1": b1, "W2": W2, "b2": b2, "W3": W3, "b3": b3}


def gcn_layer(x, edge_index, W, b):
    # GCNConv: add self-loops, symmetric normalization, linear transform, aggregate, bias.
    n = x.shape[0]
    src = edge_index[0]
    dst = edge_index[1]
    loop = jnp.arange(n, dtype=src.dtype)
    src = jnp.concatenate([src, loop])
    dst = jnp.concatenate([dst, loop])
    deg = jnp.zeros((n,), dtype=x.dtype).at[dst].add(1.0)
    deg_inv_sqrt = jnp.where(deg > 0, jax.lax.rsqrt(jnp.maximum(deg, 1e-12)), 0.0)
    norm = deg_inv_sqrt[src] * deg_inv_sqrt[dst]
    h = x @ W
    msg = h[src] * norm[:, None]
    out = jnp.zeros((n, W.shape[1]), dtype=x.dtype).at[dst].add(msg)
    return out + b


def reference(x, edge_index, W1, b1, W2, b2, W3, b3):
    # training=False -> dropout is identity
    h1 = jax.nn.relu(gcn_layer(x, edge_index, W1, b1))
    h2 = jax.nn.relu(gcn_layer(h1, edge_index, W2, b2))
    h3 = gcn_layer(h2, edge_index, W3, b3)
    return jax.nn.log_softmax(h3, axis=1)

if __name__ == "__main__":
    import jax
    _d = setup_inputs()
    print(jax.jit(kernel)(*tuple(_d.values())))

</pallas_src>

<mosaic_0001>
#map = affine_map<(d0, d1) -> (0, 0)>
#map1 = affine_map<(d0, d1) -> (0, 0, 0)>
module attributes {stable_mosaic.version = 14 : i64} {
  func.func @prop(%arg0: i32, %arg1: i32, %arg2: memref<10112x32xf32, #tpu.memory_space<hbm>>, %arg3: memref<2x320000xi32, #tpu.memory_space<hbm>>, %arg4: memref<2x10112x32xf32, #tpu.memory_space<hbm>>, %arg5: memref<10000xi32, #tpu.memory_space<vmem>>, %arg6: memref<10000xi32, #tpu.memory_space<vmem>>, %arg7: memref<2000x32xf32, #tpu.memory_space<vmem>>, %arg8: memref<160x32xf32, #tpu.memory_space<vmem>>, %arg9: memref<10112x32xf32, #tpu.memory_space<vmem_shared>>, %arg10: memref<!tpu.dma_semaphore, #tpu.memory_space<semaphore_mem>>, %arg11: memref<!tpu.dma_semaphore, #tpu.memory_space<semaphore_mem>>) attributes {dimension_semantics = [#tpu.dimension_semantics<core_parallel>, #tpu.dimension_semantics<subcore_parallel>], iteration_bounds = array<i64: 2, 16>, scalar_prefetch = 0 : i64, scratch_operands = 7 : i64, tpu.core_type = #tpu.core_type<sc_vector_subcore>, window_params = [{transform_indices = #map}, {transform_indices = #map}, {transform_indices = #map1}]} {
    %mul3A = arith.constant 2 : i32
    %mul3A_0 = arith.muli %arg1, %mul3A : i32
    %add3A = arith.addi %mul3A_0, %arg0 : i32
    %broadcast_in_dim3A = arith.constant 0.000000e+00 : f32
    %broadcast_in_dim3A_1 = vector.broadcast %broadcast_in_dim3A : f32 to vector<16xf32>
    %scan3A = arith.constant 0 : i32
    %scan3A_2 = arith.constant 0 : i32
    %scan3A_3 = arith.constant 160 : i32
    %scan3A_4 = arith.addi %scan3A_2, %scan3A_3 : i32
    %scan3A_5 = arith.constant 4 : i32
    scf.for %scan3A_66 = %scan3A_2 to %scan3A_4 step %scan3A_5  : i32 {
      %swap3A = arith.index_cast %scan3A_66 : i32 to index
      %swap3A_67 = arith.constant 0 : index
      %swap3A_68 = tpu.vector_load %arg8[%swap3A, %swap3A_67] {strides = array<i32>} : memref<160x32xf32, #tpu.memory_space<vmem>>, vector<1x16xf32>,
      %swap3A_69 = vector.shape_cast %swap3A_68 : vector<1x16xf32> to vector<16xf32>
      %swap3A_70 = vector.shape_cast %broadcast_in_dim3A_1 : vector<16xf32> to vector<1x16xf32>
      tpu.vector_store %arg8[%swap3A, %swap3A_67], %swap3A_70 {strides = array<i32>} : memref<160x32xf32, #tpu.memory_space<vmem>>, vector<1x16xf32>,
      %swap3A_71 = arith.index_cast %scan3A_66 : i32 to index
      %swap3A_72 = arith.constant 16 : index
      %swap3A_73 = tpu.vector_load %arg8[%swap3A_71, %swap3A_72] {strides = array<i32>} : memref<160x32xf32, #tpu.memory_space<vmem>>, vector<1x16xf32>,
      %swap3A_74 = vector.shape_cast %swap3A_73 : vector<1x16xf32> to vector<16xf32>
      %swap3A_75 = vector.shape_cast %broadcast_in_dim3A_1 : vector<16xf32> to vector<1x16xf32>
      tpu.vector_store %arg8[%swap3A_71, %swap3A_72], %swap3A_75 {strides = array<i32>} : memref<160x32xf32, #tpu.memory_space<vmem>>, vector<1x16xf32>,
      %scan3A_76 = arith.constant 1 : i32
      %scan3A_77 = arith.addi %scan3A_66, %scan3A_76 : i32
      %swap3A_78 = arith.index_cast %scan3A_77 : i32 to index
      %swap3A_79 = arith.constant 0 : index
      %swap3A_80 = tpu.vector_load %arg8[%swap3A_78, %swap3A_79] {strides = array<i32>} : memref<160x32xf32, #tpu.memory_space<vmem>>, vector<1x16xf32>,
      %swap3A_81 = vector.shape_cast %swap3A_80 : vector<1x16xf32> to vector<16xf32>
      %swap3A_82 = vector.shape_cast %broadcast_in_dim3A_1 : vector<16xf32> to vector<1x16xf32>
      tpu.vector_store %arg8[%swap3A_78, %swap3A_79], %swap3A_82 {strides = array<i32>} : memref<160x32xf32, #tpu.memory_space<vmem>>, vector<1x16xf32>,
      %swap3A_83 = arith.index_cast %scan3A_77 : i32 to index
      %swap3A_84 = arith.constant 16 : index
      %swap3A_85 = tpu.vector_load %arg8[%swap3A_83, %swap3A_84] {strides = array<i32>} : memref<160x32xf32, #tpu.memory_space<vmem>>, vector<1x16xf32>,
      %swap3A_86 = vector.shape_cast %swap3A_85 : vector<1x16xf32> to vector<16xf32>
      %swap3A_87 = vector.shape_cast %broadcast_in_dim3A_1 : vector<16xf32> to vector<1x16xf32>
      tpu.vector_store %arg8[%swap3A_83, %swap3A_84], %swap3A_87 {strides = array<i32>} : memref<160x32xf32, #tpu.memory_space<vmem>>, vector<1x16xf32>,
      %scan3A_88 = arith.constant 2 : i32
      %scan3A_89 = arith.addi %scan3A_66, %scan3A_88 : i32
      %swap3A_90 = arith.index_cast %scan3A_89 : i32 to index
      %swap3A_91 = arith.constant 0 : index
      %swap3A_92 = tpu.vector_load %arg8[%swap3A_90, %swap3A_91] {strides = array<i32>} : memref<160x32xf32, #tpu.memory_space<vmem>>, vector<1x16xf32>,
      %swap3A_93 = vector.shape_cast %swap3A_92 : vector<1x16xf32> to vector<16xf32>
      %swap3A_94 = vector.shape_cast %broadcast_in_dim3A_1 : vector<16xf32> to vector<1x16xf32>
      tpu.vector_store %arg8[%swap3A_90, %swap3A_91], %swap3A_94 {strides = array<i32>} : memref<160x32xf32, #tpu.memory_space<vmem>>, vector<1x16xf32>,
      %swap3A_95 = arith.index_cast %scan3A_89 : i32 to index
      %swap3A_96 = arith.constant 16 : index
      %swap3A_97 = tpu.vector_load %arg8[%swap3A_95, %swap3A_96] {strides = array<i32>} : memref<160x32xf32, #tpu.memory_space<vmem>>, vector<1x16xf32>,
      %swap3A_98 = vector.shape_cast %swap3A_97 : vector<1x16xf32> to vector<16xf32>
      %swap3A_99 = vector.shape_cast %broadcast_in_dim3A_1 : vector<16xf32> to vector<1x16xf32>
      tpu.vector_store %arg8[%swap3A_95, %swap3A_96], %swap3A_99 {strides = array<i32>} : memref<160x32xf32, #tpu.memory_space<vmem>>, vector<1x16xf32>,
      %scan3A_100 = arith.constant 3 : i32
      %scan3A_101 = arith.addi %scan3A_66, %scan3A_100 : i32
      %swap3A_102 = arith.index_cast %scan3A_101 : i32 to index
      %swap3A_103 = arith.constant 0 : index
      %swap3A_104 = tpu.vector_load %arg8[%swap3A_102, %swap3A_103] {strides = array<i32>} : memref<160x32xf32, #tpu.memory_space<vmem>>, vector<1x16xf32>,
      %swap3A_105 = vector.shape_cast %swap3A_104 : vector<1x16xf32> to vector<16xf32>
      %swap3A_106 = vector.shape_cast %broadcast_in_dim3A_1 : vector<16xf32> to vector<1x16xf32>
      tpu.vector_store %arg8[%swap3A_102, %swap3A_103], %swap3A_106 {strides = array<i32>} : memref<160x32xf32, #tpu.memory_space<vmem>>, vector<1x16xf32>,
      %swap3A_107 = arith.index_cast %scan3A_101 : i32 to index
      %swap3A_108 = arith.constant 16 : index
      %swap3A_109 = tpu.vector_load %arg8[%swap3A_107, %swap3A_108] {strides = array<i32>} : memref<160x32xf32, #tpu.memory_space<vmem>>, vector<1x16xf32>,
      %swap3A_110 = vector.shape_cast %swap3A_109 : vector<1x16xf32> to vector<16xf32>
      %swap3A_111 = vector.shape_cast %broadcast_in_dim3A_1 : vector<16xf32> to vector<1x16xf32>
      tpu.vector_store %arg8[%swap3A_107, %swap3A_108], %swap3A_111 {strides = array<i32>} : memref<160x32xf32, #tpu.memory_space<vmem>>, vector<1x16xf32>,
    }
    %scan3A_6 = arith.constant 160 : i32
    %mul3A_7 = arith.constant 632 : i32
    %mul3A_8 = arith.muli %arg1, %mul3A_7 : i32
    %add3A_9 = arith.constant 0 : i32
    %add3A_10 = arith.addi %mul3A_8, %add3A_9 : i32
    "tpu.region"() ({
      %run_scoped3A_66 = tpu.sem_alloc : memref<!tpu.dma_semaphore, #tpu.memory_space<semaphore_mem>>
      %dma_start3A_67 = arith.constant 0 : i32
      %dma_start3A_68 = arith.constant 0 : i32
      %dma_start3A_69 = tpu.memref_slice %arg8[%dma_start3A_67, %dma_start3A_68] : memref<160x32xf32, #tpu.memory_space<vmem>> -> memref<160x32xf32, #tpu.memory_space<vmem>>
      %dma_start3A_70 = arith.constant 0 : i32
      %dma_start3A_71 = tpu.memref_slice %arg9[%add3A_10, %dma_start3A_70] : memref<10112x32xf32, #tpu.memory_space<vmem_shared>> -> memref<160x32xf32, #tpu.memory_space<vmem_shared>>
      %dma_start3A_72 = arith.constant 0 : i32
      %dma_start3A_73 = tpu.memref_slice %arg9[%add3A_10, %dma_start3A_72] : memref<10112x32xf32, #tpu.memory_space<vmem_shared>> -> memref<160x32xf32, #tpu.memory_space<vmem_shared>>
      %dma_start3A_74 = arith.constant 0 : i32
      %dma_start3A_75 = arith.constant 0 : i32
      %dma_start3A_76 = tpu.memref_slice %arg8[%dma_start3A_74, %dma_start3A_75] : memref<160x32xf32, #tpu.memory_space<vmem>> -> memref<160x32xf32, #tpu.memory_space<vmem>>
      tpu.enqueue_dma source(%dma_start3A_76 : memref<160x32xf32, #tpu.memory_space<vmem>>) target(%dma_start3A_73 : memref<160x32xf32, #tpu.memory_space<vmem_shared>>) target_semaphore(%run_scoped3A_66 : memref<!tpu.dma_semaphore, #tpu.memory_space<semaphore_mem>>)
      %dma_wait3A_77 = arith.constant 0 : i32
      %dma_wait3A_78 = arith.constant 0 : i32
      %dma_wait3A_79 = tpu.memref_slice %arg8[%dma_wait3A_77, %dma_wait3A_78] : memref<160x32xf32, #tpu.memory_space<vmem>> -> memref<160x32xf32, #tpu.memory_space<vmem>>
      %dma_wait3A_80 = arith.constant 0 : i32
      %dma_wait3A_81 = tpu.memref_slice %arg9[%add3A_10, %dma_wait3A_80] : memref<10112x32xf32, #tpu.memory_space<vmem_shared>> -> memref<160x32xf32, #tpu.memory_space<vmem_shared>>
      %dma_wait3A_82 = arith.constant 0 : i32
      %dma_wait3A_83 = tpu.memref_slice %arg9[%add3A_10, %dma_wait3A_82] : memref<10112x32xf32, #tpu.memory_space<vmem_shared>> -> memref<160x32xf32, #tpu.memory_space<vmem_shared>>
      %dma_wait3A_84 = arith.constant 0 : i32
      %dma_wait3A_85 = arith.constant 0 : i32
      %dma_wait3A_86 = tpu.memref_slice %arg8[%dma_wait3A_84, %dma_wait3A_85] : memref<160x32xf32, #tpu.memory_space<vmem>> -> memref<160x32xf32, #tpu.memory_space<vmem>>
      tpu.wait_dma2 semaphore(%run_scoped3A_66 : memref<!tpu.dma_semaphore, #tpu.memory_space<semaphore_mem>>) src(%dma_wait3A_86 : memref<160x32xf32, #tpu.memory_space<vmem>>) dst(%dma_wait3A_83 : memref<160x32xf32, #tpu.memory_space<vmem_shared>>)
      tpu.yield
    }) : () -> ()
    %add3A_11 = arith.constant 160 : i32
    %add3A_12 = arith.addi %mul3A_8, %add3A_11 : i32
    "tpu.region"() ({
      %run_scoped3A_66 = tpu.sem_alloc : memref<!tpu.dma_semaphore, #tpu.memory_space<semaphore_mem>>
      %dma_start3A_67 = arith.constant 0 : i32
      %dma_start3A_68 = arith.constant 0 : i32
      %dma_start3A_69 = tpu.memref_slice %arg8[%dma_start3A_67, %dma_start3A_68] : memref<160x32xf32, #tpu.memory_space<vmem>> -> memref<160x32xf32, #tpu.memory_space<vmem>>
      %dma_start3A_70 = arith.constant 0 : i32
      %dma_start3A_71 = tpu.memref_slice %arg9[%add3A_12, %dma_start3A_70] : memref<10112x32xf32, #tpu.memory_space<vmem_shared>> -> memref<160x32xf32, #tpu.memory_space<vmem_shared>>
      %dma_start3A_72 = arith.constant 0 : i32
      %dma_start3A_73 = tpu.memref_slice %arg9[%add3A_12, %dma_start3A_72] : memref<10112x32xf32, #tpu.memory_space<vmem_shared>> -> memref<160x32xf32, #tpu.memory_space<vmem_shared>>
      %dma_start3A_74 = arith.constant 0 : i32
      %dma_start3A_75 = arith.constant 0 : i32
      %dma_start3A_76 = tpu.memref_slice %arg8[%dma_start3A_74, %dma_start3A_75] : memref<160x32xf32, #tpu.memory_space<vmem>> -> memref<160x32xf32, #tpu.memory_space<vmem>>
      tpu.enqueue_dma source(%dma_start3A_76 : memref<160x32xf32, #tpu.memory_space<vmem>>) target(%dma_start3A_73 : memref<160x32xf32, #tpu.memory_space<vmem_shared>>) target_semaphore(%run_scoped3A_66 : memref<!tpu.dma_semaphore, #tpu.memory_space<semaphore_mem>>)
      %dma_wait3A_77 = arith.constant 0 : i32
      %dma_wait3A_78 = arith.constant 0 : i32
      %dma_wait3A_79 = tpu.memref_slice %arg8[%dma_wait3A_77, %dma_wait3A_78] : memref<160x32xf32, #tpu.memory_space<vmem>> -> memref<160x32xf32, #tpu.memory_space<vmem>>
      %dma_wait3A_80 = arith.constant 0 : i32
      %dma_wait3A_81 = tpu.memref_slice %arg9[%add3A_12, %dma_wait3A_80] : memref<10112x32xf32, #tpu.memory_space<vmem_shared>> -> memref<160x32xf32, #tpu.memory_space<vmem_shared>>
      %dma_wait3A_82 = arith.constant 0 : i32
      %dma_wait3A_83 = tpu.memref_slice %arg9[%add3A_12, %dma_wait3A_82] : memref<10112x32xf32, #tpu.memory_space<vmem_shared>> -> memref<160x32xf32, #tpu.memory_space<vmem_shared>>
      %dma_wait3A_84 = arith.constant 0 : i32
      %dma_wait3A_85 = arith.constant 0 : i32
      %dma_wait3A_86 = tpu.memref_slice %arg8[%dma_wait3A_84, %dma_wait3A_85] : memref<160x32xf32, #tpu.memory_space<vmem>> -> memref<160x32xf32, #tpu.memory_space<vmem>>
      tpu.wait_dma2 semaphore(%run_scoped3A_66 : memref<!tpu.dma_semaphore, #tpu.memory_space<semaphore_mem>>) src(%dma_wait3A_86 : memref<160x32xf32, #tpu.memory_space<vmem>>) dst(%dma_wait3A_83 : memref<160x32xf32, #tpu.memory_space<vmem_shared>>)
      tpu.yield
    }) : () -> ()
    %add3A_13 = arith.constant 320 : i32
    %add3A_14 = arith.addi %mul3A_8, %add3A_13 : i32
    "tpu.region"() ({
      %run_scoped3A_66 = tpu.sem_alloc : memref<!tpu.dma_semaphore, #tpu.memory_space<semaphore_mem>>
      %dma_start3A_67 = arith.constant 0 : i32
      %dma_start3A_68 = arith.constant 0 : i32
      %dma_start3A_69 = tpu.memref_slice %arg8[%dma_start3A_67, %dma_start3A_68] : memref<160x32xf32, #tpu.memory_space<vmem>> -> memref<160x32xf32, #tpu.memory_space<vmem>>
      %dma_start3A_70 = arith.constant 0 : i32
      %dma_start3A_71 = tpu.memref_slice %arg9[%add3A_14, %dma_start3A_70] : memref<10112x32xf32, #tpu.memory_space<vmem_shared>> -> memref<160x32xf32, #tpu.memory_space<vmem_shared>>
      %dma_start3A_72 = arith.constant 0 : i32
      %dma_start3A_73 = tpu.memref_slice %arg9[%add3A_14, %dma_start3A_72] : memref<10112x32xf32, #tpu.memory_space<vmem_shared>> -> memref<160x32xf32, #tpu.memory_space<vmem_shared>>
      %dma_start3A_74 = arith.constant 0 : i32
      %dma_start3A_75 = arith.constant 0 : i32
      %dma_start3A_76 = tpu.memref_slice %arg8[%dma_start3A_74, %dma_start3A_75] : memref<160x32xf32, #tpu.memory_space<vmem>> -> memref<160x32xf32, #tpu.memory_space<vmem>>
      tpu.enqueue_dma source(%dma_start3A_76 : memref<160x32xf32, #tpu.memory_space<vmem>>) target(%dma_start3A_73 : memref<160x32xf32, #tpu.memory_space<vmem_shared>>) target_semaphore(%run_scoped3A_66 : memref<!tpu.dma_semaphore, #tpu.memory_space<semaphore_mem>>)
      %dma_wait3A_77 = arith.constant 0 : i32
      %dma_wait3A_78 = arith.constant 0 : i32
      %dma_wait3A_79 = tpu.memref_slice %arg8[%dma_wait3A_77, %dma_wait3A_78] : memref<160x32xf32, #tpu.memory_space<vmem>> -> memref<160x32xf32, #tpu.memory_space<vmem>>
      %dma_wait3A_80 = arith.constant 0 : i32
      %dma_wait3A_81 = tpu.memref_slice %arg9[%add3A_14, %dma_wait3A_80] : memref<10112x32xf32, #tpu.memory_space<vmem_shared>> -> memref<160x32xf32, #tpu.memory_space<vmem_shared>>
      %dma_wait3A_82 = arith.constant 0 : i32
      %dma_wait3A_83 = tpu.memref_slice %arg9[%add3A_14, %dma_wait3A_82] : memref<10112x32xf32, #tpu.memory_space<vmem_shared>> -> memref<160x32xf32, #tpu.memory_space<vmem_shared>>
      %dma_wait3A_84 = arith.constant 0 : i32
      %dma_wait3A_85 = arith.constant 0 : i32
      %dma_wait3A_86 = tpu.memref_slice %arg8[%dma_wait3A_84, %dma_wait3A_85] : memref<160x32xf32, #tpu.memory_space<vmem>> -> memref<160x32xf32, #tpu.memory_space<vmem>>
      tpu.wait_dma2 semaphore(%run_scoped3A_66 : memref<!tpu.dma_semaphore, #tpu.memory_space<semaphore_mem>>) src(%dma_wait3A_86 : memref<160x32xf32, #tpu.memory_space<vmem>>) dst(%dma_wait3A_83 : memref<160x32xf32, #tpu.memory_space<vmem_shared>>)
      tpu.yield
    }) : () -> ()
    %add3A_15 = arith.constant 480 : i32
    %add3A_16 = arith.addi %mul3A_8, %add3A_15 : i32
    "tpu.region"() ({
      %run_scoped3A_66 = tpu.sem_alloc : memref<!tpu.dma_semaphore, #tpu.memory_space<semaphore_mem>>
      %dma_start3A_67 = arith.constant 0 : i32
      %dma_start3A_68 = arith.constant 0 : i32
      %dma_start3A_69 = tpu.memref_slice %arg8[%dma_start3A_67, %dma_start3A_68] : memref<160x32xf32, #tpu.memory_space<vmem>> -> memref<152x32xf32, #tpu.memory_space<vmem>>
      %dma_start3A_70 = arith.constant 0 : i32
      %dma_start3A_71 = tpu.memref_slice %arg9[%add3A_16, %dma_start3A_70] : memref<10112x32xf32, #tpu.memory_space<vmem_shared>> -> memref<152x32xf32, #tpu.memory_space<vmem_shared>>
      %dma_start3A_72 = arith.constant 0 : i32
      %dma_start3A_73 = tpu.memref_slice %arg9[%add3A_16, %dma_start3A_72] : memref<10112x32xf32, #tpu.memory_space<vmem_shared>> -> memref<152x32xf32, #tpu.memory_space<vmem_shared>>
      %dma_start3A_74 = arith.constant 0 : i32
      %dma_start3A_75 = arith.constant 0 : i32
      %dma_start3A_76 = tpu.memref_slice %arg8[%dma_start3A_74, %dma_start3A_75] : memref<160x32xf32, #tpu.memory_space<vmem>> -> memref<152x32xf32, #tpu.memory_space<vmem>>
      tpu.enqueue_dma source(%dma_start3A_76 : memref<152x32xf32, #tpu.memory_space<vmem>>) target(%dma_start3A_73 : memref<152x32xf32, #tpu.memory_space<vmem_shared>>) target_semaphore(%run_scoped3A_66 : memref<!tpu.dma_semaphore, #tpu.memory_space<semaphore_mem>>)
      %dma_wait3A_77 = arith.constant 0 : i32
      %dma_wait3A_78 = arith.constant 0 : i32
      %dma_wait3A_79 = tpu.memref_slice %arg8[%dma_wait3A_77, %dma_wait3A_78] : memref<160x32xf32, #tpu.memory_space<vmem>> -> memref<152x32xf32, #tpu.memory_space<vmem>>
      %dma_wait3A_80 = arith.constant 0 : i32
      %dma_wait3A_81 = tpu.memref_slice %arg9[%add3A_16, %dma_wait3A_80] : memref<10112x32xf32, #tpu.memory_space<vmem_shared>> -> memref<152x32xf32, #tpu.memory_space<vmem_shared>>
      %dma_wait3A_82 = arith.constant 0 : i32
      %dma_wait3A_83 = tpu.memref_slice %arg9[%add3A_16, %dma_wait3A_82] : memref<10112x32xf32, #tpu.memory_space<vmem_shared>> -> memref<152x32xf32, #tpu.memory_space<vmem_shared>>
      %dma_wait3A_84 = arith.constant 0 : i32
      %dma_wait3A_85 = arith.constant 0 : i32
      %dma_wait3A_86 = tpu.memref_slice %arg8[%dma_wait3A_84, %dma_wait3A_85] : memref<160x32xf32, #tpu.memory_space<vmem>> -> memref<152x32xf32, #tpu.memory_space<vmem>>
      tpu.wait_dma2 semaphore(%run_scoped3A_66 : memref<!tpu.dma_semaphore, #tpu.memory_space<semaphore_mem>>) src(%dma_wait3A_86 : memref<152x32xf32, #tpu.memory_space<vmem>>) dst(%dma_wait3A_83 : memref<152x32xf32, #tpu.memory_space<vmem_shared>>)
      tpu.yield
    }) : () -> ()
    %barrier3A = arith.constant 0 : index
    tpu.barrier barrier_id(%barrier3A)
    %mul3A_17 = arith.constant 10000 : i32
    %mul3A_18 = arith.muli %add3A, %mul3A_17 : i32
    %run_scoped3A = arith.constant 0 : i32
    "tpu.region"() ({
      %run_scoped3A_66 = tpu.sem_alloc : memref<!tpu.dma_semaphore, #tpu.memory_space<semaphore_mem>>
      %dma_start3A_67 = tpu.memref_slice %arg3[%run_scoped3A, %mul3A_18] : memref<2x320000xi32, #tpu.memory_space<hbm>> -> memref<1x10000xi32, #tpu.memory_space<hbm>>
      %dma_start3A_68 = tpu.memref_squeeze %dma_start3A_67 : memref<1x10000xi32, #tpu.memory_space<hbm>> -> memref<10000xi32, #tpu.memory_space<hbm>>
      %dma_start3A_69 = tpu.memref_slice %arg3[%run_scoped3A, %mul3A_18] : memref<2x320000xi32, #tpu.memory_space<hbm>> -> memref<1x10000xi32, #tpu.memory_space<hbm>>
      %dma_start3A_70 = tpu.memref_squeeze %dma_start3A_69 : memref<1x10000xi32, #tpu.memory_space<hbm>> -> memref<10000xi32, #tpu.memory_space<hbm>>
      tpu.enqueue_dma source(%dma_start3A_70 : memref<10000xi32, #tpu.memory_space<hbm>>) target(%arg5 : memref<10000xi32, #tpu.memory_space<vmem>>) target_semaphore(%run_scoped3A_66 : memref<!tpu.dma_semaphore, #tpu.memory_space<semaphore_mem>>)
      %dma_wait3A_71 = tpu.memref_slice %arg3[%run_scoped3A, %mul3A_18] : memref<2x320000xi32, #tpu.memory_space<hbm>> -> memref<1x10000xi32, #tpu.memory_space<hbm>>
      %dma_wait3A_72 = tpu.memref_squeeze %dma_wait3A_71 : memref<1x10000xi32, #tpu.memory_space<hbm>> -> memref<10000xi32, #tpu.memory_space<hbm>>
      %dma_wait3A_73 = tpu.memref_slice %arg3[%run_scoped3A, %mul3A_18] : memref<2x320000xi32, #tpu.memory_space<hbm>> -> memref<1x10000xi32, #tpu.memory_space<hbm>>
      %dma_wait3A_74 = tpu.memref_squeeze %dma_wait3A_73 : memref<1x10000xi32, #tpu.memory_space<hbm>> -> memref<10000xi32, #tpu.memory_space<hbm>>
      tpu.wait_dma2 semaphore(%run_scoped3A_66 : memref<!tpu.dma_semaphore, #tpu.memory_space<semaphore_mem>>) src(%dma_wait3A_74 : memref<10000xi32, #tpu.memory_space<hbm>>) dst(%arg5 : memref<10000xi32, #tpu.memory_space<vmem>>)
      tpu.yield
    }) : () -> ()
    %run_scoped3A_19 = arith.constant 1 : i32
    "tpu.region"() ({
      %run_scoped3A_66 = tpu.sem_alloc : memref<!tpu.dma_semaphore, #tpu.memory_space<semaphore_mem>>
      %dma_start3A_67 = tpu.memref_slice %arg3[%run_scoped3A_19, %mul3A_18] : memref<2x320000xi32, #tpu.memory_space<hbm>> -> memref<1x10000xi32, #tpu.memory_space<hbm>>
      %dma_start3A_68 = tpu.memref_squeeze %dma_start3A_67 : memref<1x10000xi32, #tpu.memory_space<hbm>> -> memref<10000xi32, #tpu.memory_space<hbm>>
      %dma_start3A_69 = tpu.memref_slice %arg3[%run_scoped3A_19, %mul3A_18] : memref<2x320000xi32, #tpu.memory_space<hbm>> -> memref<1x10000xi32, #tpu.memory_space<hbm>>
      %dma_start3A_70 = tpu.memref_squeeze %dma_start3A_69 : memref<1x10000xi32, #tpu.memory_space<hbm>> -> memref<10000xi32, #tpu.memory_space<hbm>>
      tpu.enqueue_dma source(%dma_start3A_70 : memref<10000xi32, #tpu.memory_space<hbm>>) target(%arg6 : memref<10000xi32, #tpu.memory_space<vmem>>) target_semaphore(%run_scoped3A_66 : memref<!tpu.dma_semaphore, #tpu.memory_space<semaphore_mem>>)
      %dma_wait3A_71 = tpu.memref_slice %arg3[%run_scoped3A_19, %mul3A_18] : memref<2x320000xi32, #tpu.memory_space<hbm>> -> memref<1x10000xi32, #tpu.memory_space<hbm>>
      %dma_wait3A_72 = tpu.memref_squeeze %dma_wait3A_71 : memref<1x10000xi32, #tpu.memory_space<hbm>> -> memref<10000xi32, #tpu.memory_space<hbm>>
      %dma_wait3A_73 = tpu.memref_slice %arg3[%run_scoped3A_19, %mul3A_18] : memref<2x320000xi32, #tpu.memory_space<hbm>> -> memref<1x10000xi32, #tpu.memory_space<hbm>>
      %dma_wait3A_74 = tpu.memref_squeeze %dma_wait3A_73 : memref<1x10000xi32, #tpu.memory_space<hbm>> -> memref<10000xi32, #tpu.memory_space<hbm>>
      tpu.wait_dma2 semaphore(%run_scoped3A_66 : memref<!tpu.dma_semaphore, #tpu.memory_space<semaphore_mem>>) src(%dma_wait3A_74 : memref<10000xi32, #tpu.memory_space<hbm>>) dst(%arg6 : memref<10000xi32, #tpu.memory_space<vmem>>)
      tpu.yield
    }) : () -> ()
    %mul3A_20 = arith.constant 0 : i32
    %mul3A_21 = arith.constant 1 : i32
    %mul3A_22 = arith.muli %mul3A_20, %mul3A_21 : i32
    %add3A_23 = arith.constant 0 : i32
    %add3A_24 = arith.addi %mul3A_22, %add3A_23 : i32
    %min3A = arith.constant 9 : i32
    %min3A_25 = arith.minsi %add3A_24, %min3A : i32
    %mul3A_26 = arith.constant 1000 : i32
    %mul3A_27 = arith.muli %min3A_25, %mul3A_26 : i32
    %mul3A_28 = arith.constant 0 : i32
    %mul3A_29 = arith.constant 1 : i32
    %mul3A_30 = arith.muli %mul3A_28, %mul3A_29 : i32
    %add3A_31 = arith.constant 0 : i32
    %add3A_32 = arith.addi %mul3A_30, %add3A_31 : i32
    %mul3A_33 = arith.constant 1000 : i32
    %mul3A_34 = arith.muli %add3A_32, %mul3A_33 : i32
    %dma_start3A = arith.constant 0 : i32
    %dma_start3A_35 = tpu.memref_slice %arg7[%mul3A_34, %dma_start3A] : memref<2000x32xf32, #tpu.memory_space<vmem>> -> memref<1000x32xf32, #tpu.memory_space<vmem>>
    %dma_start3A_36 = tpu.memref_slice %arg5[%mul3A_27] : memref<10000xi32, #tpu.memory_space<vmem>> -> memref<1000xi32, #tpu.memory_space<vmem>>
    %dma_start3A_37 = arith.constant 0 : i32
    %dma_start3A_38 = arith.constant 0 : i32
    %dma_start3A_39 = tpu.memref_slice %arg2[%dma_start3A_37, %dma_start3A_38] : memref<10112x32xf32, #tpu.memory_space<hbm>> -> memref<10112x32xf32, #tpu.memory_space<hbm>>
    tpu.enqueue_indirect_dma source(%dma_start3A_39 : memref<10112x32xf32, #tpu.memory_space<hbm>>) target(%dma_start3A_35 : memref<1000x32xf32, #tpu.memory_space<vmem>>) offsets(%dma_start3A_36 : memref<1000xi32, #tpu.memory_space<vmem>>) semaphore(%arg10 : memref<!tpu.dma_semaphore, #tpu.memory_space<semaphore_mem>>)
    %scan3A_40 = arith.constant 0 : i32
    %scan3A_41 = arith.constant 0 : i32
    %scan3A_42 = arith.constant 10 : i32
    %scan3A_43 = arith.addi %scan3A_41, %scan3A_42 : i32
    %scan3A_44 = arith.constant 1 : i32
    scf.for %scan3A_66 = %scan3A_41 to %scan3A_43 step %scan3A_44  : i32 {
      %rem3A = arith.constant 2 : i32
      %rem3A_67 = arith.remsi %scan3A_66, %rem3A : i32
      %mul3A_68 = arith.constant 1 : i32
      %mul3A_69 = arith.muli %scan3A_66, %mul3A_68 : i32
      %add3A_70 = arith.constant 0 : i32
      %add3A_71 = arith.addi %mul3A_69, %add3A_70 : i32
      %mul3A_72 = arith.constant 1000 : i32
      %mul3A_73 = arith.muli %add3A_71, %mul3A_72 : i32
      %mul3A_74 = arith.constant 1 : i32
      %mul3A_75 = arith.muli %rem3A_67, %mul3A_74 : i32
      %add3A_76 = arith.constant 0 : i32
      %add3A_77 = arith.addi %mul3A_75, %add3A_76 : i32
      %mul3A_78 = arith.constant 1000 : i32
      %mul3A_79 = arith.muli %add3A_77, %mul3A_78 : i32
      %dma_wait3A_80 = arith.constant 0 : i32
      %dma_wait3A_81 = tpu.memref_slice %arg7[%mul3A_79, %dma_wait3A_80] : memref<2000x32xf32, #tpu.memory_space<vmem>> -> memref<1000x32xf32, #tpu.memory_space<vmem>>
      %dma_wait3A_82 = tpu.memref_slice %arg5[%mul3A_73] : memref<10000xi32, #tpu.memory_space<vmem>> -> memref<1000xi32, #tpu.memory_space<vmem>>
      %dma_wait3A_83 = arith.constant 0 : i32
      %dma_wait3A_84 = arith.constant 0 : i32
      %dma_wait3A_85 = tpu.memref_slice %arg2[%dma_wait3A_83, %dma_wait3A_84] : memref<10112x32xf32, #tpu.memory_space<hbm>> -> memref<10112x32xf32, #tpu.memory_space<hbm>>
      tpu.wait_indirect_dma semaphore(%arg10 : memref<!tpu.dma_semaphore, #tpu.memory_space<semaphore_mem>>) src(%dma_wait3A_85 : memref<10112x32xf32, #tpu.memory_space<hbm>>) dst(%dma_wait3A_81 : memref<1000x32xf32, #tpu.memory_space<vmem>>)
      %gt3A = arith.constant 0 : i32
      %gt3A_86 = arith.cmpi sgt, %scan3A_66, %gt3A : i32
      %convert_element_type3A = arith.extui %gt3A_86 : i1 to i32
      %cond3A = arith.constant 0 : i32
      %cond3A_87 = arith.cmpi ne, %convert_element_type3A, %cond3A : i32
      scf.if %cond3A_87 {
        %sub3A = arith.constant 1 : i32
        %sub3A_110 = arith.subi %scan3A_66, %sub3A : i32
        %sub3A_111 = arith.constant 1 : i32
        %sub3A_112 = arith.subi %sub3A_111, %rem3A_67 : i32
        %mul3A_113 = arith.constant 1 : i32
        %mul3A_114 = arith.muli %sub3A_110, %mul3A_113 : i32
        %add3A_115 = arith.constant 0 : i32
        %add3A_116 = arith.addi %mul3A_114, %add3A_115 : i32
        %mul3A_117 = arith.constant 1 : i32
        %mul3A_118 = arith.muli %sub3A_112, %mul3A_117 : i32
        %add3A_119 = arith.constant 0 : i32
        %add3A_120 = arith.addi %mul3A_118, %add3A_119 : i32
        %mul3A_121 = arith.constant 1000 : i32
        %mul3A_122 = arith.muli %add3A_120, %mul3A_121 : i32
        %mul3A_123 = arith.constant 1000 : i32
        %mul3A_124 = arith.muli %add3A_116, %mul3A_123 : i32
        %dma_wait3A_125 = arith.constant 0 : i32
        %dma_wait3A_126 = tpu.memref_slice %arg7[%mul3A_122, %dma_wait3A_125] : memref<2000x32xf32, #tpu.memory_space<vmem>> -> memref<1000x32xf32, #tpu.memory_space<vmem>>
        %dma_wait3A_127 = tpu.memref_slice %arg6[%mul3A_124] : memref<10000xi32, #tpu.memory_space<vmem>> -> memref<1000xi32, #tpu.memory_space<vmem>>
        %dma_wait3A_128 = arith.constant 0 : i32
        %dma_wait3A_129 = arith.constant 0 : i32
        %dma_wait3A_130 = tpu.memref_slice %arg9[%dma_wait3A_128, %dma_wait3A_129] : memref<10112x32xf32, #tpu.memory_space<vmem_shared>> -> memref<10112x32xf32, #tpu.memory_space<vmem_shared>>
        tpu.wait_indirect_dma semaphore(%arg11 : memref<!tpu.dma_semaphore, #tpu.memory_space<semaphore_mem>>) src(%dma_wait3A_126 : memref<1000x32xf32, #tpu.memory_space<vmem>>) dst(%dma_wait3A_130 : memref<10112x32xf32, #tpu.memory_space<vmem_shared>>)
      } else {
      }
      %lt3A = arith.constant 9 : i32
      %lt3A_88 = arith.cmpi slt, %scan3A_66, %lt3A : i32
      %convert_element_type3A_89 = arith.extui %lt3A_88 : i1 to i32
      %cond3A_90 = arith.constant 0 : i32
      %cond3A_91 = arith.cmpi ne, %convert_element_type3A_89, %cond3A_90 : i32
      scf.if %cond3A_91 {
        %add3A_110 = arith.constant 1 : i32
        %add3A_111 = arith.addi %scan3A_66, %add3A_110 : i32
        %sub3A = arith.constant 1 : i32
        %sub3A_112 = arith.subi %sub3A, %rem3A_67 : i32
        %mul3A_113 = arith.constant 1 : i32
        %mul3A_114 = arith.muli %add3A_111, %mul3A_113 : i32
        %add3A_115 = arith.constant 0 : i32
        %add3A_116 = arith.addi %mul3A_114, %add3A_115 : i32
        %min3A_117 = arith.constant 9 : i32
        %min3A_118 = arith.minsi %add3A_116, %min3A_117 : i32
        %mul3A_119 = arith.constant 1000 : i32
        %mul3A_120 = arith.muli %min3A_118, %mul3A_119 : i32
        %mul3A_121 = arith.constant 1 : i32
        %mul3A_122 = arith.muli %sub3A_112, %mul3A_121 : i32
        %add3A_123 = arith.constant 0 : i32
        %add3A_124 = arith.addi %mul3A_122, %add3A_123 : i32
        %mul3A_125 = arith.constant 1000 : i32
        %mul3A_126 = arith.muli %add3A_124, %mul3A_125 : i32
        %dma_start3A_127 = arith.constant 0 : i32
        %dma_start3A_128 = tpu.memref_slice %arg7[%mul3A_126, %dma_start3A_127] : memref<2000x32xf32, #tpu.memory_space<vmem>> -> memref<1000x32xf32, #tpu.memory_space<vmem>>
        %dma_start3A_129 = tpu.memref_slice %arg5[%mul3A_120] : memref<10000xi32, #tpu.memory_space<vmem>> -> memref<1000xi32, #tpu.memory_space<vmem>>
        %dma_start3A_130 = arith.constant 0 : i32
        %dma_start3A_131 = arith.constant 0 : i32
        %dma_start3A_132 = tpu.memref_slice %arg2[%dma_start3A_130, %dma_start3A_131] : memref<10112x32xf32, #tpu.memory_space<hbm>> -> memref<10112x32xf32, #tpu.memory_space<hbm>>
        tpu.enqueue_indirect_dma source(%dma_start3A_132 : memref<10112x32xf32, #tpu.memory_space<hbm>>) target(%dma_start3A_128 : memref<1000x32xf32, #tpu.memory_space<vmem>>) offsets(%dma_start3A_129 : memref<1000xi32, #tpu.memory_space<vmem>>) semaphore(%arg10 : memref<!tpu.dma_semaphore, #tpu.memory_space<semaphore_mem>>)
      } else {
      }
      %mul3A_92 = arith.constant 1 : i32
      %mul3A_93 = arith.muli %scan3A_66, %mul3A_92 : i32
      %add3A_94 = arith.constant 0 : i32
      %add3A_95 = arith.addi %mul3A_93, %add3A_94 : i32
      %mul3A_96 = arith.constant 1 : i32
      %mul3A_97 = arith.muli %rem3A_67, %mul3A_96 : i32
      %add3A_98 = arith.constant 0 : i32
      %add3A_99 = arith.addi %mul3A_97, %add3A_98 : i32
      %mul3A_100 = arith.constant 1000 : i32
      %mul3A_101 = arith.muli %add3A_99, %mul3A_100 : i32
      %mul3A_102 = arith.constant 1000 : i32
      %mul3A_103 = arith.muli %add3A_95, %mul3A_102 : i32
      %dma_start3A_104 = arith.constant 0 : i32
      %dma_start3A_105 = tpu.memref_slice %arg7[%mul3A_101, %dma_start3A_104] : memref<2000x32xf32, #tpu.memory_space<vmem>> -> memref<1000x32xf32, #tpu.memory_space<vmem>>
      %dma_start3A_106 = tpu.memref_slice %arg6[%mul3A_103] : memref<10000xi32, #tpu.memory_space<vmem>> -> memref<1000xi32, #tpu.memory_space<vmem>>
      %dma_start3A_107 = arith.constant 0 : i32
      %dma_start3A_108 = arith.constant 0 : i32
      %dma_start3A_109 = tpu.memref_slice %arg9[%dma_start3A_107, %dma_start3A_108] : memref<10112x32xf32, #tpu.memory_space<vmem_shared>> -> memref<10112x32xf32, #tpu.memory_space<vmem_shared>>
      tpu.enqueue_indirect_dma source(%dma_start3A_105 : memref<1000x32xf32, #tpu.memory_space<vmem>>) target(%dma_start3A_109 : memref<10112x32xf32, #tpu.memory_space<vmem_shared>>) offsets(%dma_start3A_106 : memref<1000xi32, #tpu.memory_space<vmem>>) semaphore(%arg11 : memref<!tpu.dma_semaphore, #tpu.memory_space<semaphore_mem>>) {add = true}
    }
    %scan3A_45 = arith.constant 10 : i32
    %mul3A_46 = arith.constant 9 : i32
    %mul3A_47 = arith.constant 1 : i32
    %mul3A_48 = arith.muli %mul3A_46, %mul3A_47 : i32
    %add3A_49 = arith.constant 0 : i32
    %add3A_50 = arith.addi %mul3A_48, %add3A_49 : i32
    %mul3A_51 = arith.constant 1 : i32
    %mul3A_52 = arith.constant 1 : i32
    %mul3A_53 = arith.muli %mul3A_51, %mul3A_52 : i32
    %add3A_54 = arith.constant 0 : i32
    %add3A_55 = arith.addi %mul3A_53, %add3A_54 : i32
    %mul3A_56 = arith.constant 1000 : i32
    %mul3A_57 = arith.muli %add3A_55, %mul3A_56 : i32
    %mul3A_58 = arith.constant 1000 : i32
    %mul3A_59 = arith.muli %add3A_50, %mul3A_58 : i32
    %dma_wait3A = arith.constant 0 : i32
    %dma_wait3A_60 = tpu.memref_slice %arg7[%mul3A_57, %dma_wait3A] : memref<2000x32xf32, #tpu.memory_space<vmem>> -> memref<1000x32xf32, #tpu.memory_space<vmem>>
    %dma_wait3A_61 = tpu.memref_slice %arg6[%mul3A_59] : memref<10000xi32, #tpu.memory_space<vmem>> -> memref<1000xi32, #tpu.memory_space<vmem>>
    %dma_wait3A_62 = arith.constant 0 : i32
    %dma_wait3A_63 = arith.constant 0 : i32
    %dma_wait3A_64 = tpu.memref_slice %arg9[%dma_wait3A_62, %dma_wait3A_63] : memref<10112x32xf32, #tpu.memory_space<vmem_shared>> -> memref<10112x32xf32, #tpu.memory_space<vmem_shared>>
    tpu.wait_indirect_dma semaphore(%arg11 : memref<!tpu.dma_semaphore, #tpu.memory_space<semaphore_mem>>) src(%dma_wait3A_60 : memref<1000x32xf32, #tpu.memory_space<vmem>>) dst(%dma_wait3A_64 : memref<10112x32xf32, #tpu.memory_space<vmem_shared>>)
    %barrier3A_65 = arith.constant 0 : index
    tpu.barrier barrier_id(%barrier3A_65)
    "tpu.region"() ({
      %run_scoped3A_66 = tpu.sem_alloc : memref<!tpu.dma_semaphore, #tpu.memory_space<semaphore_mem>>
      %dma_start3A_67 = arith.constant 0 : i32
      %dma_start3A_68 = tpu.memref_slice %arg4[%arg0, %mul3A_8, %dma_start3A_67] : memref<2x10112x32xf32, #tpu.memory_space<hbm>> -> memref<1x632x32xf32, #tpu.memory_space<hbm>>
      %dma_start3A_69 = tpu.memref_squeeze %dma_start3A_68 : memref<1x632x32xf32, #tpu.memory_space<hbm>> -> memref<632x32xf32, #tpu.memory_space<hbm>>
      %dma_start3A_70 = arith.constant 0 : i32
      %dma_start3A_71 = tpu.memref_slice %arg9[%mul3A_8, %dma_start3A_70] : memref<10112x32xf32, #tpu.memory_space<vmem_shared>> -> memref<632x32xf32, #tpu.memory_space<vmem_shared>>
      tpu.enqueue_dma source(%dma_start3A_71 : memref<632x32xf32, #tpu.memory_space<vmem_shared>>) target(%dma_start3A_69 : memref<632x32xf32, #tpu.memory_space<hbm>>) target_semaphore(%run_scoped3A_66 : memref<!tpu.dma_semaphore, #tpu.memory_space<semaphore_mem>>)
      %dma_wait3A_72 = arith.constant 0 : i32
      %dma_wait3A_73 = tpu.memref_slice %arg4[%arg0, %mul3A_8, %dma_wait3A_72] : memref<2x10112x32xf32, #tpu.memory_space<hbm>> -> memref<1x632x32xf32, #tpu.memory_space<hbm>>
      %dma_wait3A_74 = tpu.memref_squeeze %dma_wait3A_73 : memref<1x632x32xf32, #tpu.memory_space<hbm>> -> memref<632x32xf32, #tpu.memory_space<hbm>>
      %dma_wait3A_75 = arith.constant 0 : i32
      %dma_wait3A_76 = tpu.memref_slice %arg9[%mul3A_8, %dma_wait3A_75] : memref<10112x32xf32, #tpu.memory_space<vmem_shared>> -> memref<632x32xf32, #tpu.memory_space<vmem_shared>>
      tpu.wait_dma2 semaphore(%run_scoped3A_66 : memref<!tpu.dma_semaphore, #tpu.memory_space<semaphore_mem>>) src(%dma_wait3A_76 : memref<632x32xf32, #tpu.memory_space<vmem_shared>>) dst(%dma_wait3A_74 : memref<632x32xf32, #tpu.memory_space<hbm>>)
      tpu.yield
    }) : () -> ()
    return
  }
}

#map = affine_map<(d0, d1) -> (0, 0)>
#map1 = affine_map<(d0, d1) -> (0, 0, 0)>
module attributes {stable_mosaic.version = 14 : i64} {
  func.func @_deg_kernel(%arg0: i32, %arg1: i32, %arg2: memref<2x320000xi32, #tpu.memory_space<hbm>>, %arg3: memref<2x10112x16xf32, #tpu.memory_space<hbm>>, %arg4: memref<10000xi32, #tpu.memory_space<vmem>>, %arg5: memref<1000x16xf32, #tpu.memory_space<vmem>>, %arg6: memref<632x16xf32, #tpu.memory_space<vmem>>, %arg7: memref<10112x16xf32, #tpu.memory_space<vmem_shared>>) attributes {dimension_semantics = [#tpu.dimension_semantics<core_parallel>, #tpu.dimension_semantics<subcore_parallel>], iteration_bounds = array<i64: 2, 16>, scalar_prefetch = 0 : i64, scratch_operands = 4 : i64, tpu.core_type = #tpu.core_type<sc_vector_subcore>, window_params = [{transform_indices = #map}, {transform_indices = #map1}]} {
    %mul3A = arith.constant 2 : i32
    %mul3A_0 = arith.muli %arg1, %mul3A : i32
    %add3A = arith.addi %mul3A_0, %arg0 : i32
    %broadcast_in_dim3A = arith.constant 1.000000e+00 : f32
    %broadcast_in_dim3A_1 = vector.broadcast %broadcast_in_dim3A : f32 to vector<16xf32>
    %scan3A = arith.constant 0 : i32
    %scan3A_2 = arith.constant 0 : i32
    %scan3A_3 = arith.constant 1000 : i32
    %scan3A_4 = arith.addi %scan3A_2, %scan3A_3 : i32
    %scan3A_5 = arith.constant 4 : i32
    scf.for %scan3A_26 = %scan3A_2 to %scan3A_4 step %scan3A_5  : i32 {
      %swap3A = arith.index_cast %scan3A_26 : i32 to index
      %swap3A_27 = arith.constant 0 : index
      %swap3A_28 = tpu.vector_load %arg5[%swap3A, %swap3A_27] {strides = array<i32>} : memref<1000x16xf32, #tpu.memory_space<vmem>>, vector<1x16xf32>,
      %swap3A_29 = vector.shape_cast %swap3A_28 : vector<1x16xf32> to vector<16xf32>
      %swap3A_30 = vector.shape_cast %broadcast_in_dim3A_1 : vector<16xf32> to vector<1x16xf32>
      tpu.vector_store %arg5[%swap3A, %swap3A_27], %swap3A_30 {strides = array<i32>} : memref<1000x16xf32, #tpu.memory_space<vmem>>, vector<1x16xf32>,
      %scan3A_31 = arith.constant 1 : i32
      %scan3A_32 = arith.addi %scan3A_26, %scan3A_31 : i32
      %swap3A_33 = arith.index_cast %scan3A_32 : i32 to index
      %swap3A_34 = arith.constant 0 : index
      %swap3A_35 = tpu.vector_load %arg5[%swap3A_33, %swap3A_34] {strides = array<i32>} : memref<1000x16xf32, #tpu.memory_space<vmem>>, vector<1x16xf32>,
      %swap3A_36 = vector.shape_cast %swap3A_35 : vector<1x16xf32> to vector<16xf32>
      %swap3A_37 = vector.shape_cast %broadcast_in_dim3A_1 : vector<16xf32> to vector<1x16xf32>
      tpu.vector_store %arg5[%swap3A_33, %swap3A_34], %swap3A_37 {strides = array<i32>} : memref<1000x16xf32, #tpu.memory_space<vmem>>, vector<1x16xf32>,
      %scan3A_38 = arith.constant 2 : i32
      %scan3A_39 = arith.addi %scan3A_26, %scan3A_38 : i32
      %swap3A_40 = arith.index_cast %scan3A_39 : i32 to index
      %swap3A_41 = arith.constant 0 : index
      %swap3A_42 = tpu.vector_load %arg5[%swap3A_40, %swap3A_41] {strides = array<i32>} : memref<1000x16xf32, #tpu.memory_space<vmem>>, vector<1x16xf32>,
      %swap3A_43 = vector.shape_cast %swap3A_42 : vector<1x16xf32> to vector<16xf32>
      %swap3A_44 = vector.shape_cast %broadcast_in_dim3A_1 : vector<16xf32> to vector<1x16xf32>
      tpu.vector_store %arg5[%swap3A_40, %swap3A_41], %swap3A_44 {strides = array<i32>} : memref<1000x16xf32, #tpu.memory_space<vmem>>, vector<1x16xf32>,
      %scan3A_45 = arith.constant 3 : i32
      %scan3A_46 = arith.addi %scan3A_26, %scan3A_45 : i32
      %swap3A_47 = arith.index_cast %scan3A_46 : i32 to index
      %swap3A_48 = arith.constant 0 : index
      %swap3A_49 = tpu.vector_load %arg5[%swap3A_47, %swap3A_48] {strides = array<i32>} : memref<1000x16xf32, #tpu.memory_space<vmem>>, vector<1x16xf32>,
      %swap3A_50 = vector.shape_cast %swap3A_49 : vector<1x16xf32> to vector<16xf32>
      %swap3A_51 = vector.shape_cast %broadcast_in_dim3A_1 : vector<16xf32> to vector<1x16xf32>
      tpu.vector_store %arg5[%swap3A_47, %swap3A_48], %swap3A_51 {strides = array<i32>} : memref<1000x16xf32, #tpu.memory_space<vmem>>, vector<1x16xf32>,
    }
    %scan3A_6 = arith.constant 1000 : i32
    %broadcast_in_dim3A_7 = arith.constant 0.000000e+00 : f32
    %broadcast_in_dim3A_8 = vector.broadcast %broadcast_in_dim3A_7 : f32 to vector<16xf32>
    %scan3A_9 = arith.constant 0 : i32
    %scan3A_10 = arith.constant 0 : i32
    %scan3A_11 = arith.constant 632 : i32
    %scan3A_12 = arith.addi %scan3A_10, %scan3A_11 : i32
    %scan3A_13 = arith.constant 4 : i32
    scf.for %scan3A_26 = %scan3A_10 to %scan3A_12 step %scan3A_13  : i32 {
      %swap3A = arith.index_cast %scan3A_26 : i32 to index
      %swap3A_27 = arith.constant 0 : index
      %swap3A_28 = tpu.vector_load %arg6[%swap3A, %swap3A_27] {strides = array<i32>} : memref<632x16xf32, #tpu.memory_space<vmem>>, vector<1x16xf32>,
      %swap3A_29 = vector.shape_cast %swap3A_28 : vector<1x16xf32> to vector<16xf32>
      %swap3A_30 = vector.shape_cast %broadcast_in_dim3A_8 : vector<16xf32> to vector<1x16xf32>
      tpu.vector_store %arg6[%swap3A, %swap3A_27], %swap3A_30 {strides = array<i32>} : memref<632x16xf32, #tpu.memory_space<vmem>>, vector<1x16xf32>,
      %scan3A_31 = arith.constant 1 : i32
      %scan3A_32 = arith.addi %scan3A_26, %scan3A_31 : i32
      %swap3A_33 = arith.index_cast %scan3A_32 : i32 to index
      %swap3A_34 = arith.constant 0 : index
      %swap3A_35 = tpu.vector_load %arg6[%swap3A_33, %swap3A_34] {strides = array<i32>} : memref<632x16xf32, #tpu.memory_space<vmem>>, vector<1x16xf32>,
      %swap3A_36 = vector.shape_cast %swap3A_35 : vector<1x16xf32> to vector<16xf32>
      %swap3A_37 = vector.shape_cast %broadcast_in_dim3A_8 : vector<16xf32> to vector<1x16xf32>
      tpu.vector_store %arg6[%swap3A_33, %swap3A_34], %swap3A_37 {strides = array<i32>} : memref<632x16xf32, #tpu.memory_space<vmem>>, vector<1x16xf32>,
      %scan3A_38 = arith.constant 2 : i32
      %scan3A_39 = arith.addi %scan3A_26, %scan3A_38 : i32
      %swap3A_40 = arith.index_cast %scan3A_39 : i32 to index
      %swap3A_41 = arith.constant 0 : index
      %swap3A_42 = tpu.vector_load %arg6[%swap3A_40, %swap3A_41] {strides = array<i32>} : memref<632x16xf32, #tpu.memory_space<vmem>>, vector<1x16xf32>,
      %swap3A_43 = vector.shape_cast %swap3A_42 : vector<1x16xf32> to vector<16xf32>
      %swap3A_44 = vector.shape_cast %broadcast_in_dim3A_8 : vector<16xf32> to vector<1x16xf32>
      tpu.vector_store %arg6[%swap3A_40, %swap3A_41], %swap3A_44 {strides = array<i32>} : memref<632x16xf32, #tpu.memory_space<vmem>>, vector<1x16xf32>,
      %scan3A_45 = arith.constant 3 : i32
      %scan3A_46 = arith.addi %scan3A_26, %scan3A_45 : i32
      %swap3A_47 = arith.index_cast %scan3A_46 : i32 to index
      %swap3A_48 = arith.constant 0 : index
      %swap3A_49 = tpu.vector_load %arg6[%swap3A_47, %swap3A_48] {strides = array<i32>} : memref<632x16xf32, #tpu.memory_space<vmem>>, vector<1x16xf32>,
      %swap3A_50 = vector.shape_cast %swap3A_49 : vector<1x16xf32> to vector<16xf32>
      %swap3A_51 = vector.shape_cast %broadcast_in_dim3A_8 : vector<16xf32> to vector<1x16xf32>
      tpu.vector_store %arg6[%swap3A_47, %swap3A_48], %swap3A_51 {strides = array<i32>} : memref<632x16xf32, #tpu.memory_space<vmem>>, vector<1x16xf32>,
    }
    %scan3A_14 = arith.constant 632 : i32
    %mul3A_15 = arith.constant 632 : i32
    %mul3A_16 = arith.muli %arg1, %mul3A_15 : i32
    "tpu.region"() ({
      %run_scoped3A_26 = tpu.sem_alloc : memref<!tpu.dma_semaphore, #tpu.memory_space<semaphore_mem>>
      %dma_start3A = arith.constant 0 : i32
      %dma_start3A_27 = tpu.memref_slice %arg7[%mul3A_16, %dma_start3A] : memref<10112x16xf32, #tpu.memory_space<vmem_shared>> -> memref<632x16xf32, #tpu.memory_space<vmem_shared>>
      %dma_start3A_28 = arith.constant 0 : i32
      %dma_start3A_29 = tpu.memref_slice %arg7[%mul3A_16, %dma_start3A_28] : memref<10112x16xf32, #tpu.memory_space<vmem_shared>> -> memref<632x16xf32, #tpu.memory_space<vmem_shared>>
      tpu.enqueue_dma source(%arg6 : memref<632x16xf32, #tpu.memory_space<vmem>>) target(%dma_start3A_29 : memref<632x16xf32, #tpu.memory_space<vmem_shared>>) target_semaphore(%run_scoped3A_26 : memref<!tpu.dma_semaphore, #tpu.memory_space<semaphore_mem>>)
      %dma_wait3A = arith.constant 0 : i32
      %dma_wait3A_30 = tpu.memref_slice %arg7[%mul3A_16, %dma_wait3A] : memref<10112x16xf32, #tpu.memory_space<vmem_shared>> -> memref<632x16xf32, #tpu.memory_space<vmem_shared>>
      %dma_wait3A_31 = arith.constant 0 : i32
      %dma_wait3A_32 = tpu.memref_slice %arg7[%mul3A_16, %dma_wait3A_31] : memref<10112x16xf32, #tpu.memory_space<vmem_shared>> -> memref<632x16xf32, #tpu.memory_space<vmem_shared>>
      tpu.wait_dma2 semaphore(%run_scoped3A_26 : memref<!tpu.dma_semaphore, #tpu.memory_space<semaphore_mem>>) src(%arg6 : memref<632x16xf32, #tpu.memory_space<vmem>>) dst(%dma_wait3A_32 : memref<632x16xf32, #tpu.memory_space<vmem_shared>>)
      tpu.yield
    }) : () -> ()
    %barrier3A = arith.constant 0 : index
    tpu.barrier barrier_id(%barrier3A)
    %mul3A_17 = arith.constant 10000 : i32
    %mul3A_18 = arith.muli %add3A, %mul3A_17 : i32
    %run_scoped3A = arith.constant 1 : i32
    "tpu.region"() ({
      %run_scoped3A_26 = tpu.sem_alloc : memref<!tpu.dma_semaphore, #tpu.memory_space<semaphore_mem>>
      %dma_start3A = tpu.memref_slice %arg2[%run_scoped3A, %mul3A_18] : memref<2x320000xi32, #tpu.memory_space<hbm>> -> memref<1x10000xi32, #tpu.memory_space<hbm>>
      %dma_start3A_27 = tpu.memref_squeeze %dma_start3A : memref<1x10000xi32, #tpu.memory_space<hbm>> -> memref<10000xi32, #tpu.memory_space<hbm>>
      %dma_start3A_28 = tpu.memref_slice %arg2[%run_scoped3A, %mul3A_18] : memref<2x320000xi32, #tpu.memory_space<hbm>> -> memref<1x10000xi32, #tpu.memory_space<hbm>>
      %dma_start3A_29 = tpu.memref_squeeze %dma_start3A_28 : memref<1x10000xi32, #tpu.memory_space<hbm>> -> memref<10000xi32, #tpu.memory_space<hbm>>
      tpu.enqueue_dma source(%dma_start3A_29 : memref<10000xi32, #tpu.memory_space<hbm>>) target(%arg4 : memref<10000xi32, #tpu.memory_space<vmem>>) target_semaphore(%run_scoped3A_26 : memref<!tpu.dma_semaphore, #tpu.memory_space<semaphore_mem>>)
      %dma_wait3A = tpu.memref_slice %arg2[%run_scoped3A, %mul3A_18] : memref<2x320000xi32, #tpu.memory_space<hbm>> -> memref<1x10000xi32, #tpu.memory_space<hbm>>
      %dma_wait3A_30 = tpu.memref_squeeze %dma_wait3A : memref<1x10000xi32, #tpu.memory_space<hbm>> -> memref<10000xi32, #tpu.memory_space<hbm>>
      %dma_wait3A_31 = tpu.memref_slice %arg2[%run_scoped3A, %mul3A_18] : memref<2x320000xi32, #tpu.memory_space<hbm>> -> memref<1x10000xi32, #tpu.memory_space<hbm>>
      %dma_wait3A_32 = tpu.memref_squeeze %dma_wait3A_31 : memref<1x10000xi32, #tpu.memory_space<hbm>> -> memref<10000xi32, #tpu.memory_space<hbm>>
      tpu.wait_dma2 semaphore(%run_scoped3A_26 : memref<!tpu.dma_semaphore, #tpu.memory_space<semaphore_mem>>) src(%dma_wait3A_32 : memref<10000xi32, #tpu.memory_space<hbm>>) dst(%arg4 : memref<10000xi32, #tpu.memory_space<vmem>>)
      tpu.yield
    }) : () -> ()
    %scan3A_19 = arith.constant 0 : i32
    %scan3A_20 = arith.constant 0 : i32
    %scan3A_21 = arith.constant 10 : i32
    %scan3A_22 = arith.addi %scan3A_20, %scan3A_21 : i32
    %scan3A_23 = arith.constant 1 : i32
    scf.for %scan3A_26 = %scan3A_20 to %scan3A_22 step %scan3A_23  : i32 {
      %mul3A_27 = arith.constant 1000 : i32
      %mul3A_28 = arith.muli %scan3A_26, %mul3A_27 : i32
      "tpu.region"() ({
        %run_scoped3A_29 = tpu.sem_alloc : memref<!tpu.dma_semaphore, #tpu.memory_space<semaphore_mem>>
        %dma_start3A = tpu.memref_slice %arg4[%mul3A_28] : memref<10000xi32, #tpu.memory_space<vmem>> -> memref<1000xi32, #tpu.memory_space<vmem>>
        %dma_start3A_30 = arith.constant 0 : i32
        %dma_start3A_31 = arith.constant 0 : i32
        %dma_start3A_32 = tpu.memref_slice %arg7[%dma_start3A_30, %dma_start3A_31] : memref<10112x16xf32, #tpu.memory_space<vmem_shared>> -> memref<10112x16xf32, #tpu.memory_space<vmem_shared>>
        tpu.enqueue_indirect_dma source(%arg5 : memref<1000x16xf32, #tpu.memory_space<vmem>>) target(%dma_start3A_32 : memref<10112x16xf32, #tpu.memory_space<vmem_shared>>) offsets(%dma_start3A : memref<1000xi32, #tpu.memory_space<vmem>>) semaphore(%run_scoped3A_29 : memref<!tpu.dma_semaphore, #tpu.memory_space<semaphore_mem>>) {add = true}
        %dma_wait3A = tpu.memref_slice %arg4[%mul3A_28] : memref<10000xi32, #tpu.memory_space<vmem>> -> memref<1000xi32, #tpu.memory_space<vmem>>
        %dma_wait3A_33 = arith.constant 0 : i32
        %dma_wait3A_34 = arith.constant 0 : i32
        %dma_wait3A_35 = tpu.memref_slice %arg7[%dma_wait3A_33, %dma_wait3A_34] : memref<10112x16xf32, #tpu.memory_space<vmem_shared>> -> memref<10112x16xf32, #tpu.memory_space<vmem_shared>>
        tpu.wait_indirect_dma semaphore(%run_scoped3A_29 : memref<!tpu.dma_semaphore, #tpu.memory_space<semaphore_mem>>) src(%arg5 : memref<1000x16xf32, #tpu.memory_space<vmem>>) dst(%dma_wait3A_35 : memref<10112x16xf32, #tpu.memory_space<vmem_shared>>)
        tpu.yield
      }) : () -> ()
    }
    %scan3A_24 = arith.constant 10 : i32
    %barrier3A_25 = arith.constant 0 : index
    tpu.barrier barrier_id(%barrier3A_25)
    "tpu.region"() ({
      %run_scoped3A_26 = tpu.sem_alloc : memref<!tpu.dma_semaphore, #tpu.memory_space<semaphore_mem>>
      %dma_start3A = arith.constant 0 : i32
      %dma_start3A_27 = tpu.memref_slice %arg3[%arg0, %mul3A_16, %dma_start3A] : memref<2x10112x16xf32, #tpu.memory_space<hbm>> -> memref<1x632x16xf32, #tpu.memory_space<hbm>>
      %dma_start3A_28 = tpu.memref_squeeze %dma_start3A_27 : memref<1x632x16xf32, #tpu.memory_space<hbm>> -> memref<632x16xf32, #tpu.memory_space<hbm>>
      %dma_start3A_29 = arith.constant 0 : i32
      %dma_start3A_30 = tpu.memref_slice %arg7[%mul3A_16, %dma_start3A_29] : memref<10112x16xf32, #tpu.memory_space<vmem_shared>> -> memref<632x16xf32, #tpu.memory_space<vmem_shared>>
      tpu.enqueue_dma source(%dma_start3A_30 : memref<632x16xf32, #tpu.memory_space<vmem_shared>>) target(%dma_start3A_28 : memref<632x16xf32, #tpu.memory_space<hbm>>) target_semaphore(%run_scoped3A_26 : memref<!tpu.dma_semaphore, #tpu.memory_space<semaphore_mem>>)
      %dma_wait3A = arith.constant 0 : i32
      %dma_wait3A_31 = tpu.memref_slice %arg3[%arg0, %mul3A_16, %dma_wait3A] : memref<2x10112x16xf32, #tpu.memory_space<hbm>> -> memref<1x632x16xf32, #tpu.memory_space<hbm>>
      %dma_wait3A_32 = tpu.memref_squeeze %dma_wait3A_31 : memref<1x632x16xf32, #tpu.memory_space<hbm>> -> memref<632x16xf32, #tpu.memory_space<hbm>>
      %dma_wait3A_33 = arith.constant 0 : i32
      %dma_wait3A_34 = tpu.memref_slice %arg7[%mul3A_16, %dma_wait3A_33] : memref<10112x16xf32, #tpu.memory_space<vmem_shared>> -> memref<632x16xf32, #tpu.memory_space<vmem_shared>>
      tpu.wait_dma2 semaphore(%run_scoped3A_26 : memref<!tpu.dma_semaphore, #tpu.memory_space<semaphore_mem>>) src(%dma_wait3A_34 : memref<632x16xf32, #tpu.memory_space<vmem_shared>>) dst(%dma_wait3A_32 : memref<632x16xf32, #tpu.memory_space<hbm>>)
      tpu.yield
    }) : () -> ()
    return
  }
}

#map = affine_map<(d0, d1) -> (0, 0)>
#map1 = affine_map<(d0, d1) -> (0, 0, 0)>
module attributes {stable_mosaic.version = 14 : i64} {
  func.func @prop(%arg0: i32, %arg1: i32, %arg2: memref<10112x16xf32, #tpu.memory_space<hbm>>, %arg3: memref<2x320000xi32, #tpu.memory_space<hbm>>, %arg4: memref<2x10112x16xf32, #tpu.memory_space<hbm>>, %arg5: memref<10000xi32, #tpu.memory_space<vmem>>, %arg6: memref<10000xi32, #tpu.memory_space<vmem>>, %arg7: memref<4000x16xf32, #tpu.memory_space<vmem>>, %arg8: memref<160x16xf32, #tpu.memory_space<vmem>>, %arg9: memref<10112x16xf32, #tpu.memory_space<vmem_shared>>, %arg10: memref<!tpu.dma_semaphore, #tpu.memory_space<semaphore_mem>>, %arg11: memref<!tpu.dma_semaphore, #tpu.memory_space<semaphore_mem>>) attributes {dimension_semantics = [#tpu.dimension_semantics<core_parallel>, #tpu.dimension_semantics<subcore_parallel>], iteration_bounds = array<i64: 2, 16>, scalar_prefetch = 0 : i64, scratch_operands = 7 : i64, tpu.core_type = #tpu.core_type<sc_vector_subcore>, window_params = [{transform_indices = #map}, {transform_indices = #map}, {transform_indices = #map1}]} {
    %mul3A = arith.constant 2 : i32
    %mul3A_0 = arith.muli %arg1, %mul3A : i32
    %add3A = arith.addi %mul3A_0, %arg0 : i32
    %broadcast_in_dim3A = arith.constant 0.000000e+00 : f32
    %broadcast_in_dim3A_1 = vector.broadcast %broadcast_in_dim3A : f32 to vector<16xf32>
    %scan3A = arith.constant 0 : i32
    %scan3A_2 = arith.constant 0 : i32
    %scan3A_3 = arith.constant 160 : i32
    %scan3A_4 = arith.addi %scan3A_2, %scan3A_3 : i32
    %scan3A_5 = arith.constant 4 : i32
    scf.for %scan3A_108 = %scan3A_2 to %scan3A_4 step %scan3A_5  : i32 {
      %swap3A = arith.index_cast %scan3A_108 : i32 to index
      %swap3A_109 = arith.constant 0 : index
      %swap3A_110 = tpu.vector_load %arg8[%swap3A, %swap3A_109] {strides = array<i32>} : memref<160x16xf32, #tpu.memory_space<vmem>>, vector<1x16xf32>,
      %swap3A_111 = vector.shape_cast %swap3A_110 : vector<1x16xf32> to vector<16xf32>
      %swap3A_112 = vector.shape_cast %broadcast_in_dim3A_1 : vector<16xf32> to vector<1x16xf32>
      tpu.vector_store %arg8[%swap3A, %swap3A_109], %swap3A_112 {strides = array<i32>} : memref<160x16xf32, #tpu.memory_space<vmem>>, vector<1x16xf32>,
      %scan3A_113 = arith.constant 1 : i32
      %scan3A_114 = arith.addi %scan3A_108, %scan3A_113 : i32
      %swap3A_115 = arith.index_cast %scan3A_114 : i32 to index
      %swap3A_116 = arith.constant 0 : index
      %swap3A_117 = tpu.vector_load %arg8[%swap3A_115, %swap3A_116] {strides = array<i32>} : memref<160x16xf32, #tpu.memory_space<vmem>>, vector<1x16xf32>,
      %swap3A_118 = vector.shape_cast %swap3A_117 : vector<1x16xf32> to vector<16xf32>
      %swap3A_119 = vector.shape_cast %broadcast_in_dim3A_1 : vector<16xf32> to vector<1x16xf32>
      tpu.vector_store %arg8[%swap3A_115, %swap3A_116], %swap3A_119 {strides = array<i32>} : memref<160x16xf32, #tpu.memory_space<vmem>>, vector<1x16xf32>,
      %scan3A_120 = arith.constant 2 : i32
      %scan3A_121 = arith.addi %scan3A_108, %scan3A_120 : i32
      %swap3A_122 = arith.index_cast %scan3A_121 : i32 to index
      %swap3A_123 = arith.constant 0 : index
      %swap3A_124 = tpu.vector_load %arg8[%swap3A_122, %swap3A_123] {strides = array<i32>} : memref<160x16xf32, #tpu.memory_space<vmem>>, vector<1x16xf32>,
      %swap3A_125 = vector.shape_cast %swap3A_124 : vector<1x16xf32> to vector<16xf32>
      %swap3A_126 = vector.shape_cast %broadcast_in_dim3A_1 : vector<16xf32> to vector<1x16xf32>
      tpu.vector_store %arg8[%swap3A_122, %swap3A_123], %swap3A_126 {strides = array<i32>} : memref<160x16xf32, #tpu.memory_space<vmem>>, vector<1x16xf32>,
      %scan3A_127 = arith.constant 3 : i32
      %scan3A_128 = arith.addi %scan3A_108, %scan3A_127 : i32
      %swap3A_129 = arith.index_cast %scan3A_128 : i32 to index
      %swap3A_130 = arith.constant 0 : index
      %swap3A_131 = tpu.vector_load %arg8[%swap3A_129, %swap3A_130] {strides = array<i32>} : memref<160x16xf32, #tpu.memory_space<vmem>>, vector<1x16xf32>,
      %swap3A_132 = vector.shape_cast %swap3A_131 : vector<1x16xf32> to vector<16xf32>
      %swap3A_133 = vector.shape_cast %broadcast_in_dim3A_1 : vector<16xf32> to vector<1x16xf32>
      tpu.vector_store %arg8[%swap3A_129, %swap3A_130], %swap3A_133 {strides = array<i32>} : memref<160x16xf32, #tpu.memory_space<vmem>>, vector<1x16xf32>,
    }
    %scan3A_6 = arith.constant 160 : i32
    %mul3A_7 = arith.constant 632 : i32
    %mul3A_8 = arith.muli %arg1, %mul3A_7 : i32
    %add3A_9 = arith.constant 0 : i32
    %add3A_10 = arith.addi %mul3A_8, %add3A_9 : i32
    "tpu.region"() ({
      %run_scoped3A_108 = tpu.sem_alloc : memref<!tpu.dma_semaphore, #tpu.memory_space<semaphore_mem>>
      %dma_start3A_109 = arith.constant 0 : i32
      %dma_start3A_110 = arith.constant 0 : i32
      %dma_start3A_111 = tpu.memref_slice %arg8[%dma_start3A_109, %dma_start3A_110] : memref<160x16xf32, #tpu.memory_space<vmem>> -> memref<160x16xf32, #tpu.memory_space<vmem>>
      %dma_start3A_112 = arith.constant 0 : i32
      %dma_start3A_113 = tpu.memref_slice %arg9[%add3A_10, %dma_start3A_112] : memref<10112x16xf32, #tpu.memory_space<vmem_shared>> -> memref<160x16xf32, #tpu.memory_space<vmem_shared>>
      %dma_start3A_114 = arith.constant 0 : i32
      %dma_start3A_115 = tpu.memref_slice %arg9[%add3A_10, %dma_start3A_114] : memref<10112x16xf32, #tpu.memory_space<vmem_shared>> -> memref<160x16xf32, #tpu.memory_space<vmem_shared>>
      %dma_start3A_116 = arith.constant 0 : i32
      %dma_start3A_117 = arith.constant 0 : i32
      %dma_start3A_118 = tpu.memref_slice %arg8[%dma_start3A_116, %dma_start3A_117] : memref<160x16xf32, #tpu.memory_space<vmem>> -> memref<160x16xf32, #tpu.memory_space<vmem>>
      tpu.enqueue_dma source(%dma_start3A_118 : memref<160x16xf32, #tpu.memory_space<vmem>>) target(%dma_start3A_115 : memref<160x16xf32, #tpu.memory_space<vmem_shared>>) target_semaphore(%run_scoped3A_108 : memref<!tpu.dma_semaphore, #tpu.memory_space<semaphore_mem>>)
      %dma_wait3A_119 = arith.constant 0 : i32
      %dma_wait3A_120 = arith.constant 0 : i32
      %dma_wait3A_121 = tpu.memref_slice %arg8[%dma_wait3A_119, %dma_wait3A_120] : memref<160x16xf32, #tpu.memory_space<vmem>> -> memref<160x16xf32, #tpu.memory_space<vmem>>
      %dma_wait3A_122 = arith.constant 0 : i32
      %dma_wait3A_123 = tpu.memref_slice %arg9[%add3A_10, %dma_wait3A_122] : memref<10112x16xf32, #tpu.memory_space<vmem_shared>> -> memref<160x16xf32, #tpu.memory_space<vmem_shared>>
      %dma_wait3A_124 = arith.constant 0 : i32
      %dma_wait3A_125 = tpu.memref_slice %arg9[%add3A_10, %dma_wait3A_124] : memref<10112x16xf32, #tpu.memory_space<vmem_shared>> -> memref<160x16xf32, #tpu.memory_space<vmem_shared>>
      %dma_wait3A_126 = arith.constant 0 : i32
      %dma_wait3A_127 = arith.constant 0 : i32
      %dma_wait3A_128 = tpu.memref_slice %arg8[%dma_wait3A_126, %dma_wait3A_127] : memref<160x16xf32, #tpu.memory_space<vmem>> -> memref<160x16xf32, #tpu.memory_space<vmem>>
      tpu.wait_dma2 semaphore(%run_scoped3A_108 : memref<!tpu.dma_semaphore, #tpu.memory_space<semaphore_mem>>) src(%dma_wait3A_128 : memref<160x16xf32, #tpu.memory_space<vmem>>) dst(%dma_wait3A_125 : memref<160x16xf32, #tpu.memory_space<vmem_shared>>)
      tpu.yield
    }) : () -> ()
    %add3A_11 = arith.constant 160 : i32
    %add3A_12 = arith.addi %mul3A_8, %add3A_11 : i32
    "tpu.region"() ({
      %run_scoped3A_108 = tpu.sem_alloc : memref<!tpu.dma_semaphore, #tpu.memory_space<semaphore_mem>>
      %dma_start3A_109 = arith.constant 0 : i32
      %dma_start3A_110 = arith.constant 0 : i32
      %dma_start3A_111 = tpu.memref_slice %arg8[%dma_start3A_109, %dma_start3A_110] : memref<160x16xf32, #tpu.memory_space<vmem>> -> memref<160x16xf32, #tpu.memory_space<vmem>>
      %dma_start3A_112 = arith.constant 0 : i32
      %dma_start3A_113 = tpu.memref_slice %arg9[%add3A_12, %dma_start3A_112] : memref<10112x16xf32, #tpu.memory_space<vmem_shared>> -> memref<160x16xf32, #tpu.memory_space<vmem_shared>>
      %dma_start3A_114 = arith.constant 0 : i32
      %dma_start3A_115 = tpu.memref_slice %arg9[%add3A_12, %dma_start3A_114] : memref<10112x16xf32, #tpu.memory_space<vmem_shared>> -> memref<160x16xf32, #tpu.memory_space<vmem_shared>>
      %dma_start3A_116 = arith.constant 0 : i32
      %dma_start3A_117 = arith.constant 0 : i32
      %dma_start3A_118 = tpu.memref_slice %arg8[%dma_start3A_116, %dma_start3A_117] : memref<160x16xf32, #tpu.memory_space<vmem>> -> memref<160x16xf32, #tpu.memory_space<vmem>>
      tpu.enqueue_dma source(%dma_start3A_118 : memref<160x16xf32, #tpu.memory_space<vmem>>) target(%dma_start3A_115 : memref<160x16xf32, #tpu.memory_space<vmem_shared>>) target_semaphore(%run_scoped3A_108 : memref<!tpu.dma_semaphore, #tpu.memory_space<semaphore_mem>>)
      %dma_wait3A_119 = arith.constant 0 : i32
      %dma_wait3A_120 = arith.constant 0 : i32
      %dma_wait3A_121 = tpu.memref_slice %arg8[%dma_wait3A_119, %dma_wait3A_120] : memref<160x16xf32, #tpu.memory_space<vmem>> -> memref<160x16xf32, #tpu.memory_space<vmem>>
      %dma_wait3A_122 = arith.constant 0 : i32
      %dma_wait3A_123 = tpu.memref_slice %arg9[%add3A_12, %dma_wait3A_122] : memref<10112x16xf32, #tpu.memory_space<vmem_shared>> -> memref<160x16xf32, #tpu.memory_space<vmem_shared>>
      %dma_wait3A_124 = arith.constant 0 : i32
      %dma_wait3A_125 = tpu.memref_slice %arg9[%add3A_12, %dma_wait3A_124] : memref<10112x16xf32, #tpu.memory_space<vmem_shared>> -> memref<160x16xf32, #tpu.memory_space<vmem_shared>>
      %dma_wait3A_126 = arith.constant 0 : i32
      %dma_wait3A_127 = arith.constant 0 : i32
      %dma_wait3A_128 = tpu.memref_slice %arg8[%dma_wait3A_126, %dma_wait3A_127] : memref<160x16xf32, #tpu.memory_space<vmem>> -> memref<160x16xf32, #tpu.memory_space<vmem>>
      tpu.wait_dma2 semaphore(%run_scoped3A_108 : memref<!tpu.dma_semaphore, #tpu.memory_space<semaphore_mem>>) src(%dma_wait3A_128 : memref<160x16xf32, #tpu.memory_space<vmem>>) dst(%dma_wait3A_125 : memref<160x16xf32, #tpu.memory_space<vmem_shared>>)
      tpu.yield
    }) : () -> ()
    %add3A_13 = arith.constant 320 : i32
    %add3A_14 = arith.addi %mul3A_8, %add3A_13 : i32
    "tpu.region"() ({
      %run_scoped3A_108 = tpu.sem_alloc : memref<!tpu.dma_semaphore, #tpu.memory_space<semaphore_mem>>
      %dma_start3A_109 = arith.constant 0 : i32
      %dma_start3A_110 = arith.constant 0 : i32
      %dma_start3A_111 = tpu.memref_slice %arg8[%dma_start3A_109, %dma_start3A_110] : memref<160x16xf32, #tpu.memory_space<vmem>> -> memref<160x16xf32, #tpu.memory_space<vmem>>
      %dma_start3A_112 = arith.constant 0 : i32
      %dma_start3A_113 = tpu.memref_slice %arg9[%add3A_14, %dma_start3A_112] : memref<10112x16xf32, #tpu.memory_space<vmem_shared>> -> memref<160x16xf32, #tpu.memory_space<vmem_shared>>
      %dma_start3A_114 = arith.constant 0 : i32
      %dma_start3A_115 = tpu.memref_slice %arg9[%add3A_14, %dma_start3A_114] : memref<10112x16xf32, #tpu.memory_space<vmem_shared>> -> memref<160x16xf32, #tpu.memory_space<vmem_shared>>
      %dma_start3A_116 = arith.constant 0 : i32
      %dma_start3A_117 = arith.constant 0 : i32
      %dma_start3A_118 = tpu.memref_slice %arg8[%dma_start3A_116, %dma_start3A_117] : memref<160x16xf32, #tpu.memory_space<vmem>> -> memref<160x16xf32, #tpu.memory_space<vmem>>
      tpu.enqueue_dma source(%dma_start3A_118 : memref<160x16xf32, #tpu.memory_space<vmem>>) target(%dma_start3A_115 : memref<160x16xf32, #tpu.memory_space<vmem_shared>>) target_semaphore(%run_scoped3A_108 : memref<!tpu.dma_semaphore, #tpu.memory_space<semaphore_mem>>)
      %dma_wait3A_119 = arith.constant 0 : i32
      %dma_wait3A_120 = arith.constant 0 : i32
      %dma_wait3A_121 = tpu.memref_slice %arg8[%dma_wait3A_119, %dma_wait3A_120] : memref<160x16xf32, #tpu.memory_space<vmem>> -> memref<160x16xf32, #tpu.memory_space<vmem>>
      %dma_wait3A_122 = arith.constant 0 : i32
      %dma_wait3A_123 = tpu.memref_slice %arg9[%add3A_14, %dma_wait3A_122] : memref<10112x16xf32, #tpu.memory_space<vmem_shared>> -> memref<160x16xf32, #tpu.memory_space<vmem_shared>>
      %dma_wait3A_124 = arith.constant 0 : i32
      %dma_wait3A_125 = tpu.memref_slice %arg9[%add3A_14, %dma_wait3A_124] : memref<10112x16xf32, #tpu.memory_space<vmem_shared>> -> memref<160x16xf32, #tpu.memory_space<vmem_shared>>
      %dma_wait3A_126 = arith.constant 0 : i32
      %dma_wait3A_127 = arith.constant 0 : i32
      %dma_wait3A_128 = tpu.memref_slice %arg8[%dma_wait3A_126, %dma_wait3A_127] : memref<160x16xf32, #tpu.memory_space<vmem>> -> memref<160x16xf32, #tpu.memory_space<vmem>>
      tpu.wait_dma2 semaphore(%run_scoped3A_108 : memref<!tpu.dma_semaphore, #tpu.memory_space<semaphore_mem>>) src(%dma_wait3A_128 : memref<160x16xf32, #tpu.memory_space<vmem>>) dst(%dma_wait3A_125 : memref<160x16xf32, #tpu.memory_space<vmem_shared>>)
      tpu.yield
    }) : () -> ()
    %add3A_15 = arith.constant 480 : i32
    %add3A_16 = arith.addi %mul3A_8, %add3A_15 : i32
    "tpu.region"() ({
      %run_scoped3A_108 = tpu.sem_alloc : memref<!tpu.dma_semaphore, #tpu.memory_space<semaphore_mem>>
      %dma_start3A_109 = arith.constant 0 : i32
      %dma_start3A_110 = arith.constant 0 : i32
      %dma_start3A_111 = tpu.memref_slice %arg8[%dma_start3A_109, %dma_start3A_110] : memref<160x16xf32, #tpu.memory_space<vmem>> -> memref<152x16xf32, #tpu.memory_space<vmem>>
      %dma_start3A_112 = arith.constant 0 : i32
      %dma_start3A_113 = tpu.memref_slice %arg9[%add3A_16, %dma_start3A_112] : memref<10112x16xf32, #tpu.memory_space<vmem_shared>> -> memref<152x16xf32, #tpu.memory_space<vmem_shared>>
      %dma_start3A_114 = arith.constant 0 : i32
      %dma_start3A_115 = tpu.memref_slice %arg9[%add3A_16, %dma_start3A_114] : memref<10112x16xf32, #tpu.memory_space<vmem_shared>> -> memref<152x16xf32, #tpu.memory_space<vmem_shared>>
      %dma_start3A_116 = arith.constant 0 : i32
      %dma_start3A_117 = arith.constant 0 : i32
      %dma_start3A_118 = tpu.memref_slice %arg8[%dma_start3A_116, %dma_start3A_117] : memref<160x16xf32, #tpu.memory_space<vmem>> -> memref<152x16xf32, #tpu.memory_space<vmem>>
      tpu.enqueue_dma source(%dma_start3A_118 : memref<152x16xf32, #tpu.memory_space<vmem>>) target(%dma_start3A_115 : memref<152x16xf32, #tpu.memory_space<vmem_shared>>) target_semaphore(%run_scoped3A_108 : memref<!tpu.dma_semaphore, #tpu.memory_space<semaphore_mem>>)
      %dma_wait3A_119 = arith.constant 0 : i32
      %dma_wait3A_120 = arith.constant 0 : i32
      %dma_wait3A_121 = tpu.memref_slice %arg8[%dma_wait3A_119, %dma_wait3A_120] : memref<160x16xf32, #tpu.memory_space<vmem>> -> memref<152x16xf32, #tpu.memory_space<vmem>>
      %dma_wait3A_122 = arith.constant 0 : i32
      %dma_wait3A_123 = tpu.memref_slice %arg9[%add3A_16, %dma_wait3A_122] : memref<10112x16xf32, #tpu.memory_space<vmem_shared>> -> memref<152x16xf32, #tpu.memory_space<vmem_shared>>
      %dma_wait3A_124 = arith.constant 0 : i32
      %dma_wait3A_125 = tpu.memref_slice %arg9[%add3A_16, %dma_wait3A_124] : memref<10112x16xf32, #tpu.memory_space<vmem_shared>> -> memref<152x16xf32, #tpu.memory_space<vmem_shared>>
      %dma_wait3A_126 = arith.constant 0 : i32
      %dma_wait3A_127 = arith.constant 0 : i32
      %dma_wait3A_128 = tpu.memref_slice %arg8[%dma_wait3A_126, %dma_wait3A_127] : memref<160x16xf32, #tpu.memory_space<vmem>> -> memref<152x16xf32, #tpu.memory_space<vmem>>
      tpu.wait_dma2 semaphore(%run_scoped3A_108 : memref<!tpu.dma_semaphore, #tpu.memory_space<semaphore_mem>>) src(%dma_wait3A_128 : memref<152x16xf32, #tpu.memory_space<vmem>>) dst(%dma_wait3A_125 : memref<152x16xf32, #tpu.memory_space<vmem_shared>>)
      tpu.yield
    }) : () -> ()
    %barrier3A = arith.constant 0 : index
    tpu.barrier barrier_id(%barrier3A)
    %mul3A_17 = arith.constant 10000 : i32
    %mul3A_18 = arith.muli %add3A, %mul3A_17 : i32
    %run_scoped3A = arith.constant 0 : i32
    "tpu.region"() ({
      %run_scoped3A_108 = tpu.sem_alloc : memref<!tpu.dma_semaphore, #tpu.memory_space<semaphore_mem>>
      %dma_start3A_109 = tpu.memref_slice %arg3[%run_scoped3A, %mul3A_18] : memref<2x320000xi32, #tpu.memory_space<hbm>> -> memref<1x10000xi32, #tpu.memory_space<hbm>>
      %dma_start3A_110 = tpu.memref_squeeze %dma_start3A_109 : memref<1x10000xi32, #tpu.memory_space<hbm>> -> memref<10000xi32, #tpu.memory_space<hbm>>
      %dma_start3A_111 = tpu.memref_slice %arg3[%run_scoped3A, %mul3A_18] : memref<2x320000xi32, #tpu.memory_space<hbm>> -> memref<1x10000xi32, #tpu.memory_space<hbm>>
      %dma_start3A_112 = tpu.memref_squeeze %dma_start3A_111 : memref<1x10000xi32, #tpu.memory_space<hbm>> -> memref<10000xi32, #tpu.memory_space<hbm>>
      tpu.enqueue_dma source(%dma_start3A_112 : memref<10000xi32, #tpu.memory_space<hbm>>) target(%arg5 : memref<10000xi32, #tpu.memory_space<vmem>>) target_semaphore(%run_scoped3A_108 : memref<!tpu.dma_semaphore, #tpu.memory_space<semaphore_mem>>)
      %dma_wait3A_113 = tpu.memref_slice %arg3[%run_scoped3A, %mul3A_18] : memref<2x320000xi32, #tpu.memory_space<hbm>> -> memref<1x10000xi32, #tpu.memory_space<hbm>>
      %dma_wait3A_114 = tpu.memref_squeeze %dma_wait3A_113 : memref<1x10000xi32, #tpu.memory_space<hbm>> -> memref<10000xi32, #tpu.memory_space<hbm>>
      %dma_wait3A_115 = tpu.memref_slice %arg3[%run_scoped3A, %mul3A_18] : memref<2x320000xi32, #tpu.memory_space<hbm>> -> memref<1x10000xi32, #tpu.memory_space<hbm>>
      %dma_wait3A_116 = tpu.memref_squeeze %dma_wait3A_115 : memref<1x10000xi32, #tpu.memory_space<hbm>> -> memref<10000xi32, #tpu.memory_space<hbm>>
      tpu.wait_dma2 semaphore(%run_scoped3A_108 : memref<!tpu.dma_semaphore, #tpu.memory_space<semaphore_mem>>) src(%dma_wait3A_116 : memref<10000xi32, #tpu.memory_space<hbm>>) dst(%arg5 : memref<10000xi32, #tpu.memory_space<vmem>>)
      tpu.yield
    }) : () -> ()
    %run_scoped3A_19 = arith.constant 1 : i32
    "tpu.region"() ({
      %run_scoped3A_108 = tpu.sem_alloc : memref<!tpu.dma_semaphore, #tpu.memory_space<semaphore_mem>>
      %dma_start3A_109 = tpu.memref_slice %arg3[%run_scoped3A_19, %mul3A_18] : memref<2x320000xi32, #tpu.memory_space<hbm>> -> memref<1x10000xi32, #tpu.memory_space<hbm>>
      %dma_start3A_110 = tpu.memref_squeeze %dma_start3A_109 : memref<1x10000xi32, #tpu.memory_space<hbm>> -> memref<10000xi32, #tpu.memory_space<hbm>>
      %dma_start3A_111 = tpu.memref_slice %arg3[%run_scoped3A_19, %mul3A_18] : memref<2x320000xi32, #tpu.memory_space<hbm>> -> memref<1x10000xi32, #tpu.memory_space<hbm>>
      %dma_start3A_112 = tpu.memref_squeeze %dma_start3A_111 : memref<1x10000xi32, #tpu.memory_space<hbm>> -> memref<10000xi32, #tpu.memory_space<hbm>>
      tpu.enqueue_dma source(%dma_start3A_112 : memref<10000xi32, #tpu.memory_space<hbm>>) target(%arg6 : memref<10000xi32, #tpu.memory_space<vmem>>) target_semaphore(%run_scoped3A_108 : memref<!tpu.dma_semaphore, #tpu.memory_space<semaphore_mem>>)
      %dma_wait3A_113 = tpu.memref_slice %arg3[%run_scoped3A_19, %mul3A_18] : memref<2x320000xi32, #tpu.memory_space<hbm>> -> memref<1x10000xi32, #tpu.memory_space<hbm>>
      %dma_wait3A_114 = tpu.memref_squeeze %dma_wait3A_113 : memref<1x10000xi32, #tpu.memory_space<hbm>> -> memref<10000xi32, #tpu.memory_space<hbm>>
      %dma_wait3A_115 = tpu.memref_slice %arg3[%run_scoped3A_19, %mul3A_18] : memref<2x320000xi32, #tpu.memory_space<hbm>> -> memref<1x10000xi32, #tpu.memory_space<hbm>>
      %dma_wait3A_116 = tpu.memref_squeeze %dma_wait3A_115 : memref<1x10000xi32, #tpu.memory_space<hbm>> -> memref<10000xi32, #tpu.memory_space<hbm>>
      tpu.wait_dma2 semaphore(%run_scoped3A_108 : memref<!tpu.dma_semaphore, #tpu.memory_space<semaphore_mem>>) src(%dma_wait3A_116 : memref<10000xi32, #tpu.memory_space<hbm>>) dst(%arg6 : memref<10000xi32, #tpu.memory_space<vmem>>)
      tpu.yield
    }) : () -> ()
    %mul3A_20 = arith.constant 0 : i32
    %mul3A_21 = arith.constant 2 : i32
    %mul3A_22 = arith.muli %mul3A_20, %mul3A_21 : i32
    %add3A_23 = arith.constant 0 : i32
    %add3A_24 = arith.addi %mul3A_22, %add3A_23 : i32
    %min3A = arith.constant 9 : i32
    %min3A_25 = arith.minsi %add3A_24, %min3A : i32
    %mul3A_26 = arith.constant 1000 : i32
    %mul3A_27 = arith.muli %min3A_25, %mul3A_26 : i32
    %mul3A_28 = arith.constant 0 : i32
    %mul3A_29 = arith.constant 2 : i32
    %mul3A_30 = arith.muli %mul3A_28, %mul3A_29 : i32
    %add3A_31 = arith.constant 0 : i32
    %add3A_32 = arith.addi %mul3A_30, %add3A_31 : i32
    %mul3A_33 = arith.constant 1000 : i32
    %mul3A_34 = arith.muli %add3A_32, %mul3A_33 : i32
    %dma_start3A = arith.constant 0 : i32
    %dma_start3A_35 = tpu.memref_slice %arg7[%mul3A_34, %dma_start3A] : memref<4000x16xf32, #tpu.memory_space<vmem>> -> memref<1000x16xf32, #tpu.memory_space<vmem>>
    %dma_start3A_36 = tpu.memref_slice %arg5[%mul3A_27] : memref<10000xi32, #tpu.memory_space<vmem>> -> memref<1000xi32, #tpu.memory_space<vmem>>
    %dma_start3A_37 = arith.constant 0 : i32
    %dma_start3A_38 = arith.constant 0 : i32
    %dma_start3A_39 = tpu.memref_slice %arg2[%dma_start3A_37, %dma_start3A_38] : memref<10112x16xf32, #tpu.memory_space<hbm>> -> memref<10112x16xf32, #tpu.memory_space<hbm>>
    tpu.enqueue_indirect_dma source(%dma_start3A_39 : memref<10112x16xf32, #tpu.memory_space<hbm>>) target(%dma_start3A_35 : memref<1000x16xf32, #tpu.memory_space<vmem>>) offsets(%dma_start3A_36 : memref<1000xi32, #tpu.memory_space<vmem>>) semaphore(%arg10 : memref<!tpu.dma_semaphore, #tpu.memory_space<semaphore_mem>>)
    %mul3A_40 = arith.constant 0 : i32
    %mul3A_41 = arith.constant 2 : i32
    %mul3A_42 = arith.muli %mul3A_40, %mul3A_41 : i32
    %add3A_43 = arith.constant 1 : i32
    %add3A_44 = arith.addi %mul3A_42, %add3A_43 : i32
    %min3A_45 = arith.constant 9 : i32
    %min3A_46 = arith.minsi %add3A_44, %min3A_45 : i32
    %mul3A_47 = arith.constant 1000 : i32
    %mul3A_48 = arith.muli %min3A_46, %mul3A_47 : i32
    %mul3A_49 = arith.constant 0 : i32
    %mul3A_50 = arith.constant 2 : i32
    %mul3A_51 = arith.muli %mul3A_49, %mul3A_50 : i32
    %add3A_52 = arith.constant 1 : i32
    %add3A_53 = arith.addi %mul3A_51, %add3A_52 : i32
    %mul3A_54 = arith.constant 1000 : i32
    %mul3A_55 = arith.muli %add3A_53, %mul3A_54 : i32
    %dma_start3A_56 = arith.constant 0 : i32
    %dma_start3A_57 = tpu.memref_slice %arg7[%mul3A_55, %dma_start3A_56] : memref<4000x16xf32, #tpu.memory_space<vmem>> -> memref<1000x16xf32, #tpu.memory_space<vmem>>
    %dma_start3A_58 = tpu.memref_slice %arg5[%mul3A_48] : memref<10000xi32, #tpu.memory_space<vmem>> -> memref<1000xi32, #tpu.memory_space<vmem>>
    %dma_start3A_59 = arith.constant 0 : i32
    %dma_start3A_60 = arith.constant 0 : i32
    %dma_start3A_61 = tpu.memref_slice %arg2[%dma_start3A_59, %dma_start3A_60] : memref<10112x16xf32, #tpu.memory_space<hbm>> -> memref<10112x16xf32, #tpu.memory_space<hbm>>
    tpu.enqueue_indirect_dma source(%dma_start3A_61 : memref<10112x16xf32, #tpu.memory_space<hbm>>) target(%dma_start3A_57 : memref<1000x16xf32, #tpu.memory_space<vmem>>) offsets(%dma_start3A_58 : memref<1000xi32, #tpu.memory_space<vmem>>) semaphore(%arg10 : memref<!tpu.dma_semaphore, #tpu.memory_space<semaphore_mem>>)
    %scan3A_62 = arith.constant 0 : i32
    %scan3A_63 = arith.constant 0 : i32
    %scan3A_64 = arith.constant 5 : i32
    %scan3A_65 = arith.addi %scan3A_63, %scan3A_64 : i32
    %scan3A_66 = arith.constant 1 : i32
    scf.for %scan3A_108 = %scan3A_63 to %scan3A_65 step %scan3A_66  : i32 {
      %rem3A = arith.constant 2 : i32
      %rem3A_109 = arith.remsi %scan3A_108, %rem3A : i32
      %mul3A_110 = arith.constant 2 : i32
      %mul3A_111 = arith.muli %scan3A_108, %mul3A_110 : i32
      %add3A_112 = arith.constant 0 : i32
      %add3A_113 = arith.addi %mul3A_111, %add3A_112 : i32
      %mul3A_114 = arith.constant 1000 : i32
      %mul3A_115 = arith.muli %add3A_113, %mul3A_114 : i32
      %mul3A_116 = arith.constant 2 : i32
      %mul3A_117 = arith.muli %rem3A_109, %mul3A_116 : i32
      %add3A_118 = arith.constant 0 : i32
      %add3A_119 = arith.addi %mul3A_117, %add3A_118 : i32
      %mul3A_120 = arith.constant 1000 : i32
      %mul3A_121 = arith.muli %add3A_119, %mul3A_120 : i32
      %dma_wait3A_122 = arith.constant 0 : i32
      %dma_wait3A_123 = tpu.memref_slice %arg7[%mul3A_121, %dma_wait3A_122] : memref<4000x16xf32, #tpu.memory_space<vmem>> -> memref<1000x16xf32, #tpu.memory_space<vmem>>
      %dma_wait3A_124 = tpu.memref_slice %arg5[%mul3A_115] : memref<10000xi32, #tpu.memory_space<vmem>> -> memref<1000xi32, #tpu.memory_space<vmem>>
      %dma_wait3A_125 = arith.constant 0 : i32
      %dma_wait3A_126 = arith.constant 0 : i32
      %dma_wait3A_127 = tpu.memref_slice %arg2[%dma_wait3A_125, %dma_wait3A_126] : memref<10112x16xf32, #tpu.memory_space<hbm>> -> memref<10112x16xf32, #tpu.memory_space<hbm>>
      tpu.wait_indirect_dma semaphore(%arg10 : memref<!tpu.dma_semaphore, #tpu.memory_space<semaphore_mem>>) src(%dma_wait3A_127 : memref<10112x16xf32, #tpu.memory_space<hbm>>) dst(%dma_wait3A_123 : memref<1000x16xf32, #tpu.memory_space<vmem>>)
      %mul3A_128 = arith.constant 2 : i32
      %mul3A_129 = arith.muli %scan3A_108, %mul3A_128 : i32
      %add3A_130 = arith.constant 1 : i32
      %add3A_131 = arith.addi %mul3A_129, %add3A_130 : i32
      %mul3A_132 = arith.constant 1000 : i32
      %mul3A_133 = arith.muli %add3A_131, %mul3A_132 : i32
      %mul3A_134 = arith.constant 2 : i32
      %mul3A_135 = arith.muli %rem3A_109, %mul3A_134 : i32
      %add3A_136 = arith.constant 1 : i32
      %add3A_137 = arith.addi %mul3A_135, %add3A_136 : i32
      %mul3A_138 = arith.constant 1000 : i32
      %mul3A_139 = arith.muli %add3A_137, %mul3A_138 : i32
      %dma_wait3A_140 = arith.constant 0 : i32
      %dma_wait3A_141 = tpu.memref_slice %arg7[%mul3A_139, %dma_wait3A_140] : memref<4000x16xf32, #tpu.memory_space<vmem>> -> memref<1000x16xf32, #tpu.memory_space<vmem>>
      %dma_wait3A_142 = tpu.memref_slice %arg5[%mul3A_133] : memref<10000xi32, #tpu.memory_space<vmem>> -> memref<1000xi32, #tpu.memory_space<vmem>>
      %dma_wait3A_143 = arith.constant 0 : i32
      %dma_wait3A_144 = arith.constant 0 : i32
      %dma_wait3A_145 = tpu.memref_slice %arg2[%dma_wait3A_143, %dma_wait3A_144] : memref<10112x16xf32, #tpu.memory_space<hbm>> -> memref<10112x16xf32, #tpu.memory_space<hbm>>
      tpu.wait_indirect_dma semaphore(%arg10 : memref<!tpu.dma_semaphore, #tpu.memory_space<semaphore_mem>>) src(%dma_wait3A_145 : memref<10112x16xf32, #tpu.memory_space<hbm>>) dst(%dma_wait3A_141 : memref<1000x16xf32, #tpu.memory_space<vmem>>)
      %gt3A = arith.constant 0 : i32
      %gt3A_146 = arith.cmpi sgt, %scan3A_108, %gt3A : i32
      %convert_element_type3A = arith.extui %gt3A_146 : i1 to i32
      %cond3A = arith.constant 0 : i32
      %cond3A_147 = arith.cmpi ne, %convert_element_type3A, %cond3A : i32
      scf.if %cond3A_147 {
        %sub3A = arith.constant 1 : i32
        %sub3A_188 = arith.subi %scan3A_108, %sub3A : i32
        %sub3A_189 = arith.constant 1 : i32
        %sub3A_190 = arith.subi %sub3A_189, %rem3A_109 : i32
        %mul3A_191 = arith.constant 2 : i32
        %mul3A_192 = arith.muli %sub3A_188, %mul3A_191 : i32
        %add3A_193 = arith.constant 0 : i32
        %add3A_194 = arith.addi %mul3A_192, %add3A_193 : i32
        %mul3A_195 = arith.constant 2 : i32
        %mul3A_196 = arith.muli %sub3A_190, %mul3A_195 : i32
        %add3A_197 = arith.constant 0 : i32
        %add3A_198 = arith.addi %mul3A_196, %add3A_197 : i32
        %mul3A_199 = arith.constant 1000 : i32
        %mul3A_200 = arith.muli %add3A_198, %mul3A_199 : i32
        %mul3A_201 = arith.constant 1000 : i32
        %mul3A_202 = arith.muli %add3A_194, %mul3A_201 : i32
        %dma_wait3A_203 = arith.constant 0 : i32
        %dma_wait3A_204 = tpu.memref_slice %arg7[%mul3A_200, %dma_wait3A_203] : memref<4000x16xf32, #tpu.memory_space<vmem>> -> memref<1000x16xf32, #tpu.memory_space<vmem>>
        %dma_wait3A_205 = tpu.memref_slice %arg6[%mul3A_202] : memref<10000xi32, #tpu.memory_space<vmem>> -> memref<1000xi32, #tpu.memory_space<vmem>>
        %dma_wait3A_206 = arith.constant 0 : i32
        %dma_wait3A_207 = arith.constant 0 : i32
        %dma_wait3A_208 = tpu.memref_slice %arg9[%dma_wait3A_206, %dma_wait3A_207] : memref<10112x16xf32, #tpu.memory_space<vmem_shared>> -> memref<10112x16xf32, #tpu.memory_space<vmem_shared>>
        tpu.wait_indirect_dma semaphore(%arg11 : memref<!tpu.dma_semaphore, #tpu.memory_space<semaphore_mem>>) src(%dma_wait3A_204 : memref<1000x16xf32, #tpu.memory_space<vmem>>) dst(%dma_wait3A_208 : memref<10112x16xf32, #tpu.memory_space<vmem_shared>>)
        %mul3A_209 = arith.constant 2 : i32
        %mul3A_210 = arith.muli %sub3A_188, %mul3A_209 : i32
        %add3A_211 = arith.constant 1 : i32
        %add3A_212 = arith.addi %mul3A_210, %add3A_211 : i32
        %mul3A_213 = arith.constant 2 : i32
        %mul3A_214 = arith.muli %sub3A_190, %mul3A_213 : i32
        %add3A_215 = arith.constant 1 : i32
        %add3A_216 = arith.addi %mul3A_214, %add3A_215 : i32
        %mul3A_217 = arith.constant 1000 : i32
        %mul3A_218 = arith.muli %add3A_216, %mul3A_217 : i32
        %mul3A_219 = arith.constant 1000 : i32
        %mul3A_220 = arith.muli %add3A_212, %mul3A_219 : i32
        %dma_wait3A_221 = arith.constant 0 : i32
        %dma_wait3A_222 = tpu.memref_slice %arg7[%mul3A_218, %dma_wait3A_221] : memref<4000x16xf32, #tpu.memory_space<vmem>> -> memref<1000x16xf32, #tpu.memory_space<vmem>>
        %dma_wait3A_223 = tpu.memref_slice %arg6[%mul3A_220] : memref<10000xi32, #tpu.memory_space<vmem>> -> memref<1000xi32, #tpu.memory_space<vmem>>
        %dma_wait3A_224 = arith.constant 0 : i32
        %dma_wait3A_225 = arith.constant 0 : i32
        %dma_wait3A_226 = tpu.memref_slice %arg9[%dma_wait3A_224, %dma_wait3A_225] : memref<10112x16xf32, #tpu.memory_space<vmem_shared>> -> memref<10112x16xf32, #tpu.memory_space<vmem_shared>>
        tpu.wait_indirect_dma semaphore(%arg11 : memref<!tpu.dma_semaphore, #tpu.memory_space<semaphore_mem>>) src(%dma_wait3A_222 : memref<1000x16xf32, #tpu.memory_space<vmem>>) dst(%dma_wait3A_226 : memref<10112x16xf32, #tpu.memory_space<vmem_shared>>)
      } else {
      }
      %lt3A = arith.constant 4 : i32
      %lt3A_148 = arith.cmpi slt, %scan3A_108, %lt3A : i32
      %convert_element_type3A_149 = arith.extui %lt3A_148 : i1 to i32
      %cond3A_150 = arith.constant 0 : i32
      %cond3A_151 = arith.cmpi ne, %convert_element_type3A_149, %cond3A_150 : i32
      scf.if %cond3A_151 {
        %add3A_188 = arith.constant 1 : i32
        %add3A_189 = arith.addi %scan3A_108, %add3A_188 : i32
        %sub3A = arith.constant 1 : i32
        %sub3A_190 = arith.subi %sub3A, %rem3A_109 : i32
        %mul3A_191 = arith.constant 2 : i32
        %mul3A_192 = arith.muli %add3A_189, %mul3A_191 : i32
        %add3A_193 = arith.constant 0 : i32
        %add3A_194 = arith.addi %mul3A_192, %add3A_193 : i32
        %min3A_195 = arith.constant 9 : i32
        %min3A_196 = arith.minsi %add3A_194, %min3A_195 : i32
        %mul3A_197 = arith.constant 1000 : i32
        %mul3A_198 = arith.muli %min3A_196, %mul3A_197 : i32
        %mul3A_199 = arith.constant 2 : i32
        %mul3A_200 = arith.muli %sub3A_190, %mul3A_199 : i32
        %add3A_201 = arith.constant 0 : i32
        %add3A_202 = arith.addi %mul3A_200, %add3A_201 : i32
        %mul3A_203 = arith.constant 1000 : i32
        %mul3A_204 = arith.muli %add3A_202, %mul3A_203 : i32
        %dma_start3A_205 = arith.constant 0 : i32
        %dma_start3A_206 = tpu.memref_slice %arg7[%mul3A_204, %dma_start3A_205] : memref<4000x16xf32, #tpu.memory_space<vmem>> -> memref<1000x16xf32, #tpu.memory_space<vmem>>
        %dma_start3A_207 = tpu.memref_slice %arg5[%mul3A_198] : memref<10000xi32, #tpu.memory_space<vmem>> -> memref<1000xi32, #tpu.memory_space<vmem>>
        %dma_start3A_208 = arith.constant 0 : i32
        %dma_start3A_209 = arith.constant 0 : i32
        %dma_start3A_210 = tpu.memref_slice %arg2[%dma_start3A_208, %dma_start3A_209] : memref<10112x16xf32, #tpu.memory_space<hbm>> -> memref<10112x16xf32, #tpu.memory_space<hbm>>
        tpu.enqueue_indirect_dma source(%dma_start3A_210 : memref<10112x16xf32, #tpu.memory_space<hbm>>) target(%dma_start3A_206 : memref<1000x16xf32, #tpu.memory_space<vmem>>) offsets(%dma_start3A_207 : memref<1000xi32, #tpu.memory_space<vmem>>) semaphore(%arg10 : memref<!tpu.dma_semaphore, #tpu.memory_space<semaphore_mem>>)
        %mul3A_211 = arith.constant 2 : i32
        %mul3A_212 = arith.muli %add3A_189, %mul3A_211 : i32
        %add3A_213 = arith.constant 1 : i32
        %add3A_214 = arith.addi %mul3A_212, %add3A_213 : i32
        %min3A_215 = arith.constant 9 : i32
        %min3A_216 = arith.minsi %add3A_214, %min3A_215 : i32
        %mul3A_217 = arith.constant 1000 : i32
        %mul3A_218 = arith.muli %min3A_216, %mul3A_217 : i32
        %mul3A_219 = arith.constant 2 : i32
        %mul3A_220 = arith.muli %sub3A_190, %mul3A_219 : i32
        %add3A_221 = arith.constant 1 : i32
        %add3A_222 = arith.addi %mul3A_220, %add3A_221 : i32
        %mul3A_223 = arith.constant 1000 : i32
        %mul3A_224 = arith.muli %add3A_222, %mul3A_223 : i32
        %dma_start3A_225 = arith.constant 0 : i32
        %dma_start3A_226 = tpu.memref_slice %arg7[%mul3A_224, %dma_start3A_225] : memref<4000x16xf32, #tpu.memory_space<vmem>> -> memref<1000x16xf32, #tpu.memory_space<vmem>>
        %dma_start3A_227 = tpu.memref_slice %arg5[%mul3A_218] : memref<10000xi32, #tpu.memory_space<vmem>> -> memref<1000xi32, #tpu.memory_space<vmem>>
        %dma_start3A_228 = arith.constant 0 : i32
        %dma_start3A_229 = arith.constant 0 : i32
        %dma_start3A_230 = tpu.memref_slice %arg2[%dma_start3A_228, %dma_start3A_229] : memref<10112x16xf32, #tpu.memory_space<hbm>> -> memref<10112x16xf32, #tpu.memory_space<hbm>>
        tpu.enqueue_indirect_dma source(%dma_start3A_230 : memref<10112x16xf32, #tpu.memory_space<hbm>>) target(%dma_start3A_226 : memref<1000x16xf32, #tpu.memory_space<vmem>>) offsets(%dma_start3A_227 : memref<1000xi32, #tpu.memory_space<vmem>>) semaphore(%arg10 : memref<!tpu.dma_semaphore, #tpu.memory_space<semaphore_mem>>)
      } else {
      }
      %mul3A_152 = arith.constant 2 : i32
      %mul3A_153 = arith.muli %scan3A_108, %mul3A_152 : i32
      %add3A_154 = arith.constant 0 : i32
      %add3A_155 = arith.addi %mul3A_153, %add3A_154 : i32
      %mul3A_156 = arith.constant 2 : i32
      %mul3A_157 = arith.muli %rem3A_109, %mul3A_156 : i32
      %add3A_158 = arith.constant 0 : i32
      %add3A_159 = arith.addi %mul3A_157, %add3A_158 : i32
      %mul3A_160 = arith.constant 1000 : i32
      %mul3A_161 = arith.muli %add3A_159, %mul3A_160 : i32
      %mul3A_162 = arith.constant 1000 : i32
      %mul3A_163 = arith.muli %add3A_155, %mul3A_162 : i32
      %dma_start3A_164 = arith.constant 0 : i32
      %dma_start3A_165 = tpu.memref_slice %arg7[%mul3A_161, %dma_start3A_164] : memref<4000x16xf32, #tpu.memory_space<vmem>> -> memref<1000x16xf32, #tpu.memory_space<vmem>>
      %dma_start3A_166 = tpu.memref_slice %arg6[%mul3A_163] : memref<10000xi32, #tpu.memory_space<vmem>> -> memref<1000xi32, #tpu.memory_space<vmem>>
      %dma_start3A_167 = arith.constant 0 : i32
      %dma_start3A_168 = arith.constant 0 : i32
      %dma_start3A_169 = tpu.memref_slice %arg9[%dma_start3A_167, %dma_start3A_168] : memref<10112x16xf32, #tpu.memory_space<vmem_shared>> -> memref<10112x16xf32, #tpu.memory_space<vmem_shared>>
      tpu.enqueue_indirect_dma source(%dma_start3A_165 : memref<1000x16xf32, #tpu.memory_space<vmem>>) target(%dma_start3A_169 : memref<10112x16xf32, #tpu.memory_space<vmem_shared>>) offsets(%dma_start3A_166 : memref<1000xi32, #tpu.memory_space<vmem>>) semaphore(%arg11 : memref<!tpu.dma_semaphore, #tpu.memory_space<semaphore_mem>>) {add = true}
      %mul3A_170 = arith.constant 2 : i32
      %mul3A_171 = arith.muli %scan3A_108, %mul3A_170 : i32
      %add3A_172 = arith.constant 1 : i32
      %add3A_173 = arith.addi %mul3A_171, %add3A_172 : i32
      %mul3A_174 = arith.constant 2 : i32
      %mul3A_175 = arith.muli %rem3A_109, %mul3A_174 : i32
      %add3A_176 = arith.constant 1 : i32
      %add3A_177 = arith.addi %mul3A_175, %add3A_176 : i32
      %mul3A_178 = arith.constant 1000 : i32
      %mul3A_179 = arith.muli %add3A_177, %mul3A_178 : i32
      %mul3A_180 = arith.constant 1000 : i32
      %mul3A_181 = arith.muli %add3A_173, %mul3A_180 : i32
      %dma_start3A_182 = arith.constant 0 : i32
      %dma_start3A_183 = tpu.memref_slice %arg7[%mul3A_179, %dma_start3A_182] : memref<4000x16xf32, #tpu.memory_space<vmem>> -> memref<1000x16xf32, #tpu.memory_space<vmem>>
      %dma_start3A_184 = tpu.memref_slice %arg6[%mul3A_181] : memref<10000xi32, #tpu.memory_space<vmem>> -> memref<1000xi32, #tpu.memory_space<vmem>>
      %dma_start3A_185 = arith.constant 0 : i32
      %dma_start3A_186 = arith.constant 0 : i32
      %dma_start3A_187 = tpu.memref_slice %arg9[%dma_start3A_185, %dma_start3A_186] : memref<10112x16xf32, #tpu.memory_space<vmem_shared>> -> memref<10112x16xf32, #tpu.memory_space<vmem_shared>>
      tpu.enqueue_indirect_dma source(%dma_start3A_183 : memref<1000x16xf32, #tpu.memory_space<vmem>>) target(%dma_start3A_187 : memref<10112x16xf32, #tpu.memory_space<vmem_shared>>) offsets(%dma_start3A_184 : memref<1000xi32, #tpu.memory_space<vmem>>) semaphore(%arg11 : memref<!tpu.dma_semaphore, #tpu.memory_space<semaphore_mem>>) {add = true}
    }
    %scan3A_67 = arith.constant 5 : i32
    %mul3A_68 = arith.constant 4 : i32
    %mul3A_69 = arith.constant 2 : i32
    %mul3A_70 = arith.muli %mul3A_68, %mul3A_69 : i32
    %add3A_71 = arith.constant 0 : i32
    %add3A_72 = arith.addi %mul3A_70, %add3A_71 : i32
    %mul3A_73 = arith.constant 0 : i32
    %mul3A_74 = arith.constant 2 : i32
    %mul3A_75 = arith.muli %mul3A_73, %mul3A_74 : i32
    %add3A_76 = arith.constant 0 : i32
    %add3A_77 = arith.addi %mul3A_75, %add3A_76 : i32
    %mul3A_78 = arith.constant 1000 : i32
    %mul3A_79 = arith.muli %add3A_77, %mul3A_78 : i32
    %mul3A_80 = arith.constant 1000 : i32
    %mul3A_81 = arith.muli %add3A_72, %mul3A_80 : i32
    %dma_wait3A = arith.constant 0 : i32
    %dma_wait3A_82 = tpu.memref_slice %arg7[%mul3A_79, %dma_wait3A] : memref<4000x16xf32, #tpu.memory_space<vmem>> -> memref<1000x16xf32, #tpu.memory_space<vmem>>
    %dma_wait3A_83 = tpu.memref_slice %arg6[%mul3A_81] : memref<10000xi32, #tpu.memory_space<vmem>> -> memref<1000xi32, #tpu.memory_space<vmem>>
    %dma_wait3A_84 = arith.constant 0 : i32
    %dma_wait3A_85 = arith.constant 0 : i32
    %dma_wait3A_86 = tpu.memref_slice %arg9[%dma_wait3A_84, %dma_wait3A_85] : memref<10112x16xf32, #tpu.memory_space<vmem_shared>> -> memref<10112x16xf32, #tpu.memory_space<vmem_shared>>
    tpu.wait_indirect_dma semaphore(%arg11 : memref<!tpu.dma_semaphore, #tpu.memory_space<semaphore_mem>>) src(%dma_wait3A_82 : memref<1000x16xf32, #tpu.memory_space<vmem>>) dst(%dma_wait3A_86 : memref<10112x16xf32, #tpu.memory_space<vmem_shared>>)
    %mul3A_87 = arith.constant 4 : i32
    %mul3A_88 = arith.constant 2 : i32
    %mul3A_89 = arith.muli %mul3A_87, %mul3A_88 : i32
    %add3A_90 = arith.constant 1 : i32
    %add3A_91 = arith.addi %mul3A_89, %add3A_90 : i32
    %mul3A_92 = arith.constant 0 : i32
    %mul3A_93 = arith.constant 2 : i32
    %mul3A_94 = arith.muli %mul3A_92, %mul3A_93 : i32
    %add3A_95 = arith.constant 1 : i32
    %add3A_96 = arith.addi %mul3A_94, %add3A_95 : i32
    %mul3A_97 = arith.constant 1000 : i32
    %mul3A_98 = arith.muli %add3A_96, %mul3A_97 : i32
    %mul3A_99 = arith.constant 1000 : i32
    %mul3A_100 = arith.muli %add3A_91, %mul3A_99 : i32
    %dma_wait3A_101 = arith.constant 0 : i32
    %dma_wait3A_102 = tpu.memref_slice %arg7[%mul3A_98, %dma_wait3A_101] : memref<4000x16xf32, #tpu.memory_space<vmem>> -> memref<1000x16xf32, #tpu.memory_space<vmem>>
    %dma_wait3A_103 = tpu.memref_slice %arg6[%mul3A_100] : memref<10000xi32, #tpu.memory_space<vmem>> -> memref<1000xi32, #tpu.memory_space<vmem>>
    %dma_wait3A_104 = arith.constant 0 : i32
    %dma_wait3A_105 = arith.constant 0 : i32
    %dma_wait3A_106 = tpu.memref_slice %arg9[%dma_wait3A_104, %dma_wait3A_105] : memref<10112x16xf32, #tpu.memory_space<vmem_shared>> -> memref<10112x16xf32, #tpu.memory_space<vmem_shared>>
    tpu.wait_indirect_dma semaphore(%arg11 : memref<!tpu.dma_semaphore, #tpu.memory_space<semaphore_mem>>) src(%dma_wait3A_102 : memref<1000x16xf32, #tpu.memory_space<vmem>>) dst(%dma_wait3A_106 : memref<10112x16xf32, #tpu.memory_space<vmem_shared>>)
    %barrier3A_107 = arith.constant 0 : index
    tpu.barrier barrier_id(%barrier3A_107)
    "tpu.region"() ({
      %run_scoped3A_108 = tpu.sem_alloc : memref<!tpu.dma_semaphore, #tpu.memory_space<semaphore_mem>>
      %dma_start3A_109 = arith.constant 0 : i32
      %dma_start3A_110 = tpu.memref_slice %arg4[%arg0, %mul3A_8, %dma_start3A_109] : memref<2x10112x16xf32, #tpu.memory_space<hbm>> -> memref<1x632x16xf32, #tpu.memory_space<hbm>>
      %dma_start3A_111 = tpu.memref_squeeze %dma_start3A_110 : memref<1x632x16xf32, #tpu.memory_space<hbm>> -> memref<632x16xf32, #tpu.memory_space<hbm>>
      %dma_start3A_112 = arith.constant 0 : i32
      %dma_start3A_113 = tpu.memref_slice %arg9[%mul3A_8, %dma_start3A_112] : memref<10112x16xf32, #tpu.memory_space<vmem_shared>> -> memref<632x16xf32, #tpu.memory_space<vmem_shared>>
      tpu.enqueue_dma source(%dma_start3A_113 : memref<632x16xf32, #tpu.memory_space<vmem_shared>>) target(%dma_start3A_111 : memref<632x16xf32, #tpu.memory_space<hbm>>) target_semaphore(%run_scoped3A_108 : memref<!tpu.dma_semaphore, #tpu.memory_space<semaphore_mem>>)
      %dma_wait3A_114 = arith.constant 0 : i32
      %dma_wait3A_115 = tpu.memref_slice %arg4[%arg0, %mul3A_8, %dma_wait3A_114] : memref<2x10112x16xf32, #tpu.memory_space<hbm>> -> memref<1x632x16xf32, #tpu.memory_space<hbm>>
      %dma_wait3A_116 = tpu.memref_squeeze %dma_wait3A_115 : memref<1x632x16xf32, #tpu.memory_space<hbm>> -> memref<632x16xf32, #tpu.memory_space<hbm>>
      %dma_wait3A_117 = arith.constant 0 : i32
      %dma_wait3A_118 = tpu.memref_slice %arg9[%mul3A_8, %dma_wait3A_117] : memref<10112x16xf32, #tpu.memory_space<vmem_shared>> -> memref<632x16xf32, #tpu.memory_space<vmem_shared>>
      tpu.wait_dma2 semaphore(%run_scoped3A_108 : memref<!tpu.dma_semaphore, #tpu.memory_space<semaphore_mem>>) src(%dma_wait3A_118 : memref<632x16xf32, #tpu.memory_space<vmem_shared>>) dst(%dma_wait3A_116 : memref<632x16xf32, #tpu.memory_space<hbm>>)
      tpu.yield
    }) : () -> ()
    return
  }
}

#map = affine_map<(d0, d1) -> (0, 0)>
#map1 = affine_map<(d0, d1) -> (0, 0, 0)>
module attributes {stable_mosaic.version = 14 : i64} {
  func.func @prop(%arg0: i32, %arg1: i32, %arg2: memref<10112x48xf32, #tpu.memory_space<hbm>>, %arg3: memref<2x320000xi32, #tpu.memory_space<hbm>>, %arg4: memref<2x10112x48xf32, #tpu.memory_space<hbm>>, %arg5: memref<10000xi32, #tpu.memory_space<vmem>>, %arg6: memref<10000xi32, #tpu.memory_space<vmem>>, %arg7: memref<800x48xf32, #tpu.memory_space<vmem>>, %arg8: memref<160x48xf32, #tpu.memory_space<vmem>>, %arg9: memref<10112x48xf32, #tpu.memory_space<vmem_shared>>, %arg10: memref<!tpu.dma_semaphore, #tpu.memory_space<semaphore_mem>>, %arg11: memref<!tpu.dma_semaphore, #tpu.memory_space<semaphore_mem>>) attributes {dimension_semantics = [#tpu.dimension_semantics<core_parallel>, #tpu.dimension_semantics<subcore_parallel>], iteration_bounds = array<i64: 2, 16>, scalar_prefetch = 0 : i64, scratch_operands = 7 : i64, tpu.core_type = #tpu.core_type<sc_vector_subcore>, window_params = [{transform_indices = #map}, {transform_indices = #map}, {transform_indices = #map1}]} {
    %mul3A = arith.constant 2 : i32
    %mul3A_0 = arith.muli %arg1, %mul3A : i32
    %add3A = arith.addi %mul3A_0, %arg0 : i32
    %broadcast_in_dim3A = arith.constant 0.000000e+00 : f32
    %broadcast_in_dim3A_1 = vector.broadcast %broadcast_in_dim3A : f32 to vector<16xf32>
    %scan3A = arith.constant 0 : i32
    %scan3A_2 = arith.constant 0 : i32
    %scan3A_3 = arith.constant 160 : i32
    %scan3A_4 = arith.addi %scan3A_2, %scan3A_3 : i32
    %scan3A_5 = arith.constant 4 : i32
    scf.for %scan3A_66 = %scan3A_2 to %scan3A_4 step %scan3A_5  : i32 {
      %swap3A = arith.index_cast %scan3A_66 : i32 to index
      %swap3A_67 = arith.constant 0 : index
      %swap3A_68 = tpu.vector_load %arg8[%swap3A, %swap3A_67] {strides = array<i32>} : memref<160x48xf32, #tpu.memory_space<vmem>>, vector<1x16xf32>,
      %swap3A_69 = vector.shape_cast %swap3A_68 : vector<1x16xf32> to vector<16xf32>
      %swap3A_70 = vector.shape_cast %broadcast_in_dim3A_1 : vector<16xf32> to vector<1x16xf32>
      tpu.vector_store %arg8[%swap3A, %swap3A_67], %swap3A_70 {strides = array<i32>} : memref<160x48xf32, #tpu.memory_space<vmem>>, vector<1x16xf32>,
      %swap3A_71 = arith.index_cast %scan3A_66 : i32 to index
      %swap3A_72 = arith.constant 16 : index
      %swap3A_73 = tpu.vector_load %arg8[%swap3A_71, %swap3A_72] {strides = array<i32>} : memref<160x48xf32, #tpu.memory_space<vmem>>, vector<1x16xf32>,
      %swap3A_74 = vector.shape_cast %swap3A_73 : vector<1x16xf32> to vector<16xf32>
      %swap3A_75 = vector.shape_cast %broadcast_in_dim3A_1 : vector<16xf32> to vector<1x16xf32>
      tpu.vector_store %arg8[%swap3A_71, %swap3A_72], %swap3A_75 {strides = array<i32>} : memref<160x48xf32, #tpu.memory_space<vmem>>, vector<1x16xf32>,
      %swap3A_76 = arith.index_cast %scan3A_66 : i32 to index
      %swap3A_77 = arith.constant 32 : index
      %swap3A_78 = tpu.vector_load %arg8[%swap3A_76, %swap3A_77] {strides = array<i32>} : memref<160x48xf32, #tpu.memory_space<vmem>>, vector<1x16xf32>,
      %swap3A_79 = vector.shape_cast %swap3A_78 : vector<1x16xf32> to vector<16xf32>
      %swap3A_80 = vector.shape_cast %broadcast_in_dim3A_1 : vector<16xf32> to vector<1x16xf32>
      tpu.vector_store %arg8[%swap3A_76, %swap3A_77], %swap3A_80 {strides = array<i32>} : memref<160x48xf32, #tpu.memory_space<vmem>>, vector<1x16xf32>,
      %scan3A_81 = arith.constant 1 : i32
      %scan3A_82 = arith.addi %scan3A_66, %scan3A_81 : i32
      %swap3A_83 = arith.index_cast %scan3A_82 : i32 to index
      %swap3A_84 = arith.constant 0 : index
      %swap3A_85 = tpu.vector_load %arg8[%swap3A_83, %swap3A_84] {strides = array<i32>} : memref<160x48xf32, #tpu.memory_space<vmem>>, vector<1x16xf32>,
      %swap3A_86 = vector.shape_cast %swap3A_85 : vector<1x16xf32> to vector<16xf32>
      %swap3A_87 = vector.shape_cast %broadcast_in_dim3A_1 : vector<16xf32> to vector<1x16xf32>
      tpu.vector_store %arg8[%swap3A_83, %swap3A_84], %swap3A_87 {strides = array<i32>} : memref<160x48xf32, #tpu.memory_space<vmem>>, vector<1x16xf32>,
      %swap3A_88 = arith.index_cast %scan3A_82 : i32 to index
      %swap3A_89 = arith.constant 16 : index
      %swap3A_90 = tpu.vector_load %arg8[%swap3A_88, %swap3A_89] {strides = array<i32>} : memref<160x48xf32, #tpu.memory_space<vmem>>, vector<1x16xf32>,
      %swap3A_91 = vector.shape_cast %swap3A_90 : vector<1x16xf32> to vector<16xf32>
      %swap3A_92 = vector.shape_cast %broadcast_in_dim3A_1 : vector<16xf32> to vector<1x16xf32>
      tpu.vector_store %arg8[%swap3A_88, %swap3A_89], %swap3A_92 {strides = array<i32>} : memref<160x48xf32, #tpu.memory_space<vmem>>, vector<1x16xf32>,
      %swap3A_93 = arith.index_cast %scan3A_82 : i32 to index
      %swap3A_94 = arith.constant 32 : index
      %swap3A_95 = tpu.vector_load %arg8[%swap3A_93, %swap3A_94] {strides = array<i32>} : memref<160x48xf32, #tpu.memory_space<vmem>>, vector<1x16xf32>,
      %swap3A_96 = vector.shape_cast %swap3A_95 : vector<1x16xf32> to vector<16xf32>
      %swap3A_97 = vector.shape_cast %broadcast_in_dim3A_1 : vector<16xf32> to vector<1x16xf32>
      tpu.vector_store %arg8[%swap3A_93, %swap3A_94], %swap3A_97 {strides = array<i32>} : memref<160x48xf32, #tpu.memory_space<vmem>>, vector<1x16xf32>,
      %scan3A_98 = arith.constant 2 : i32
      %scan3A_99 = arith.addi %scan3A_66, %scan3A_98 : i32
      %swap3A_100 = arith.index_cast %scan3A_99 : i32 to index
      %swap3A_101 = arith.constant 0 : index
      %swap3A_102 = tpu.vector_load %arg8[%swap3A_100, %swap3A_101] {strides = array<i32>} : memref<160x48xf32, #tpu.memory_space<vmem>>, vector<1x16xf32>,
      %swap3A_103 = vector.shape_cast %swap3A_102 : vector<1x16xf32> to vector<16xf32>
      %swap3A_104 = vector.shape_cast %broadcast_in_dim3A_1 : vector<16xf32> to vector<1x16xf32>
      tpu.vector_store %arg8[%swap3A_100, %swap3A_101], %swap3A_104 {strides = array<i32>} : memref<160x48xf32, #tpu.memory_space<vmem>>, vector<1x16xf32>,
      %swap3A_105 = arith.index_cast %scan3A_99 : i32 to index
      %swap3A_106 = arith.constant 16 : index
      %swap3A_107 = tpu.vector_load %arg8[%swap3A_105, %swap3A_106] {strides = array<i32>} : memref<160x48xf32, #tpu.memory_space<vmem>>, vector<1x16xf32>,
      %swap3A_108 = vector.shape_cast %swap3A_107 : vector<1x16xf32> to vector<16xf32>
      %swap3A_109 = vector.shape_cast %broadcast_in_dim3A_1 : vector<16xf32> to vector<1x16xf32>
      tpu.vector_store %arg8[%swap3A_105, %swap3A_106], %swap3A_109 {strides = array<i32>} : memref<160x48xf32, #tpu.memory_space<vmem>>, vector<1x16xf32>,
      %swap3A_110 = arith.index_cast %scan3A_99 : i32 to index
      %swap3A_111 = arith.constant 32 : index
      %swap3A_112 = tpu.vector_load %arg8[%swap3A_110, %swap3A_111] {strides = array<i32>} : memref<160x48xf32, #tpu.memory_space<vmem>>, vector<1x16xf32>,
      %swap3A_113 = vector.shape_cast %swap3A_112 : vector<1x16xf32> to vector<16xf32>
      %swap3A_114 = vector.shape_cast %broadcast_in_dim3A_1 : vector<16xf32> to vector<1x16xf32>
      tpu.vector_store %arg8[%swap3A_110, %swap3A_111], %swap3A_114 {strides = array<i32>} : memref<160x48xf32, #tpu.memory_space<vmem>>, vector<1x16xf32>,
      %scan3A_115 = arith.constant 3 : i32
      %scan3A_116 = arith.addi %scan3A_66, %scan3A_115 : i32
      %swap3A_117 = arith.index_cast %scan3A_116 : i32 to index
      %swap3A_118 = arith.constant 0 : index
      %swap3A_119 = tpu.vector_load %arg8[%swap3A_117, %swap3A_118] {strides = array<i32>} : memref<160x48xf32, #tpu.memory_space<vmem>>, vector<1x16xf32>,
      %swap3A_120 = vector.shape_cast %swap3A_119 : vector<1x16xf32> to vector<16xf32>
      %swap3A_121 = vector.shape_cast %broadcast_in_dim3A_1 : vector<16xf32> to vector<1x16xf32>
      tpu.vector_store %arg8[%swap3A_117, %swap3A_118], %swap3A_121 {strides = array<i32>} : memref<160x48xf32, #tpu.memory_space<vmem>>, vector<1x16xf32>,
      %swap3A_122 = arith.index_cast %scan3A_116 : i32 to index
      %swap3A_123 = arith.constant 16 : index
      %swap3A_124 = tpu.vector_load %arg8[%swap3A_122, %swap3A_123] {strides = array<i32>} : memref<160x48xf32, #tpu.memory_space<vmem>>, vector<1x16xf32>,
      %swap3A_125 = vector.shape_cast %swap3A_124 : vector<1x16xf32> to vector<16xf32>
      %swap3A_126 = vector.shape_cast %broadcast_in_dim3A_1 : vector<16xf32> to vector<1x16xf32>
      tpu.vector_store %arg8[%swap3A_122, %swap3A_123], %swap3A_126 {strides = array<i32>} : memref<160x48xf32, #tpu.memory_space<vmem>>, vector<1x16xf32>,
      %swap3A_127 = arith.index_cast %scan3A_116 : i32 to index
      %swap3A_128 = arith.constant 32 : index
      %swap3A_129 = tpu.vector_load %arg8[%swap3A_127, %swap3A_128] {strides = array<i32>} : memref<160x48xf32, #tpu.memory_space<vmem>>, vector<1x16xf32>,
      %swap3A_130 = vector.shape_cast %swap3A_129 : vector<1x16xf32> to vector<16xf32>
      %swap3A_131 = vector.shape_cast %broadcast_in_dim3A_1 : vector<16xf32> to vector<1x16xf32>
      tpu.vector_store %arg8[%swap3A_127, %swap3A_128], %swap3A_131 {strides = array<i32>} : memref<160x48xf32, #tpu.memory_space<vmem>>, vector<1x16xf32>,
    }
    %scan3A_6 = arith.constant 160 : i32
    %mul3A_7 = arith.constant 632 : i32
    %mul3A_8 = arith.muli %arg1, %mul3A_7 : i32
    %add3A_9 = arith.constant 0 : i32
    %add3A_10 = arith.addi %mul3A_8, %add3A_9 : i32
    "tpu.region"() ({
      %run_scoped3A_66 = tpu.sem_alloc : memref<!tpu.dma_semaphore, #tpu.memory_space<semaphore_mem>>
      %dma_start3A_67 = arith.constant 0 : i32
      %dma_start3A_68 = arith.constant 0 : i32
      %dma_start3A_69 = tpu.memref_slice %arg8[%dma_start3A_67, %dma_start3A_68] : memref<160x48xf32, #tpu.memory_space<vmem>> -> memref<160x48xf32, #tpu.memory_space<vmem>>
      %dma_start3A_70 = arith.constant 0 : i32
      %dma_start3A_71 = tpu.memref_slice %arg9[%add3A_10, %dma_start3A_70] : memref<10112x48xf32, #tpu.memory_space<vmem_shared>> -> memref<160x48xf32, #tpu.memory_space<vmem_shared>>
      %dma_start3A_72 = arith.constant 0 : i32
      %dma_start3A_73 = tpu.memref_slice %arg9[%add3A_10, %dma_start3A_72] : memref<10112x48xf32, #tpu.memory_space<vmem_shared>> -> memref<160x48xf32, #tpu.memory_space<vmem_shared>>
      %dma_start3A_74 = arith.constant 0 : i32
      %dma_start3A_75 = arith.constant 0 : i32
      %dma_start3A_76 = tpu.memref_slice %arg8[%dma_start3A_74, %dma_start3A_75] : memref<160x48xf32, #tpu.memory_space<vmem>> -> memref<160x48xf32, #tpu.memory_space<vmem>>
      tpu.enqueue_dma source(%dma_start3A_76 : memref<160x48xf32, #tpu.memory_space<vmem>>) target(%dma_start3A_73 : memref<160x48xf32, #tpu.memory_space<vmem_shared>>) target_semaphore(%run_scoped3A_66 : memref<!tpu.dma_semaphore, #tpu.memory_space<semaphore_mem>>)
      %dma_wait3A_77 = arith.constant 0 : i32
      %dma_wait3A_78 = arith.constant 0 : i32
      %dma_wait3A_79 = tpu.memref_slice %arg8[%dma_wait3A_77, %dma_wait3A_78] : memref<160x48xf32, #tpu.memory_space<vmem>> -> memref<160x48xf32, #tpu.memory_space<vmem>>
      %dma_wait3A_80 = arith.constant 0 : i32
      %dma_wait3A_81 = tpu.memref_slice %arg9[%add3A_10, %dma_wait3A_80] : memref<10112x48xf32, #tpu.memory_space<vmem_shared>> -> memref<160x48xf32, #tpu.memory_space<vmem_shared>>
      %dma_wait3A_82 = arith.constant 0 : i32
      %dma_wait3A_83 = tpu.memref_slice %arg9[%add3A_10, %dma_wait3A_82] : memref<10112x48xf32, #tpu.memory_space<vmem_shared>> -> memref<160x48xf32, #tpu.memory_space<vmem_shared>>
      %dma_wait3A_84 = arith.constant 0 : i32
      %dma_wait3A_85 = arith.constant 0 : i32
      %dma_wait3A_86 = tpu.memref_slice %arg8[%dma_wait3A_84, %dma_wait3A_85] : memref<160x48xf32, #tpu.memory_space<vmem>> -> memref<160x48xf32, #tpu.memory_space<vmem>>
      tpu.wait_dma2 semaphore(%run_scoped3A_66 : memref<!tpu.dma_semaphore, #tpu.memory_space<semaphore_mem>>) src(%dma_wait3A_86 : memref<160x48xf32, #tpu.memory_space<vmem>>) dst(%dma_wait3A_83 : memref<160x48xf32, #tpu.memory_space<vmem_shared>>)
      tpu.yield
    }) : () -> ()
    %add3A_11 = arith.constant 160 : i32
    %add3A_12 = arith.addi %mul3A_8, %add3A_11 : i32
    "tpu.region"() ({
      %run_scoped3A_66 = tpu.sem_alloc : memref<!tpu.dma_semaphore, #tpu.memory_space<semaphore_mem>>
      %dma_start3A_67 = arith.constant 0 : i32
      %dma_start3A_68 = arith.constant 0 : i32
      %dma_start3A_69 = tpu.memref_slice %arg8[%dma_start3A_67, %dma_start3A_68] : memref<160x48xf32, #tpu.memory_space<vmem>> -> memref<160x48xf32, #tpu.memory_space<vmem>>
      %dma_start3A_70 = arith.constant 0 : i32
      %dma_start3A_71 = tpu.memref_slice %arg9[%add3A_12, %dma_start3A_70] : memref<10112x48xf32, #tpu.memory_space<vmem_shared>> -> memref<160x48xf32, #tpu.memory_space<vmem_shared>>
      %dma_start3A_72 = arith.constant 0 : i32
      %dma_start3A_73 = tpu.memref_slice %arg9[%add3A_12, %dma_start3A_72] : memref<10112x48xf32, #tpu.memory_space<vmem_shared>> -> memref<160x48xf32, #tpu.memory_space<vmem_shared>>
      %dma_start3A_74 = arith.constant 0 : i32
      %dma_start3A_75 = arith.constant 0 : i32
      %dma_start3A_76 = tpu.memref_slice %arg8[%dma_start3A_74, %dma_start3A_75] : memref<160x48xf32, #tpu.memory_space<vmem>> -> memref<160x48xf32, #tpu.memory_space<vmem>>
      tpu.enqueue_dma source(%dma_start3A_76 : memref<160x48xf32, #tpu.memory_space<vmem>>) target(%dma_start3A_73 : memref<160x48xf32, #tpu.memory_space<vmem_shared>>) target_semaphore(%run_scoped3A_66 : memref<!tpu.dma_semaphore, #tpu.memory_space<semaphore_mem>>)
      %dma_wait3A_77 = arith.constant 0 : i32
      %dma_wait3A_78 = arith.constant 0 : i32
      %dma_wait3A_79 = tpu.memref_slice %arg8[%dma_wait3A_77, %dma_wait3A_78] : memref<160x48xf32, #tpu.memory_space<vmem>> -> memref<160x48xf32, #tpu.memory_space<vmem>>
      %dma_wait3A_80 = arith.constant 0 : i32
      %dma_wait3A_81 = tpu.memref_slice %arg9[%add3A_12, %dma_wait3A_80] : memref<10112x48xf32, #tpu.memory_space<vmem_shared>> -> memref<160x48xf32, #tpu.memory_space<vmem_shared>>
      %dma_wait3A_82 = arith.constant 0 : i32
      %dma_wait3A_83 = tpu.memref_slice %arg9[%add3A_12, %dma_wait3A_82] : memref<10112x48xf32, #tpu.memory_space<vmem_shared>> -> memref<160x48xf32, #tpu.memory_space<vmem_shared>>
      %dma_wait3A_84 = arith.constant 0 : i32
      %dma_wait3A_85 = arith.constant 0 : i32
      %dma_wait3A_86 = tpu.memref_slice %arg8[%dma_wait3A_84, %dma_wait3A_85] : memref<160x48xf32, #tpu.memory_space<vmem>> -> memref<160x48xf32, #tpu.memory_space<vmem>>
      tpu.wait_dma2 semaphore(%run_scoped3A_66 : memref<!tpu.dma_semaphore, #tpu.memory_space<semaphore_mem>>) src(%dma_wait3A_86 : memref<160x48xf32, #tpu.memory_space<vmem>>) dst(%dma_wait3A_83 : memref<160x48xf32, #tpu.memory_space<vmem_shared>>)
      tpu.yield
    }) : () -> ()
    %add3A_13 = arith.constant 320 : i32
    %add3A_14 = arith.addi %mul3A_8, %add3A_13 : i32
    "tpu.region"() ({
      %run_scoped3A_66 = tpu.sem_alloc : memref<!tpu.dma_semaphore, #tpu.memory_space<semaphore_mem>>
      %dma_start3A_67 = arith.constant 0 : i32
      %dma_start3A_68 = arith.constant 0 : i32
      %dma_start3A_69 = tpu.memref_slice %arg8[%dma_start3A_67, %dma_start3A_68] : memref<160x48xf32, #tpu.memory_space<vmem>> -> memref<160x48xf32, #tpu.memory_space<vmem>>
      %dma_start3A_70 = arith.constant 0 : i32
      %dma_start3A_71 = tpu.memref_slice %arg9[%add3A_14, %dma_start3A_70] : memref<10112x48xf32, #tpu.memory_space<vmem_shared>> -> memref<160x48xf32, #tpu.memory_space<vmem_shared>>
      %dma_start3A_72 = arith.constant 0 : i32
      %dma_start3A_73 = tpu.memref_slice %arg9[%add3A_14, %dma_start3A_72] : memref<10112x48xf32, #tpu.memory_space<vmem_shared>> -> memref<160x48xf32, #tpu.memory_space<vmem_shared>>
      %dma_start3A_74 = arith.constant 0 : i32
      %dma_start3A_75 = arith.constant 0 : i32
      %dma_start3A_76 = tpu.memref_slice %arg8[%dma_start3A_74, %dma_start3A_75] : memref<160x48xf32, #tpu.memory_space<vmem>> -> memref<160x48xf32, #tpu.memory_space<vmem>>
      tpu.enqueue_dma source(%dma_start3A_76 : memref<160x48xf32, #tpu.memory_space<vmem>>) target(%dma_start3A_73 : memref<160x48xf32, #tpu.memory_space<vmem_shared>>) target_semaphore(%run_scoped3A_66 : memref<!tpu.dma_semaphore, #tpu.memory_space<semaphore_mem>>)
      %dma_wait3A_77 = arith.constant 0 : i32
      %dma_wait3A_78 = arith.constant 0 : i32
      %dma_wait3A_79 = tpu.memref_slice %arg8[%dma_wait3A_77, %dma_wait3A_78] : memref<160x48xf32, #tpu.memory_space<vmem>> -> memref<160x48xf32, #tpu.memory_space<vmem>>
      %dma_wait3A_80 = arith.constant 0 : i32
      %dma_wait3A_81 = tpu.memref_slice %arg9[%add3A_14, %dma_wait3A_80] : memref<10112x48xf32, #tpu.memory_space<vmem_shared>> -> memref<160x48xf32, #tpu.memory_space<vmem_shared>>
      %dma_wait3A_82 = arith.constant 0 : i32
      %dma_wait3A_83 = tpu.memref_slice %arg9[%add3A_14, %dma_wait3A_82] : memref<10112x48xf32, #tpu.memory_space<vmem_shared>> -> memref<160x48xf32, #tpu.memory_space<vmem_shared>>
      %dma_wait3A_84 = arith.constant 0 : i32
      %dma_wait3A_85 = arith.constant 0 : i32
      %dma_wait3A_86 = tpu.memref_slice %arg8[%dma_wait3A_84, %dma_wait3A_85] : memref<160x48xf32, #tpu.memory_space<vmem>> -> memref<160x48xf32, #tpu.memory_space<vmem>>
      tpu.wait_dma2 semaphore(%run_scoped3A_66 : memref<!tpu.dma_semaphore, #tpu.memory_space<semaphore_mem>>) src(%dma_wait3A_86 : memref<160x48xf32, #tpu.memory_space<vmem>>) dst(%dma_wait3A_83 : memref<160x48xf32, #tpu.memory_space<vmem_shared>>)
      tpu.yield
    }) : () -> ()
    %add3A_15 = arith.constant 480 : i32
    %add3A_16 = arith.addi %mul3A_8, %add3A_15 : i32
    "tpu.region"() ({
      %run_scoped3A_66 = tpu.sem_alloc : memref<!tpu.dma_semaphore, #tpu.memory_space<semaphore_mem>>
      %dma_start3A_67 = arith.constant 0 : i32
      %dma_start3A_68 = arith.constant 0 : i32
      %dma_start3A_69 = tpu.memref_slice %arg8[%dma_start3A_67, %dma_start3A_68] : memref<160x48xf32, #tpu.memory_space<vmem>> -> memref<152x48xf32, #tpu.memory_space<vmem>>
      %dma_start3A_70 = arith.constant 0 : i32
      %dma_start3A_71 = tpu.memref_slice %arg9[%add3A_16, %dma_start3A_70] : memref<10112x48xf32, #tpu.memory_space<vmem_shared>> -> memref<152x48xf32, #tpu.memory_space<vmem_shared>>
      %dma_start3A_72 = arith.constant 0 : i32
      %dma_start3A_73 = tpu.memref_slice %arg9[%add3A_16, %dma_start3A_72] : memref<10112x48xf32, #tpu.memory_space<vmem_shared>> -> memref<152x48xf32, #tpu.memory_space<vmem_shared>>
      %dma_start3A_74 = arith.constant 0 : i32
      %dma_start3A_75 = arith.constant 0 : i32
      %dma_start3A_76 = tpu.memref_slice %arg8[%dma_start3A_74, %dma_start3A_75] : memref<160x48xf32, #tpu.memory_space<vmem>> -> memref<152x48xf32, #tpu.memory_space<vmem>>
      tpu.enqueue_dma source(%dma_start3A_76 : memref<152x48xf32, #tpu.memory_space<vmem>>) target(%dma_start3A_73 : memref<152x48xf32, #tpu.memory_space<vmem_shared>>) target_semaphore(%run_scoped3A_66 : memref<!tpu.dma_semaphore, #tpu.memory_space<semaphore_mem>>)
      %dma_wait3A_77 = arith.constant 0 : i32
      %dma_wait3A_78 = arith.constant 0 : i32
      %dma_wait3A_79 = tpu.memref_slice %arg8[%dma_wait3A_77, %dma_wait3A_78] : memref<160x48xf32, #tpu.memory_space<vmem>> -> memref<152x48xf32, #tpu.memory_space<vmem>>
      %dma_wait3A_80 = arith.constant 0 : i32
      %dma_wait3A_81 = tpu.memref_slice %arg9[%add3A_16, %dma_wait3A_80] : memref<10112x48xf32, #tpu.memory_space<vmem_shared>> -> memref<152x48xf32, #tpu.memory_space<vmem_shared>>
      %dma_wait3A_82 = arith.constant 0 : i32
      %dma_wait3A_83 = tpu.memref_slice %arg9[%add3A_16, %dma_wait3A_82] : memref<10112x48xf32, #tpu.memory_space<vmem_shared>> -> memref<152x48xf32, #tpu.memory_space<vmem_shared>>
      %dma_wait3A_84 = arith.constant 0 : i32
      %dma_wait3A_85 = arith.constant 0 : i32
      %dma_wait3A_86 = tpu.memref_slice %arg8[%dma_wait3A_84, %dma_wait3A_85] : memref<160x48xf32, #tpu.memory_space<vmem>> -> memref<152x48xf32, #tpu.memory_space<vmem>>
      tpu.wait_dma2 semaphore(%run_scoped3A_66 : memref<!tpu.dma_semaphore, #tpu.memory_space<semaphore_mem>>) src(%dma_wait3A_86 : memref<152x48xf32, #tpu.memory_space<vmem>>) dst(%dma_wait3A_83 : memref<152x48xf32, #tpu.memory_space<vmem_shared>>)
      tpu.yield
    }) : () -> ()
    %barrier3A = arith.constant 0 : index
    tpu.barrier barrier_id(%barrier3A)
    %mul3A_17 = arith.constant 10000 : i32
    %mul3A_18 = arith.muli %add3A, %mul3A_17 : i32
    %run_scoped3A = arith.constant 0 : i32
    "tpu.region"() ({
      %run_scoped3A_66 = tpu.sem_alloc : memref<!tpu.dma_semaphore, #tpu.memory_space<semaphore_mem>>
      %dma_start3A_67 = tpu.memref_slice %arg3[%run_scoped3A, %mul3A_18] : memref<2x320000xi32, #tpu.memory_space<hbm>> -> memref<1x10000xi32, #tpu.memory_space<hbm>>
      %dma_start3A_68 = tpu.memref_squeeze %dma_start3A_67 : memref<1x10000xi32, #tpu.memory_space<hbm>> -> memref<10000xi32, #tpu.memory_space<hbm>>
      %dma_start3A_69 = tpu.memref_slice %arg3[%run_scoped3A, %mul3A_18] : memref<2x320000xi32, #tpu.memory_space<hbm>> -> memref<1x10000xi32, #tpu.memory_space<hbm>>
      %dma_start3A_70 = tpu.memref_squeeze %dma_start3A_69 : memref<1x10000xi32, #tpu.memory_space<hbm>> -> memref<10000xi32, #tpu.memory_space<hbm>>
      tpu.enqueue_dma source(%dma_start3A_70 : memref<10000xi32, #tpu.memory_space<hbm>>) target(%arg5 : memref<10000xi32, #tpu.memory_space<vmem>>) target_semaphore(%run_scoped3A_66 : memref<!tpu.dma_semaphore, #tpu.memory_space<semaphore_mem>>)
      %dma_wait3A_71 = tpu.memref_slice %arg3[%run_scoped3A, %mul3A_18] : memref<2x320000xi32, #tpu.memory_space<hbm>> -> memref<1x10000xi32, #tpu.memory_space<hbm>>
      %dma_wait3A_72 = tpu.memref_squeeze %dma_wait3A_71 : memref<1x10000xi32, #tpu.memory_space<hbm>> -> memref<10000xi32, #tpu.memory_space<hbm>>
      %dma_wait3A_73 = tpu.memref_slice %arg3[%run_scoped3A, %mul3A_18] : memref<2x320000xi32, #tpu.memory_space<hbm>> -> memref<1x10000xi32, #tpu.memory_space<hbm>>
      %dma_wait3A_74 = tpu.memref_squeeze %dma_wait3A_73 : memref<1x10000xi32, #tpu.memory_space<hbm>> -> memref<10000xi32, #tpu.memory_space<hbm>>
      tpu.wait_dma2 semaphore(%run_scoped3A_66 : memref<!tpu.dma_semaphore, #tpu.memory_space<semaphore_mem>>) src(%dma_wait3A_74 : memref<10000xi32, #tpu.memory_space<hbm>>) dst(%arg5 : memref<10000xi32, #tpu.memory_space<vmem>>)
      tpu.yield
    }) : () -> ()
    %run_scoped3A_19 = arith.constant 1 : i32
    "tpu.region"() ({
      %run_scoped3A_66 = tpu.sem_alloc : memref<!tpu.dma_semaphore, #tpu.memory_space<semaphore_mem>>
      %dma_start3A_67 = tpu.memref_slice %arg3[%run_scoped3A_19, %mul3A_18] : memref<2x320000xi32, #tpu.memory_space<hbm>> -> memref<1x10000xi32, #tpu.memory_space<hbm>>
      %dma_start3A_68 = tpu.memref_squeeze %dma_start3A_67 : memref<1x10000xi32, #tpu.memory_space<hbm>> -> memref<10000xi32, #tpu.memory_space<hbm>>
      %dma_start3A_69 = tpu.memref_slice %arg3[%run_scoped3A_19, %mul3A_18] : memref<2x320000xi32, #tpu.memory_space<hbm>> -> memref<1x10000xi32, #tpu.memory_space<hbm>>
      %dma_start3A_70 = tpu.memref_squeeze %dma_start3A_69 : memref<1x10000xi32, #tpu.memory_space<hbm>> -> memref<10000xi32, #tpu.memory_space<hbm>>
      tpu.enqueue_dma source(%dma_start3A_70 : memref<10000xi32, #tpu.memory_space<hbm>>) target(%arg6 : memref<10000xi32, #tpu.memory_space<vmem>>) target_semaphore(%run_scoped3A_66 : memref<!tpu.dma_semaphore, #tpu.memory_space<semaphore_mem>>)
      %dma_wait3A_71 = tpu.memref_slice %arg3[%run_scoped3A_19, %mul3A_18] : memref<2x320000xi32, #tpu.memory_space<hbm>> -> memref<1x10000xi32, #tpu.memory_space<hbm>>
      %dma_wait3A_72 = tpu.memref_squeeze %dma_wait3A_71 : memref<1x10000xi32, #tpu.memory_space<hbm>> -> memref<10000xi32, #tpu.memory_space<hbm>>
      %dma_wait3A_73 = tpu.memref_slice %arg3[%run_scoped3A_19, %mul3A_18] : memref<2x320000xi32, #tpu.memory_space<hbm>> -> memref<1x10000xi32, #tpu.memory_space<hbm>>
      %dma_wait3A_74 = tpu.memref_squeeze %dma_wait3A_73 : memref<1x10000xi32, #tpu.memory_space<hbm>> -> memref<10000xi32, #tpu.memory_space<hbm>>
      tpu.wait_dma2 semaphore(%run_scoped3A_66 : memref<!tpu.dma_semaphore, #tpu.memory_space<semaphore_mem>>) src(%dma_wait3A_74 : memref<10000xi32, #tpu.memory_space<hbm>>) dst(%arg6 : memref<10000xi32, #tpu.memory_space<vmem>>)
      tpu.yield
    }) : () -> ()
    %mul3A_20 = arith.constant 0 : i32
    %mul3A_21 = arith.constant 1 : i32
    %mul3A_22 = arith.muli %mul3A_20, %mul3A_21 : i32
    %add3A_23 = arith.constant 0 : i32
    %add3A_24 = arith.addi %mul3A_22, %add3A_23 : i32
    %min3A = arith.constant 24 : i32
    %min3A_25 = arith.minsi %add3A_24, %min3A : i32
    %mul3A_26 = arith.constant 400 : i32
    %mul3A_27 = arith.muli %min3A_25, %mul3A_26 : i32
    %mul3A_28 = arith.constant 0 : i32
    %mul3A_29 = arith.constant 1 : i32
    %mul3A_30 = arith.muli %mul3A_28, %mul3A_29 : i32
    %add3A_31 = arith.constant 0 : i32
    %add3A_32 = arith.addi %mul3A_30, %add3A_31 : i32
    %mul3A_33 = arith.constant 400 : i32
    %mul3A_34 = arith.muli %add3A_32, %mul3A_33 : i32
    %dma_start3A = arith.constant 0 : i32
    %dma_start3A_35 = tpu.memref_slice %arg7[%mul3A_34, %dma_start3A] : memref<800x48xf32, #tpu.memory_space<vmem>> -> memref<400x48xf32, #tpu.memory_space<vmem>>
    %dma_start3A_36 = tpu.memref_slice %arg5[%mul3A_27] : memref<10000xi32, #tpu.memory_space<vmem>> -> memref<400xi32, #tpu.memory_space<vmem>>
    %dma_start3A_37 = arith.constant 0 : i32
    %dma_start3A_38 = arith.constant 0 : i32
    %dma_start3A_39 = tpu.memref_slice %arg2[%dma_start3A_37, %dma_start3A_38] : memref<10112x48xf32, #tpu.memory_space<hbm>> -> memref<10112x48xf32, #tpu.memory_space<hbm>>
    tpu.enqueue_indirect_dma source(%dma_start3A_39 : memref<10112x48xf32, #tpu.memory_space<hbm>>) target(%dma_start3A_35 : memref<400x48xf32, #tpu.memory_space<vmem>>) offsets(%dma_start3A_36 : memref<400xi32, #tpu.memory_space<vmem>>) semaphore(%arg10 : memref<!tpu.dma_semaphore, #tpu.memory_space<semaphore_mem>>)
    %scan3A_40 = arith.constant 0 : i32
    %scan3A_41 = arith.constant 0 : i32
    %scan3A_42 = arith.constant 25 : i32
    %scan3A_43 = arith.addi %scan3A_41, %scan3A_42 : i32
    %scan3A_44 = arith.constant 1 : i32
    scf.for %scan3A_66 = %scan3A_41 to %scan3A_43 step %scan3A_44  : i32 {
      %rem3A = arith.constant 2 : i32
      %rem3A_67 = arith.remsi %scan3A_66, %rem3A : i32
      %mul3A_68 = arith.constant 1 : i32
      %mul3A_69 = arith.muli %scan3A_66, %mul3A_68 : i32
      %add3A_70 = arith.constant 0 : i32
      %add3A_71 = arith.addi %mul3A_69, %add3A_70 : i32
      %mul3A_72 = arith.constant 400 : i32
      %mul3A_73 = arith.muli %add3A_71, %mul3A_72 : i32
      %mul3A_74 = arith.constant 1 : i32
      %mul3A_75 = arith.muli %rem3A_67, %mul3A_74 : i32
      %add3A_76 = arith.constant 0 : i32
      %add3A_77 = arith.addi %mul3A_75, %add3A_76 : i32
      %mul3A_78 = arith.constant 400 : i32
      %mul3A_79 = arith.muli %add3A_77, %mul3A_78 : i32
      %dma_wait3A_80 = arith.constant 0 : i32
      %dma_wait3A_81 = tpu.memref_slice %arg7[%mul3A_79, %dma_wait3A_80] : memref<800x48xf32, #tpu.memory_space<vmem>> -> memref<400x48xf32, #tpu.memory_space<vmem>>
      %dma_wait3A_82 = tpu.memref_slice %arg5[%mul3A_73] : memref<10000xi32, #tpu.memory_space<vmem>> -> memref<400xi32, #tpu.memory_space<vmem>>
      %dma_wait3A_83 = arith.constant 0 : i32
      %dma_wait3A_84 = arith.constant 0 : i32
      %dma_wait3A_85 = tpu.memref_slice %arg2[%dma_wait3A_83, %dma_wait3A_84] : memref<10112x48xf32, #tpu.memory_space<hbm>> -> memref<10112x48xf32, #tpu.memory_space<hbm>>
      tpu.wait_indirect_dma semaphore(%arg10 : memref<!tpu.dma_semaphore, #tpu.memory_space<semaphore_mem>>) src(%dma_wait3A_85 : memref<10112x48xf32, #tpu.memory_space<hbm>>) dst(%dma_wait3A_81 : memref<400x48xf32, #tpu.memory_space<vmem>>)
      %gt3A = arith.constant 0 : i32
      %gt3A_86 = arith.cmpi sgt, %scan3A_66, %gt3A : i32
      %convert_element_type3A = arith.extui %gt3A_86 : i1 to i32
      %cond3A = arith.constant 0 : i32
      %cond3A_87 = arith.cmpi ne, %convert_element_type3A, %cond3A : i32
      scf.if %cond3A_87 {
        %sub3A = arith.constant 1 : i32
        %sub3A_110 = arith.subi %scan3A_66, %sub3A : i32
        %sub3A_111 = arith.constant 1 : i32
        %sub3A_112 = arith.subi %sub3A_111, %rem3A_67 : i32
        %mul3A_113 = arith.constant 1 : i32
        %mul3A_114 = arith.muli %sub3A_110, %mul3A_113 : i32
        %add3A_115 = arith.constant 0 : i32
        %add3A_116 = arith.addi %mul3A_114, %add3A_115 : i32
        %mul3A_117 = arith.constant 1 : i32
        %mul3A_118 = arith.muli %sub3A_112, %mul3A_117 : i32
        %add3A_119 = arith.constant 0 : i32
        %add3A_120 = arith.addi %mul3A_118, %add3A_119 : i32
        %mul3A_121 = arith.constant 400 : i32
        %mul3A_122 = arith.muli %add3A_120, %mul3A_121 : i32
        %mul3A_123 = arith.constant 400 : i32
        %mul3A_124 = arith.muli %add3A_116, %mul3A_123 : i32
        %dma_wait3A_125 = arith.constant 0 : i32
        %dma_wait3A_126 = tpu.memref_slice %arg7[%mul3A_122, %dma_wait3A_125] : memref<800x48xf32, #tpu.memory_space<vmem>> -> memref<400x48xf32, #tpu.memory_space<vmem>>
        %dma_wait3A_127 = tpu.memref_slice %arg6[%mul3A_124] : memref<10000xi32, #tpu.memory_space<vmem>> -> memref<400xi32, #tpu.memory_space<vmem>>
        %dma_wait3A_128 = arith.constant 0 : i32
        %dma_wait3A_129 = arith.constant 0 : i32
        %dma_wait3A_130 = tpu.memref_slice %arg9[%dma_wait3A_128, %dma_wait3A_129] : memref<10112x48xf32, #tpu.memory_space<vmem_shared>> -> memref<10112x48xf32, #tpu.memory_space<vmem_shared>>
        tpu.wait_indirect_dma semaphore(%arg11 : memref<!tpu.dma_semaphore, #tpu.memory_space<semaphore_mem>>) src(%dma_wait3A_126 : memref<400x48xf32, #tpu.memory_space<vmem>>) dst(%dma_wait3A_130 : memref<10112x48xf32, #tpu.memory_space<vmem_shared>>)
      } else {
      }
      %lt3A = arith.constant 24 : i32
      %lt3A_88 = arith.cmpi slt, %scan3A_66, %lt3A : i32
      %convert_element_type3A_89 = arith.extui %lt3A_88 : i1 to i32
      %cond3A_90 = arith.constant 0 : i32
      %cond3A_91 = arith.cmpi ne, %convert_element_type3A_89, %cond3A_90 : i32
      scf.if %cond3A_91 {
        %add3A_110 = arith.constant 1 : i32
        %add3A_111 = arith.addi %scan3A_66, %add3A_110 : i32
        %sub3A = arith.constant 1 : i32
        %sub3A_112 = arith.subi %sub3A, %rem3A_67 : i32
        %mul3A_113 = arith.constant 1 : i32
        %mul3A_114 = arith.muli %add3A_111, %mul3A_113 : i32
        %add3A_115 = arith.constant 0 : i32
        %add3A_116 = arith.addi %mul3A_114, %add3A_115 : i32
        %min3A_117 = arith.constant 24 : i32
        %min3A_118 = arith.minsi %add3A_116, %min3A_117 : i32
        %mul3A_119 = arith.constant 400 : i32
        %mul3A_120 = arith.muli %min3A_118, %mul3A_119 : i32
        %mul3A_121 = arith.constant 1 : i32
        %mul3A_122 = arith.muli %sub3A_112, %mul3A_121 : i32
        %add3A_123 = arith.constant 0 : i32
        %add3A_124 = arith.addi %mul3A_122, %add3A_123 : i32
        %mul3A_125 = arith.constant 400 : i32
        %mul3A_126 = arith.muli %add3A_124, %mul3A_125 : i32
        %dma_start3A_127 = arith.constant 0 : i32
        %dma_start3A_128 = tpu.memref_slice %arg7[%mul3A_126, %dma_start3A_127] : memref<800x48xf32, #tpu.memory_space<vmem>> -> memref<400x48xf32, #tpu.memory_space<vmem>>
        %dma_start3A_129 = tpu.memref_slice %arg5[%mul3A_120] : memref<10000xi32, #tpu.memory_space<vmem>> -> memref<400xi32, #tpu.memory_space<vmem>>
        %dma_start3A_130 = arith.constant 0 : i32
        %dma_start3A_131 = arith.constant 0 : i32
        %dma_start3A_132 = tpu.memref_slice %arg2[%dma_start3A_130, %dma_start3A_131] : memref<10112x48xf32, #tpu.memory_space<hbm>> -> memref<10112x48xf32, #tpu.memory_space<hbm>>
        tpu.enqueue_indirect_dma source(%dma_start3A_132 : memref<10112x48xf32, #tpu.memory_space<hbm>>) target(%dma_start3A_128 : memref<400x48xf32, #tpu.memory_space<vmem>>) offsets(%dma_start3A_129 : memref<400xi32, #tpu.memory_space<vmem>>) semaphore(%arg10 : memref<!tpu.dma_semaphore, #tpu.memory_space<semaphore_mem>>)
      } else {
      }
      %mul3A_92 = arith.constant 1 : i32
      %mul3A_93 = arith.muli %scan3A_66, %mul3A_92 : i32
      %add3A_94 = arith.constant 0 : i32
      %add3A_95 = arith.addi %mul3A_93, %add3A_94 : i32
      %mul3A_96 = arith.constant 1 : i32
      %mul3A_97 = arith.muli %rem3A_67, %mul3A_96 : i32
      %add3A_98 = arith.constant 0 : i32
      %add3A_99 = arith.addi %mul3A_97, %add3A_98 : i32
      %mul3A_100 = arith.constant 400 : i32
      %mul3A_101 = arith.muli %add3A_99, %mul3A_100 : i32
      %mul3A_102 = arith.constant 400 : i32
      %mul3A_103 = arith.muli %add3A_95, %mul3A_102 : i32
      %dma_start3A_104 = arith.constant 0 : i32
      %dma_start3A_105 = tpu.memref_slice %arg7[%mul3A_101, %dma_start3A_104] : memref<800x48xf32, #tpu.memory_space<vmem>> -> memref<400x48xf32, #tpu.memory_space<vmem>>
      %dma_start3A_106 = tpu.memref_slice %arg6[%mul3A_103] : memref<10000xi32, #tpu.memory_space<vmem>> -> memref<400xi32, #tpu.memory_space<vmem>>
      %dma_start3A_107 = arith.constant 0 : i32
      %dma_start3A_108 = arith.constant 0 : i32
      %dma_start3A_109 = tpu.memref_slice %arg9[%dma_start3A_107, %dma_start3A_108] : memref<10112x48xf32, #tpu.memory_space<vmem_shared>> -> memref<10112x48xf32, #tpu.memory_space<vmem_shared>>
      tpu.enqueue_indirect_dma source(%dma_start3A_105 : memref<400x48xf32, #tpu.memory_space<vmem>>) target(%dma_start3A_109 : memref<10112x48xf32, #tpu.memory_space<vmem_shared>>) offsets(%dma_start3A_106 : memref<400xi32, #tpu.memory_space<vmem>>) semaphore(%arg11 : memref<!tpu.dma_semaphore, #tpu.memory_space<semaphore_mem>>) {add = true}
    }
    %scan3A_45 = arith.constant 25 : i32
    %mul3A_46 = arith.constant 24 : i32
    %mul3A_47 = arith.constant 1 : i32
    %mul3A_48 = arith.muli %mul3A_46, %mul3A_47 : i32
    %add3A_49 = arith.constant 0 : i32
    %add3A_50 = arith.addi %mul3A_48, %add3A_49 : i32
    %mul3A_51 = arith.constant 0 : i32
    %mul3A_52 = arith.constant 1 : i32
    %mul3A_53 = arith.muli %mul3A_51, %mul3A_52 : i32
    %add3A_54 = arith.constant 0 : i32
    %add3A_55 = arith.addi %mul3A_53, %add3A_54 : i32
    %mul3A_56 = arith.constant 400 : i32
    %mul3A_57 = arith.muli %add3A_55, %mul3A_56 : i32
    %mul3A_58 = arith.constant 400 : i32
    %mul3A_59 = arith.muli %add3A_50, %mul3A_58 : i32
    %dma_wait3A = arith.constant 0 : i32
    %dma_wait3A_60 = tpu.memref_slice %arg7[%mul3A_57, %dma_wait3A] : memref<800x48xf32, #tpu.memory_space<vmem>> -> memref<400x48xf32, #tpu.memory_space<vmem>>
    %dma_wait3A_61 = tpu.memref_slice %arg6[%mul3A_59] : memref<10000xi32, #tpu.memory_space<vmem>> -> memref<400xi32, #tpu.memory_space<vmem>>
    %dma_wait3A_62 = arith.constant 0 : i32
    %dma_wait3A_63 = arith.constant 0 : i32
    %dma_wait3A_64 = tpu.memref_slice %arg9[%dma_wait3A_62, %dma_wait3A_63] : memref<10112x48xf32, #tpu.memory_space<vmem_shared>> -> memref<10112x48xf32, #tpu.memory_space<vmem_shared>>
    tpu.wait_indirect_dma semaphore(%arg11 : memref<!tpu.dma_semaphore, #tpu.memory_space<semaphore_mem>>) src(%dma_wait3A_60 : memref<400x48xf32, #tpu.memory_space<vmem>>) dst(%dma_wait3A_64 : memref<10112x48xf32, #tpu.memory_space<vmem_shared>>)
    %barrier3A_65 = arith.constant 0 : index
    tpu.barrier barrier_id(%barrier3A_65)
    "tpu.region"() ({
      %run_scoped3A_66 = tpu.sem_alloc : memref<!tpu.dma_semaphore, #tpu.memory_space<semaphore_mem>>
      %dma_start3A_67 = arith.constant 0 : i32
      %dma_start3A_68 = tpu.memref_slice %arg4[%arg0, %mul3A_8, %dma_start3A_67] : memref<2x10112x48xf32, #tpu.memory_space<hbm>> -> memref<1x632x48xf32, #tpu.memory_space<hbm>>
      %dma_start3A_69 = tpu.memref_squeeze %dma_start3A_68 : memref<1x632x48xf32, #tpu.memory_space<hbm>> -> memref<632x48xf32, #tpu.memory_space<hbm>>
      %dma_start3A_70 = arith.constant 0 : i32
      %dma_start3A_71 = tpu.memref_slice %arg9[%mul3A_8, %dma_start3A_70] : memref<10112x48xf32, #tpu.memory_space<vmem_shared>> -> memref<632x48xf32, #tpu.memory_space<vmem_shared>>
      tpu.enqueue_dma source(%dma_start3A_71 : memref<632x48xf32, #tpu.memory_space<vmem_shared>>) target(%dma_start3A_69 : memref<632x48xf32, #tpu.memory_space<hbm>>) target_semaphore(%run_scoped3A_66 : memref<!tpu.dma_semaphore, #tpu.memory_space<semaphore_mem>>)
      %dma_wait3A_72 = arith.constant 0 : i32
      %dma_wait3A_73 = tpu.memref_slice %arg4[%arg0, %mul3A_8, %dma_wait3A_72] : memref<2x10112x48xf32, #tpu.memory_space<hbm>> -> memref<1x632x48xf32, #tpu.memory_space<hbm>>
      %dma_wait3A_74 = tpu.memref_squeeze %dma_wait3A_73 : memref<1x632x48xf32, #tpu.memory_space<hbm>> -> memref<632x48xf32, #tpu.memory_space<hbm>>
      %dma_wait3A_75 = arith.constant 0 : i32
      %dma_wait3A_76 = tpu.memref_slice %arg9[%mul3A_8, %dma_wait3A_75] : memref<10112x48xf32, #tpu.memory_space<vmem_shared>> -> memref<632x48xf32, #tpu.memory_space<vmem_shared>>
      tpu.wait_dma2 semaphore(%run_scoped3A_66 : memref<!tpu.dma_semaphore, #tpu.memory_space<semaphore_mem>>) src(%dma_wait3A_76 : memref<632x48xf32, #tpu.memory_space<vmem_shared>>) dst(%dma_wait3A_74 : memref<632x48xf32, #tpu.memory_space<hbm>>)
      tpu.yield
    }) : () -> ()
    return
  }
}

module attributes {stable_mosaic.version = 14 : i64} {
  func.func @_tc0_body(%arg0: memref<10000x128xf32, #tpu.memory_space<vmem>>, %arg1: memref<128x16xf32, #tpu.memory_space<vmem>>, %arg2: memref<10112x16xf32, #tpu.memory_space<vmem>>) attributes {dimension_semantics = [], scalar_prefetch = 0 : i64, scratch_operands = 0 : i64, tpu.core_type = #tpu.core_type<tc>} {
    %get3A = arith.constant 0 : index
    %get3A_0 = arith.constant 0 : index
    %get3A_1 = vector.load %arg0[%get3A, %get3A_0] : memref<10000x128xf32, #tpu.memory_space<vmem>>, vector<10000x128xf32>
    %get3A_2 = arith.constant 0 : index
    %get3A_3 = arith.constant 0 : index
    %get3A_4 = vector.load %arg1[%get3A_2, %get3A_3] : memref<128x16xf32, #tpu.memory_space<vmem>>, vector<128x16xf32>
    %dot_general3A = arith.constant dense<0.000000e+00> : vector<10000x16xf32>
    %dot_general3A_5 = tpu.matmul %get3A_1, %get3A_4, %dot_general3A {dimension_numbers = #tpu.dot_dimension_numbers<[1], [0], [0], [1], [0, 0, 1, 1], [], []>, transpose_lhs_hint = false} : vector<10000x128xf32>, vector<128x16xf32>, vector<10000x16xf32> -> vector<10000x16xf32>
    %jit3A = arith.constant 0 : i32
    %convert_element_type3A = arith.sitofp %jit3A : i32 to f32
    %pad3A = vector.broadcast %convert_element_type3A : f32 to vector<112x16xf32>
    %pad3A_6 = tpu.concatenate %dot_general3A_5, %pad3A in 0 : vector<10000x16xf32>, vector<112x16xf32> -> vector<10112x16xf32>
    %swap3A = arith.constant 0 : index
    %swap3A_7 = arith.constant 0 : index
    %swap3A_8 = vector.load %arg2[%swap3A, %swap3A_7] : memref<10112x16xf32, #tpu.memory_space<vmem>>, vector<10112x16xf32>
    tpu.vector_store %arg2[%swap3A, %swap3A_7], %pad3A_6 {strides = array<i32>} : memref<10112x16xf32, #tpu.memory_space<vmem>>, vector<10112x16xf32>,
    return
  }
}

module attributes {stable_mosaic.version = 14 : i64} {
  func.func @_tc1_body(%arg0: memref<10112x16xf32, #tpu.memory_space<vmem>>, %arg1: memref<2x10112x16xf32, #tpu.memory_space<vmem>>, %arg2: memref<10112x16xf32, #tpu.memory_space<vmem>>, %arg3: memref<10112xf32, #tpu.memory_space<vmem>>) attributes {dimension_semantics = [], scalar_prefetch = 0 : i64, scratch_operands = 0 : i64, tpu.core_type = #tpu.core_type<tc>} {
    %get3A = arith.constant 0 : index
    %get3A_0 = arith.constant 0 : index
    %get3A_1 = arith.constant 0 : index
    %get3A_2 = vector.load %arg1[%get3A, %get3A_0, %get3A_1] : memref<2x10112x16xf32, #tpu.memory_space<vmem>>, vector<1x10112x1xf32>
    %get3A_3 = vector.shape_cast %get3A_2 : vector<1x10112x1xf32> to vector<10112xf32>
    %get3A_4 = arith.constant 1 : index
    %get3A_5 = arith.constant 0 : index
    %get3A_6 = arith.constant 0 : index
    %get3A_7 = vector.load %arg1[%get3A_4, %get3A_5, %get3A_6] : memref<2x10112x16xf32, #tpu.memory_space<vmem>>, vector<1x10112x1xf32>
    %get3A_8 = vector.shape_cast %get3A_7 : vector<1x10112x1xf32> to vector<10112xf32>
    %add3A = arith.addf %get3A_3, %get3A_8 : vector<10112xf32>
    %add3A_9 = arith.constant 1.000000e+00 : f32
    %add3A_10 = vector.broadcast %add3A_9 : f32 to vector<10112xf32>
    %add3A_11 = arith.addf %add3A, %add3A_10 : vector<10112xf32>
    %rsqrt3A = math.rsqrt %add3A_11 : vector<10112xf32>
    %swap3A = arith.constant 0 : index
    %swap3A_12 = vector.load %arg3[%swap3A] : memref<10112xf32, #tpu.memory_space<vmem>>, vector<10112xf32>
    tpu.vector_store %arg3[%swap3A], %rsqrt3A {strides = array<i32>} : memref<10112xf32, #tpu.memory_space<vmem>>, vector<10112xf32>,
    %get3A_13 = arith.constant 0 : index
    %get3A_14 = arith.constant 0 : index
    %get3A_15 = vector.load %arg0[%get3A_13, %get3A_14] : memref<10112x16xf32, #tpu.memory_space<vmem>>, vector<10112x16xf32>
    %broadcast_in_dim3A = vector.shape_cast %rsqrt3A : vector<10112xf32> to vector<10112x1xf32>
    %mul3A = vector.broadcast %broadcast_in_dim3A : vector<10112x1xf32> to vector<10112x16xf32>
    %mul3A_16 = arith.mulf %get3A_15, %mul3A : vector<10112x16xf32>
    %swap3A_17 = arith.constant 0 : index
    %swap3A_18 = arith.constant 0 : index
    %swap3A_19 = vector.load %arg2[%swap3A_17, %swap3A_18] : memref<10112x16xf32, #tpu.memory_space<vmem>>, vector<10112x16xf32>
    tpu.vector_store %arg2[%swap3A_17, %swap3A_18], %mul3A_16 {strides = array<i32>} : memref<10112x16xf32, #tpu.memory_space<vmem>>, vector<10112x16xf32>,
    return
  }
}

module attributes {stable_mosaic.version = 14 : i64} {
  func.func @_tc_mid_body(%arg0: memref<2x10112x16xf32, #tpu.memory_space<vmem>>, %arg1: memref<10112x16xf32, #tpu.memory_space<vmem>>, %arg2: memref<10112xf32, #tpu.memory_space<vmem>>, %arg3: memref<1x16xf32, #tpu.memory_space<vmem>>, %arg4: memref<16x32xf32, #tpu.memory_space<vmem>>, %arg5: memref<10112x32xf32, #tpu.memory_space<vmem>>) attributes {dimension_semantics = [], scalar_prefetch = 0 : i64, scratch_operands = 0 : i64, tpu.core_type = #tpu.core_type<tc>} {
    %get3A = arith.constant 0 : index
    %get3A_0 = vector.load %arg2[%get3A] : memref<10112xf32, #tpu.memory_space<vmem>>, vector<10112xf32>
    %get3A_1 = arith.constant 0 : index
    %get3A_2 = arith.constant 0 : index
    %get3A_3 = arith.constant 0 : index
    %get3A_4 = vector.load %arg0[%get3A_1, %get3A_2, %get3A_3] : memref<2x10112x16xf32, #tpu.memory_space<vmem>>, vector<1x10112x16xf32>
    %get3A_5 = vector.shape_cast %get3A_4 : vector<1x10112x16xf32> to vector<10112x16xf32>
    %get3A_6 = arith.constant 1 : index
    %get3A_7 = arith.constant 0 : index
    %get3A_8 = arith.constant 0 : index
    %get3A_9 = vector.load %arg0[%get3A_6, %get3A_7, %get3A_8] : memref<2x10112x16xf32, #tpu.memory_space<vmem>>, vector<1x10112x16xf32>
    %get3A_10 = vector.shape_cast %get3A_9 : vector<1x10112x16xf32> to vector<10112x16xf32>
    %add3A = arith.addf %get3A_5, %get3A_10 : vector<10112x16xf32>
    %get3A_11 = arith.constant 0 : index
    %get3A_12 = arith.constant 0 : index
    %get3A_13 = vector.load %arg1[%get3A_11, %get3A_12] : memref<10112x16xf32, #tpu.memory_space<vmem>>, vector<10112x16xf32>
    %add3A_14 = arith.addf %add3A, %get3A_13 : vector<10112x16xf32>
    %broadcast_in_dim3A = vector.shape_cast %get3A_0 : vector<10112xf32> to vector<10112x1xf32>
    %mul3A = vector.broadcast %broadcast_in_dim3A : vector<10112x1xf32> to vector<10112x16xf32>
    %mul3A_15 = arith.mulf %mul3A, %add3A_14 : vector<10112x16xf32>
    %get3A_16 = arith.constant 0 : index
    %get3A_17 = arith.constant 0 : index
    %get3A_18 = vector.load %arg3[%get3A_16, %get3A_17] : memref<1x16xf32, #tpu.memory_space<vmem>>, vector<1x16xf32>
    %add3A_19 = vector.broadcast %get3A_18 : vector<1x16xf32> to vector<10112x16xf32>
    %add3A_20 = arith.addf %mul3A_15, %add3A_19 : vector<10112x16xf32>
    %max3A = arith.constant 0.000000e+00 : f32
    %max3A_21 = vector.broadcast %max3A : f32 to vector<10112x16xf32>
    %max3A_22 = arith.maximumf %add3A_20, %max3A_21 : vector<10112x16xf32>
    %get3A_23 = arith.constant 0 : index
    %get3A_24 = arith.constant 0 : index
    %get3A_25 = vector.load %arg4[%get3A_23, %get3A_24] : memref<16x32xf32, #tpu.memory_space<vmem>>, vector<16x32xf32>
    %dot_general3A = arith.constant dense<0.000000e+00> : vector<10112x32xf32>
    %dot_general3A_26 = tpu.matmul %max3A_22, %get3A_25, %dot_general3A {dimension_numbers = #tpu.dot_dimension_numbers<[1], [0], [0], [1], [0, 0, 1, 1], [], []>, transpose_lhs_hint = false} : vector<10112x16xf32>, vector<16x32xf32>, vector<10112x32xf32> -> vector<10112x32xf32>
    %broadcast_in_dim3A_27 = vector.shape_cast %get3A_0 : vector<10112xf32> to vector<10112x1xf32>
    %mul3A_28 = vector.broadcast %broadcast_in_dim3A_27 : vector<10112x1xf32> to vector<10112x32xf32>
    %mul3A_29 = arith.mulf %dot_general3A_26, %mul3A_28 : vector<10112x32xf32>
    %swap3A = arith.constant 0 : index
    %swap3A_30 = arith.constant 0 : index
    %swap3A_31 = vector.load %arg5[%swap3A, %swap3A_30] : memref<10112x32xf32, #tpu.memory_space<vmem>>, vector<10112x32xf32>
    tpu.vector_store %arg5[%swap3A, %swap3A_30], %mul3A_29 {strides = array<i32>} : memref<10112x32xf32, #tpu.memory_space<vmem>>, vector<10112x32xf32>,
    return
  }
}

module attributes {stable_mosaic.version = 14 : i64} {
  func.func @_tc_mid_body(%arg0: memref<2x10112x32xf32, #tpu.memory_space<vmem>>, %arg1: memref<10112x32xf32, #tpu.memory_space<vmem>>, %arg2: memref<10112xf32, #tpu.memory_space<vmem>>, %arg3: memref<1x32xf32, #tpu.memory_space<vmem>>, %arg4: memref<32x48xf32, #tpu.memory_space<vmem>>, %arg5: memref<10112x48xf32, #tpu.memory_space<vmem>>) attributes {dimension_semantics = [], scalar_prefetch = 0 : i64, scratch_operands = 0 : i64, tpu.core_type = #tpu.core_type<tc>} {
    %get3A = arith.constant 0 : index
    %get3A_0 = vector.load %arg2[%get3A] : memref<10112xf32, #tpu.memory_space<vmem>>, vector<10112xf32>
    %get3A_1 = arith.constant 0 : index
    %get3A_2 = arith.constant 0 : index
    %get3A_3 = arith.constant 0 : index
    %get3A_4 = vector.load %arg0[%get3A_1, %get3A_2, %get3A_3] : memref<2x10112x32xf32, #tpu.memory_space<vmem>>, vector<1x10112x32xf32>
    %get3A_5 = vector.shape_cast %get3A_4 : vector<1x10112x32xf32> to vector<10112x32xf32>
    %get3A_6 = arith.constant 1 : index
    %get3A_7 = arith.constant 0 : index
    %get3A_8 = arith.constant 0 : index
    %get3A_9 = vector.load %arg0[%get3A_6, %get3A_7, %get3A_8] : memref<2x10112x32xf32, #tpu.memory_space<vmem>>, vector<1x10112x32xf32>
    %get3A_10 = vector.shape_cast %get3A_9 : vector<1x10112x32xf32> to vector<10112x32xf32>
    %add3A = arith.addf %get3A_5, %get3A_10 : vector<10112x32xf32>
    %get3A_11 = arith.constant 0 : index
    %get3A_12 = arith.constant 0 : index
    %get3A_13 = vector.load %arg1[%get3A_11, %get3A_12] : memref<10112x32xf32, #tpu.memory_space<vmem>>, vector<10112x32xf32>
    %add3A_14 = arith.addf %add3A, %get3A_13 : vector<10112x32xf32>
    %broadcast_in_dim3A = vector.shape_cast %get3A_0 : vector<10112xf32> to vector<10112x1xf32>
    %mul3A = vector.broadcast %broadcast_in_dim3A : vector<10112x1xf32> to vector<10112x32xf32>
    %mul3A_15 = arith.mulf %mul3A, %add3A_14 : vector<10112x32xf32>
    %get3A_16 = arith.constant 0 : index
    %get3A_17 = arith.constant 0 : index
    %get3A_18 = vector.load %arg3[%get3A_16, %get3A_17] : memref<1x32xf32, #tpu.memory_space<vmem>>, vector<1x32xf32>
    %add3A_19 = vector.broadcast %get3A_18 : vector<1x32xf32> to vector<10112x32xf32>
    %add3A_20 = arith.addf %mul3A_15, %add3A_19 : vector<10112x32xf32>
    %max3A = arith.constant 0.000000e+00 : f32
    %max3A_21 = vector.broadcast %max3A : f32 to vector<10112x32xf32>
    %max3A_22 = arith.maximumf %add3A_20, %max3A_21 : vector<10112x32xf32>
    %get3A_23 = arith.constant 0 : index
    %get3A_24 = arith.constant 0 : index
    %get3A_25 = vector.load %arg4[%get3A_23, %get3A_24] : memref<32x48xf32, #tpu.memory_space<vmem>>, vector<32x48xf32>
    %dot_general3A = arith.constant dense<0.000000e+00> : vector<10112x48xf32>
    %dot_general3A_26 = tpu.matmul %max3A_22, %get3A_25, %dot_general3A {dimension_numbers = #tpu.dot_dimension_numbers<[1], [0], [0], [1], [0, 0, 1, 1], [], []>, transpose_lhs_hint = false} : vector<10112x32xf32>, vector<32x48xf32>, vector<10112x48xf32> -> vector<10112x48xf32>
    %broadcast_in_dim3A_27 = vector.shape_cast %get3A_0 : vector<10112xf32> to vector<10112x1xf32>
    %mul3A_28 = vector.broadcast %broadcast_in_dim3A_27 : vector<10112x1xf32> to vector<10112x48xf32>
    %mul3A_29 = arith.mulf %dot_general3A_26, %mul3A_28 : vector<10112x48xf32>
    %swap3A = arith.constant 0 : index
    %swap3A_30 = arith.constant 0 : index
    %swap3A_31 = vector.load %arg5[%swap3A, %swap3A_30] : memref<10112x48xf32, #tpu.memory_space<vmem>>, vector<10112x48xf32>
    tpu.vector_store %arg5[%swap3A, %swap3A_30], %mul3A_29 {strides = array<i32>} : memref<10112x48xf32, #tpu.memory_space<vmem>>, vector<10112x48xf32>,
    return
  }
}

module attributes {stable_mosaic.version = 14 : i64} {
  func.func @_tc4_body(%arg0: memref<2x10112x48xf32, #tpu.memory_space<vmem>>, %arg1: memref<10112x48xf32, #tpu.memory_space<vmem>>, %arg2: memref<10112xf32, #tpu.memory_space<vmem>>, %arg3: memref<1x48xf32, #tpu.memory_space<vmem>>, %arg4: memref<10000x40xf32, #tpu.memory_space<vmem>>) attributes {dimension_semantics = [], scalar_prefetch = 0 : i64, scratch_operands = 0 : i64, tpu.core_type = #tpu.core_type<tc>} {
    %get3A = arith.constant 0 : index
    %get3A_0 = vector.load %arg2[%get3A] : memref<10112xf32, #tpu.memory_space<vmem>>, vector<10112xf32>
    %broadcast_in_dim3A = vector.shape_cast %get3A_0 : vector<10112xf32> to vector<10112x1xf32>
    %get3A_1 = arith.constant 0 : index
    %get3A_2 = arith.constant 0 : index
    %get3A_3 = arith.constant 0 : index
    %get3A_4 = vector.load %arg0[%get3A_1, %get3A_2, %get3A_3] : memref<2x10112x48xf32, #tpu.memory_space<vmem>>, vector<1x10112x48xf32>
    %get3A_5 = vector.shape_cast %get3A_4 : vector<1x10112x48xf32> to vector<10112x48xf32>
    %get3A_6 = arith.constant 1 : index
    %get3A_7 = arith.constant 0 : index
    %get3A_8 = arith.constant 0 : index
    %get3A_9 = vector.load %arg0[%get3A_6, %get3A_7, %get3A_8] : memref<2x10112x48xf32, #tpu.memory_space<vmem>>, vector<1x10112x48xf32>
    %get3A_10 = vector.shape_cast %get3A_9 : vector<1x10112x48xf32> to vector<10112x48xf32>
    %add3A = arith.addf %get3A_5, %get3A_10 : vector<10112x48xf32>
    %get3A_11 = arith.constant 0 : index
    %get3A_12 = arith.constant 0 : index
    %get3A_13 = vector.load %arg1[%get3A_11, %get3A_12] : memref<10112x48xf32, #tpu.memory_space<vmem>>, vector<10112x48xf32>
    %add3A_14 = arith.addf %add3A, %get3A_13 : vector<10112x48xf32>
    %mul3A = vector.broadcast %broadcast_in_dim3A : vector<10112x1xf32> to vector<10112x48xf32>
    %mul3A_15 = arith.mulf %mul3A, %add3A_14 : vector<10112x48xf32>
    %get3A_16 = arith.constant 0 : index
    %get3A_17 = arith.constant 0 : index
    %get3A_18 = vector.load %arg3[%get3A_16, %get3A_17] : memref<1x48xf32, #tpu.memory_space<vmem>>, vector<1x48xf32>
    %add3A_19 = vector.broadcast %get3A_18 : vector<1x48xf32> to vector<10112x48xf32>
    %add3A_20 = arith.addf %mul3A_15, %add3A_19 : vector<10112x48xf32>
    %iota3A = tpu.iota {dimensions = array<i32: 1>} : vector<10112x48xi32>
    %lt3A = arith.constant 40 : i32
    %lt3A_21 = vector.broadcast %lt3A : i32 to vector<10112x48xi32>
    %lt3A_22 = arith.cmpi slt, %iota3A, %lt3A_21 : vector<10112x48xi32>
    %jit3A = arith.constant -1.000000e+30 : f32
    %broadcast_in_dim3A_23 = vector.broadcast %jit3A : f32 to vector<10112x48xf32>
    %select_n3A = arith.select %lt3A_22, %add3A_20, %broadcast_in_dim3A_23 : vector<10112x48xi1>, vector<10112x48xf32>
    %reduce_max3A = arith.constant dense<0xFF800000> : vector<10112xf32>
    %reduce_max3A_24 = vector.multi_reduction <maximumf>, %select_n3A, %reduce_max3A [1] : vector<10112x48xf32> to vector<10112xf32>
    %broadcast_in_dim3A_25 = vector.shape_cast %reduce_max3A_24 : vector<10112xf32> to vector<10112x1xf32>
    %sub3A = vector.broadcast %broadcast_in_dim3A_25 : vector<10112x1xf32> to vector<10112x48xf32>
    %sub3A_26 = arith.subf %select_n3A, %sub3A : vector<10112x48xf32>
    %exp3A = math.exp %sub3A_26 : vector<10112x48xf32>
    %sub3A_27 = vector.broadcast %broadcast_in_dim3A_25 : vector<10112x1xf32> to vector<10112x48xf32>
    %sub3A_28 = arith.subf %select_n3A, %sub3A_27 : vector<10112x48xf32>
    %reduce_sum3A = arith.constant dense<0.000000e+00> : vector<10112xf32>
    %reduce_sum3A_29 = vector.multi_reduction <add>, %exp3A, %reduce_sum3A [1] : vector<10112x48xf32> to vector<10112xf32>
    %broadcast_in_dim3A_30 = vector.shape_cast %reduce_sum3A_29 : vector<10112xf32> to vector<10112x1xf32>
    %log3A = math.log %broadcast_in_dim3A_30 : vector<10112x1xf32>
    %sub3A_31 = vector.broadcast %log3A : vector<10112x1xf32> to vector<10112x48xf32>
    %sub3A_32 = arith.subf %sub3A_28, %sub3A_31 : vector<10112x48xf32>
    %slice3A = vector.extract_strided_slice %sub3A_32 {offsets = [0, 0], sizes = [10000, 40], strides = [1, 1]} : vector<10112x48xf32> to vector<10000x40xf32>
    %swap3A = arith.constant 0 : index
    %swap3A_33 = arith.constant 0 : index
    %swap3A_34 = vector.load %arg4[%swap3A, %swap3A_33] : memref<10000x40xf32, #tpu.memory_space<vmem>>, vector<10000x40xf32>
    tpu.vector_store %arg4[%swap3A, %swap3A_33], %slice3A {strides = array<i32>} : memref<10000x40xf32, #tpu.memory_space<vmem>>, vector<10000x40xf32>,
    return
  }
}

</mosaic_0001>

<sc_bundles>
// kernel: kernel.11.cloned.1.call-start
scs
__scs_entry_jumppad:
0x0: {  	(pc) =	sbr.rel $0x88, $3  }
0x1: {  	(tag) =	ssettag $0x0;
	lr =	simm.s32 $0x1  }
0x2: {  	[smem:$0x3F99] =	sst lr;
	_ =	strace $0xD0000000  }
0x3: {  	_ = 	snop  }
0x4: {  	_ = 	snop  }
0x5: {  	_ = 	snop  }
0x6: {  	_ = 	snop  }
0x7: {  	_ = 	snop  }
__scs_overlays_trampoline_lowered:
0x8: {  	[smem:$0x3FA8] =	sst s0  }
0x9: {  	[smem:$0x3FA9] =	sst s1  }
0xa: {  	[smem:$0x3FAA] =	sst s2  }
0xb: {  	[smem:$0x3FAB] =	sst s3  }
0xc: {  	[smem:$0x3FAC] =	sst s4  }
0xd: {  	[smem:$0x3FAD] =	sst s5  }
0xe: {  	[smem:$0x3FAE] =	sst s6  }
0xf: {  	[smem:$0x3FAF] =	sst s7  }
0x10: {  	[smem:$0x3FB0] =	sst s8  }
0x11: {  	[smem:$0x3FB1] =	sst s9;
	s0 =	simm.s32 @!p0 $0x0  }
0x12: {  	s1 =	sld [smem:$0x3F97];
	s0 =	simm.s32 @p0 $0x1  }
0x13: {  	[smem:$0x3FB2] =	sst s0;
	s0 =	simm.s32 @!p1 $0x0  }
0x14: {  	s2 =	sld [smem:$0x3F96];
	s0 =	simm.s32 @p1 $0x1  }
0x15: {  	[smem:$0x3FB3] =	sst s0;
	s0 =	simm.s32 @!p2 $0x0  }
0x16: {  	s3 =	sld [smem:$0x3FDB];
	s0 =	simm.s32 @p2 $0x1  }
0x17: {  	s4 =	simm.s32 $0x1BF5;
	[smem:$0x3FB5] =	sst s0  }
0x18: {  	s0 =	sld [smem:$0x3F98];
	_ =	swait.ge [sflag:s4], $0x0  }
0x19: {  	s7 =	sld [smem:$0x3F99]  }
0x1a: {  	s8 =	sadd.s32 $0xFFFFE003, lr  }
0x1b: {  	s9 =	sadd.s32 $0xFFFFFEF7, lr;
	s5 =	simm.s32 $0xFFFFFFFF;
	p2 =	slt.u32 s8, $0xFFFFF086  }
0x1c: {  	p1 =	slt.u32 s9, $0xF7A;
	s5 =	simm.s32 @!p2 $0x0  }
0x1d: {  	s5 =	simm.s32 @p1 $0x1;
	p0 =	seq.s32 s7, s2  }
0x1e: {  	s7 =	smul.u32 @!p0 $0xF7A, s2;
	p2 =	seq.s32 @!p0 s5, $0x0  }
0x1f: {  	s9 =	smul.u32 $0xF7A, s1;
	s8 =	simm.s32 @!p0 $0x1BF5;
	p2 =	por !p2, p0  }
0x20: {  	[sflag:s8] =	ssyncset.s32 @!p0 $0xFFFFF086;
	s6 =	sadd.s32 @!p0 s3, s7;
	s7 =	simm.s32 @!p0 $0x108  }
0x21: {  	s3 =	sadd.s32 s3, s9;
	s6 =	sadd.s32 @!p0 $0x88, s6;
	s7 =	simm.s32 @p2 $0x1082  }
0x22: {  	[simem:s7], [sflag:s8] =	dma.local @!p0 [hbm:s6], $0xF7A  }
0x23: {  	s9 =	sor.u32 $0xD0000000, s2;
	s6 =	simm.s32 $0x108;
	_ =	swait.ge @!p0 [sflag:s8], $0x0  }
0x24: {  	s3 =	sadd.s32 $0x88, s3;
	s6 =	simm.s32 @!p1 $0x1082;
	[sflag:s4] =	ssyncset.s32 $0xFFFFF086  }
0x25: {  	[simem:s6], [sflag:s4] =	dma.local [hbm:s3], $0xF7A  }
0x26: {  	[smem:$0x3F99] =	sst s1;
	(tag) =	ssettag s2;
	_ =	strace s9  }
0x27: {  	s1 =	sld [smem:$0x3FA9]  }
0x28: {  	s2 =	sld [smem:$0x3FAA]  }
0x29: {  	s4 =	sld [smem:$0x3FAC]  }
0x2a: {  	p0 =	seq.s32 s5, $0x0;
	s5 =	sld [smem:$0x3FAD]  }
0x2b: {  	s6 =	sld [smem:$0x3FAE]  }
0x2c: {  	s7 =	sld [smem:$0x3FAF]  }
0x2d: {  	s3 =	simm.s32 $0x108;
	s8 =	sld [smem:$0x3FB0]  }
0x2e: {  	s3 =	simm.s32 @!p0 $0x1082;
	s9 =	sld [smem:$0x3FB1]  }
0x2f: {  	lr =	sadd.s32 s0, s3;
	s0 =	sld [smem:$0x3FA8]  }
0x30: {  	s3 =	sld [smem:$0x3FAB]  }
0x31: {  	[smem:$0x3FB4] =	sst s10  }
0x32: {  	s10 =	sld [smem:$0x3FB2];
	_ =	sdelay $0x3  }
0x33: {  	p0 =	seq.s32 s10, $0x1;
	s10 =	sld [smem:$0x3FB4];
	_ =	sdelay $0x3  }
0x34: {  	[smem:$0x3FB4] =	sst s10  }
0x35: {  	s10 =	sld [smem:$0x3FB3];
	_ =	sdelay $0x3  }
0x36: {  	p1 =	seq.s32 s10, $0x1;
	s10 =	sld [smem:$0x3FB4];
	_ =	sdelay $0x3  }
0x37: {  	[smem:$0x3FB4] =	sst s10  }
0x38: {  	s10 =	sld [smem:$0x3FB5]  }
0x39: {  	_ = 	snop;
	(pc) =	sbr.ind lr, $3  }
0x3a: {  	_ = 	snop  }
0x3b: {  	_ = 	snop  }
0x3c: {  	p2 =	seq.s32 s10, $0x1;
	s10 =	sld [smem:$0x3FB4]  }
0x3d: {  	_ =	shalt  }
0x3e: {  	_ =	shalt  }
0x3f: {  	_ =	shalt  }
0x40: {  	_ =	shalt  }
0x41: {  	_ =	shalt  }
0x42: {  	_ =	shalt  }
0x43: {  	_ =	shalt  }
0x44: {  	_ =	shalt  }
0x45: {  	_ =	shalt  }
0x46: {  	_ =	shalt  }
0x47: {  	_ =	shalt  }
0x48: {  	_ =	shalt  }
0x49: {  	_ =	shalt  }
0x4a: {  	_ =	shalt  }
0x4b: {  	_ =	shalt  }
0x4c: {  	_ =	shalt  }
0x4d: {  	_ =	shalt  }
0x4e: {  	_ =	shalt  }
0x4f: {  	_ =	shalt  }
0x50: {  	_ =	shalt  }
0x51: {  	_ =	shalt  }
0x52: {  	_ =	shalt  }
0x53: {  	_ =	shalt  }
0x54: {  	_ =	shalt  }
0x55: {  	_ =	shalt  }
0x56: {  	_ =	shalt  }
0x57: {  	_ =	shalt  }
0x58: {  	_ =	shalt  }
0x59: {  	_ =	shalt  }
0x5a: {  	_ =	shalt  }
0x5b: {  	_ =	shalt  }
0x5c: {  	_ =	shalt  }
0x5d: {  	_ =	shalt  }
0x5e: {  	_ =	shalt  }
0x5f: {  	_ =	shalt  }
0x60: {  	_ =	shalt  }
0x61: {  	_ =	shalt  }
0x62: {  	_ =	shalt  }
0x63: {  	_ =	shalt  }
0x64: {  	_ =	shalt  }
0x65: {  	_ =	shalt  }
0x66: {  	_ =	shalt  }
0x67: {  	_ =	shalt  }
0x68: {  	_ =	shalt  }
0x69: {  	_ =	shalt  }
0x6a: {  	_ =	shalt  }
0x6b: {  	_ =	shalt  }
0x6c: {  	_ =	shalt  }
0x6d: {  	_ =	shalt  }
0x6e: {  	_ =	shalt  }
0x6f: {  	_ =	shalt  }
0x70: {  	_ =	shalt  }
0x71: {  	_ =	shalt  }
0x72: {  	_ =	shalt  }
0x73: {  	_ =	shalt  }
0x74: {  	_ =	shalt  }
0x75: {  	_ =	shalt  }
0x76: {  	_ =	shalt  }
0x77: {  	_ =	shalt  }
0x78: {  	_ =	shalt  }
0x79: {  	_ =	shalt  }
0x7a: {  	_ =	shalt  }
0x7b: {  	_ =	shalt  }
0x7c: {  	_ =	shalt  }
0x7d: {  	_ =	shalt  }
0x7e: {  	_ =	shalt  }
0x7f: {  	_ =	shalt  }
0x80: {  	_ =	shalt  }
0x81: {  	_ =	shalt  }
0x82: {  	_ =	shalt  }
0x83: {  	_ =	shalt  }
0x84: {  	_ =	shalt  }
0x85: {  	_ =	shalt  }
0x86: {  	_ =	shalt  }
0x87: {  	_ =	shalt  }
.Lfunc_end0:
.L_simem_size_0:
called_computation_lowered:
.L_overlay_start_0:
0x88: {  	s2 =	sld [smem:$0x3FD9]  }
0x89: {  	s3 =	sld [smem:$0x3FFE];
	_ =	sdelay $0x1  }
0x8a: {  	s1 =	srdreg.scid  }
0x8b: {  	s0 =	sand.u32 $0x1, s1  }
0x8c: {  	s17 =	sshll.u32 s0, $0xA;
	s2 =	sadd.s32 s3, s2  }
0x8d: {  	s2 =	sadd.s32 s2, s17  }
0x8e: {  	[smem:$0x3FC0] =	sst s2  }
0x8f: {  	_ = 	snop  }
0x90: {  	s2 =	sld [smem:$0x3FD0];
	(tm) =	ssettm $0x1  }
0x91: {  	s18 =	sld [smem:$0x3FFB];
	_ =	sdelay $0x3  }
0x92: {  	_ =	strace s18  }
0x93: {  	s3 =	sld [smem:$0x3FFC];
	_ =	sdelay $0x3  }
0x94: {  	_ =	strace s3  }
0x95: {  	s3 =	sld [smem:$0x3FFD];
	_ =	sdelay $0x3  }
0x96: {  	_ =	strace s3  }
0x97: {  	_ =	strace $0x8FFFFFFF  }
0x98: {  	s19 =	sld [smem:$0x3FDB];
	_ =	sdelay $0x1  }
0x99: {  	s4 =	simm.s32 $_scs_section_size  }
0x9a: {  	s5 =	simm.s32 $_size__tile_overlayer_lowered;
	s6 =	simm.s32 $_tile_overlayer_lowered  }
0x9b: {  	s22 =	simm.s32 $0x1BFF;
	s21 =	sshll.u32 s6, $0x1;
	s3 =	sadd.s32 s4, s19  }
0x9c: {  	s7 =	simm.s32 $0x0;
	s20 =	sshll.u32 s5, $0x1;
	s5 =	sadd.s32 s21, s3  }
0x9d: {  	[timem:s7], [sflag:s22] =	dma.local [hbm:s5], s20  }
0x9e: {  	_ =	swait.ge [sflag:s22], s20  }
0x9f: {  	s4 =	ssub.s32 $0x0, s20;
	[sflag:s22] =	ssyncset.done $0x0  }
0xa0: {  	[sflag:s22] =	ssyncadd.s32 s4;
	_ =	sdelay $0x1  }
0xa1: {  	s23 =	simm.s32 $0x1B8B  }
0xa2: {  	_ =	swait.ge [sflag:s23], $0x1  }
0xa3: {  	[sflag:s23] =	ssyncset.done $0x0  }
0xa4: {  	s25 =	simm.s32 $0x1B8E;
	s24 =	sld [smem:$0x3FFE];
	[sflag:s23] =	ssyncadd.s32 $0xFFFFFFFF  }
0xa5: {  	s26 =	simm.s32 $execute0_lowered;
	[smem:$0x3FD2] =	sst s25  }
0xa6: {  	s5 =	sshll.u32 s26, $0x1;
	_ =	strace $0x80000046;
	[dreg:$0x1] =	wrdreg $0xFFFFFFFF  }
0xa7: {  	s28 =	simm.s32 $_size_execute0_lowered;
	s3 =	sadd.s32 s3, s5;
	[dreg:$0x0] =	wrdreg $0x0  }
0xa8: {  	s5 =	sshll.u32 s28, $0x1;
	[dreg:$0x2] =	wrdreg s3  }
0xa9: {  	[dreg:$0x3] =	wrdreg s5  }
0xaa: {  	[dreg:$0x4] =	wrdreg $0xC0  }
0xab: {  	_ =	task [dreg:s7], $0x5FFFF  }
0xac: {  	[dreg:$0x1] =	wrdreg $0xFFFFFFFF  }
0xad: {  	[dreg:$0x0] =	wrdreg $0x60  }
0xae: {  	[dreg:$0x2] =	wrdreg s24  }
0xaf: {  	[dreg:$0x3] =	wrdreg s2  }
0xb0: {  	[dreg:$0x4] =	wrdreg $0x8D100  }
0xb1: {  	[dreg:$0x5] =	wrdreg $0x9  }
0xb2: {  	_ =	task.clear_ibuf [dreg:s7], $0x6FFFF;
	_ =	strace $0x90000046  }
0xb3: {  	s29 =	simm.s32 $0x9;
	_ =	strace $0x80000048  }
0xb4: {  	_ =	swait.ge [sflag:s29], $0x1  }
0xb5: {  	[sflag:s29] =	ssyncadd.s32 $0xFFFFFFFF  }
0xb6: {  	_ =	strace $0x90000048  }
0xb7: {  	_ =	sfence  }
0xb8: {  	s30 =	sld [smem:$0x0];
	_ =	sdelay $0x2  }
0xb9: {  	s31 =	sshll.u32 s1, $0xD;
	s1 =	sshrl.u32 s1, $0x2  }
0xba: {  	s3 =	sand.u32 $0x4000, s31;
	s1 =	sadd.s32 s1, s30  }
0xbb: {  	s0 =	sor.u32 s3, s0;
	s1 =	sshll.u32 s1, $0x11  }
0xbc: {  	s0 =	sor.u32 s1, s0  }
0xbd: {  	s0 =	sadd.s32 $0x8F2B, s0  }
0xbe: {  	[sflag:s0] =	ssyncadd.remote.s32 $0x1  }
0xbf: {  	_ =	sfence.sel $0xFFFF  }
0xc0: {  	[dreg:$0x0] =	wrdreg $0xFFFFFFFF;
	(pc) =	sbr.abs _section_cstart, $3  }
0xc1: {  	[dreg:$0x1] =	wrdreg $0xFFFFFFFF  }
0xc2: {  	_ =	task.clear_ibuf [dreg:s7], $0x2FFFF;
	_ =	strace $0x9FFFFFFF  }
0xc3: {  	(tm) =	ssettm $0x7FFFFFFF  }
tec
execute0_lowered:
.L_overlay_start_1:
0x0: {  	(tag) =	ssettag $0x1  }
0x1: {  	s4 =	rddreg [dreg:$0x0]  }
0x2: {  	s1 =	srdreg.scid;
	s6 =	rddreg [dreg:$0x1]  }
0x3: {  	s0 =	stileid.u32;
	s2 =	rddreg [dreg:$0x2];
	s3 =	simm.s32 $0x0  }
0x4: {  	s11 =	simm.s32 $0x2710;
	s12 =	simm.s32 $0x7D0;
	s13 =	simm.s32 $0xBB8  }
0x5: {  	s14 =	simm.s32 $0xFA0;
	s15 =	simm.s32 $0x1388;
	s16 =	simm.s32 $0x1770  }
0x6: {  	s17 =	simm.s32 $0x1B58;
	s18 =	simm.s32 $0x1F40;
	s19 =	simm.s32 $0x2328  }
0x7: {  	s5 =	sand.u32 $0x1, s1;
	s29 =	sshll.u32 s0, $0x1;
	s8 =	smul.u32 $0x2780, s0  }
0x8: {  	s7 =	sor.u32 s5, s29;
	s9 =	ssub.s32 $0x2, s5;
	s5 =	smul.u32 $0x27800, s5  }
0x9: {  	s20 =	simm.s32 $0x0;
	[smem:$0x7FF] =	sst s3;
	s7 =	smul.u32 $0x2710, s7  }
0xa: {  	s1 =	rddreg [dreg:$0x3];
	_ =	strace $0x80000047;
	s10 =	sshrl.u32 s9, $0x1  }
0xb: {  	s9 =	ssub.s32 s9, s10;
	s30 =	sadd.s32 s8, s5;
	s7 =	sshrl.u32 s7, $0x3  }
0xc: {  	s10 =	simm.s32 $0x3E8;
	s31 =	sshrl.u32 s30, $0x3;
	s7 =	sadd.s32 s4, s7  }
0xd: {  	s4 =	sadd.s32 s8, s2;
	s6 =	sadd.s32 s6, s31;
	s8 =	simm.s32 $0x6590  }
0xe: {  	v0 =	vimm.f32 $1.000000000e+00;
	v1 =	vimm.f32 $0.0e+00;
	s5 =	sadd.s32 $0xC640, s7;
	s7 =	smax.u32 s9, $0x1;
	s9 =	simm.s32 $0x1  }
.LBB2_1:
0xf: {  	s22 =	simm.s32 $0x2730  }
0x10: {  	[tilespmem:s22+$0xFFFFFFE0] =	vst v0  }
0x11: {  	[tilespmem:s22+$0x10] =	vst v0  }
0x12: {  	s23 =	simm.s32 $0x0;
	[tilespmem:s22+$0x0] =	vst v0  }
.LBB2_2:
0x13: {  	s23 =	sadd.s32 $0x4, s23  }
0x14: {  	[tilespmem:s22+$0xFFFFFFF0] =	vst v0;
	s22 =	sadd.s32 $0x40, s22;
	s21 =	simm.s32 $0x65B0;
	p0 =	slt.u32 s23, $0x3E4  }
.Ltmp0:
0x15: {  	[tilespmem:s22+$0xFFFFFFE0] =	vst v0;
	(pc) =	sbr.rel @p0 .LBB2_2-.Ltmp0, $3  }
0x16: {  	_ =	sdelay $0x1  }
0x17: {  	[tilespmem:s22+$0x10] =	vst v0  }
0x18: {  	[tilespmem:s22+$0x0] =	vst v0  }
0x19: {  	[tilespmem:s22+$0xFFFFFFF0] =	vst v0  }
0x1a: {  	[tilespmem:s21+$0xFFFFFFE0] =	vst v1  }
0x1b: {  	[tilespmem:s21+$0x10] =	vst v1  }
0x1c: {  	s22 =	simm.s32 $0x0;
	[tilespmem:s21+$0x0] =	vst v1  }
.LBB2_4:
0x1d: {  	s22 =	sadd.s32 $0x4, s22  }
0x1e: {  	[tilespmem:s21+$0xFFFFFFF0] =	vst v1;
	s21 =	sadd.s32 $0x40, s21;
	p0 =	slt.u32 s22, $0x274  }
.Ltmp1:
0x1f: {  	[tilespmem:s21+$0xFFFFFFE0] =	vst v1;
	(pc) =	sbr.rel @p0 .LBB2_4-.Ltmp1, $3  }
0x20: {  	_ =	sdelay $0x1  }
0x21: {  	[tilespmem:s21+$0x10] =	vst v1  }
0x22: {  	[tilespmem:s21+$0x0] =	vst v1  }
0x23: {  	[tilespmem:s21+$0xFFFFFFF0] =	vst v1  }
0x24: {  	[spmem:s4] =	stream.linear.scatter [tilespmem:s8], [sflag:$0x1], $0x2780, $0x38;
	[tilespmem:$0xB490] =	vst v63  }
0x25: {  	_ =	swait.ge [sflag:s9], $0x2780  }
0x26: {  	[sflag:s9] =	ssyncset.done $0x0  }
0x27: {  	[sflag:s9] =	ssyncadd.s32 $0xFFFFD880  }
0x28: {  	[bflag:$0x0] =	sbarrier.arrive $0xFFFF  }
0x29: {  	[tilespmem:s3], [sflag:$0x1] =	stream.linear.gather [hbm4b:s5+s3], $0x2710, $0x38;
	[tilespmem:$0xB490] =	vst v63  }
0x2a: {  	_ =	swait.ge [sflag:s9], $0x2710  }
0x2b: {  	[sflag:s9] =	ssyncset.done $0x0  }
0x2c: {  	[sflag:s9] =	ssyncadd.s32 $0xFFFFD8F0  }
0x2d: {  	[spmem:s2] =	stream.indirect.scatter.add.f32 [tilespmem:s11], [sflag:$0x1], $0x10, s3, s10, $0xb8;
	[tilespmem:$0xB490] =	vst v63  }
0x2e: {  	_ =	swait.ge [sflag:s9], $0x3E80  }
0x2f: {  	[sflag:s9] =	ssyncset.done $0x0  }
0x30: {  	[sflag:s9] =	ssyncadd.s32 $0xFFFFC180  }
0x31: {  	[spmem:s2] =	stream.indirect.scatter.add.f32 [tilespmem:s11], [sflag:$0x1], $0x10, s10, s10, $0xb8;
	[tilespmem:$0xB490] =	vst v63  }
0x32: {  	_ =	swait.ge [sflag:s9], $0x3E80  }
0x33: {  	[sflag:s9] =	ssyncset.done $0x0  }
0x34: {  	[sflag:s9] =	ssyncadd.s32 $0xFFFFC180  }
0x35: {  	[spmem:s2] =	stream.indirect.scatter.add.f32 [tilespmem:s11], [sflag:$0x1], $0x10, s12, s10, $0xb8;
	[tilespmem:$0xB490] =	vst v63  }
0x36: {  	_ =	swait.ge [sflag:s9], $0x3E80  }
0x37: {  	[sflag:s9] =	ssyncset.done $0x0  }
0x38: {  	[sflag:s9] =	ssyncadd.s32 $0xFFFFC180  }
0x39: {  	[spmem:s2] =	stream.indirect.scatter.add.f32 [tilespmem:s11], [sflag:$0x1], $0x10, s13, s10, $0xb8;
	[tilespmem:$0xB490] =	vst v63  }
0x3a: {  	_ =	swait.ge [sflag:s9], $0x3E80  }
0x3b: {  	[sflag:s9] =	ssyncset.done $0x0  }
0x3c: {  	[sflag:s9] =	ssyncadd.s32 $0xFFFFC180  }
0x3d: {  	[spmem:s2] =	stream.indirect.scatter.add.f32 [tilespmem:s11], [sflag:$0x1], $0x10, s14, s10, $0xb8;
	[tilespmem:$0xB490] =	vst v63  }
0x3e: {  	_ =	swait.ge [sflag:s9], $0x3E80  }
0x3f: {  	[sflag:s9] =	ssyncset.done $0x0  }
0x40: {  	[sflag:s9] =	ssyncadd.s32 $0xFFFFC180  }
0x41: {  	[spmem:s2] =	stream.indirect.scatter.add.f32 [tilespmem:s11], [sflag:$0x1], $0x10, s15, s10, $0xb8;
	[tilespmem:$0xB490] =	vst v63  }
0x42: {  	_ =	swait.ge [sflag:s9], $0x3E80  }
0x43: {  	[sflag:s9] =	ssyncset.done $0x0  }
0x44: {  	[sflag:s9] =	ssyncadd.s32 $0xFFFFC180  }
0x45: {  	[spmem:s2] =	stream.indirect.scatter.add.f32 [tilespmem:s11], [sflag:$0x1], $0x10, s16, s10, $0xb8;
	[tilespmem:$0xB490] =	vst v63  }
0x46: {  	_ =	swait.ge [sflag:s9], $0x3E80  }
0x47: {  	[sflag:s9] =	ssyncset.done $0x0  }
0x48: {  	[sflag:s9] =	ssyncadd.s32 $0xFFFFC180  }
0x49: {  	[spmem:s2] =	stream.indirect.scatter.add.f32 [tilespmem:s11], [sflag:$0x1], $0x10, s17, s10, $0xb8;
	[tilespmem:$0xB490] =	vst v63  }
0x4a: {  	_ =	swait.ge [sflag:s9], $0x3E80  }
0x4b: {  	[sflag:s9] =	ssyncset.done $0x0  }
0x4c: {  	[sflag:s9] =	ssyncadd.s32 $0xFFFFC180  }
0x4d: {  	[spmem:s2] =	stream.indirect.scatter.add.f32 [tilespmem:s11], [sflag:$0x1], $0x10, s18, s10, $0xb8;
	[tilespmem:$0xB490] =	vst v63  }
0x4e: {  	_ =	swait.ge [sflag:s9], $0x3E80  }
0x4f: {  	[sflag:s9] =	ssyncset.done $0x0  }
0x50: {  	[sflag:s9] =	ssyncadd.s32 $0xFFFFC180  }
0x51: {  	[spmem:s2] =	stream.indirect.scatter.add.f32 [tilespmem:s11], [sflag:$0x1], $0x10, s19, s10, $0xb8;
	[tilespmem:$0xB490] =	vst v63  }
0x52: {  	_ =	swait.ge [sflag:s9], $0x3E80  }
0x53: {  	s31 =	sshll.u32 s0, $0x6;
	s20 =	sadd.s32 $0x1, s20;
	[sflag:s9] =	ssyncset.done $0x0  }
0x54: {  	s22 =	sshrl.u32 s4, $0x3;
	p0 =	sne.s32 s20, s7;
	[sflag:s9] =	ssyncadd.s32 $0xFFFFC180  }
.Ltmp2:
0x55: {  	s21 =	sor.u32 $0x1C01, s31;
	[bflag:$0x0] =	sbarrier.arrive $0xFFFF;
	(pc) =	sbr.rel @p0 .LBB2_1-.Ltmp2, $4  }
0x56: {  	[hbm:s6], [sflag:s21] =	dma.local [spmem:s22], $0x4F0  }
0x57: {  	_ =	swait.ge [sflag:s9], $0x4F0  }
0x58: {  	[sflag:s9] =	ssyncset.done $0x0  }
0x59: {  	[sflag:s9] =	ssyncadd.s32 $0xFFFFFB10  }
0x5a: {  	_ =	sfence.sel $0x180000  }
0x5b: {  	[bflag:$0x0] =	sbarrier.arrive $0xFFFF  }
0x5c: {  	p0 =	sne.s32 s0, $0x0;
	_ =	strace $0x90000047  }
0x5d: {  	s0 =	sadd.s32 @!p0 $0x100000, s1;
	[bflag:$0x2] =	sbarrier.arrive $0xFFFF  }
0x5e: {  	[sflag:s0] =	ssyncadd.tile.s32 @!p0 $0x1;
	_ =	shalt  }
.Lfunc_end2:
_tile_overlayer_lowered:
.L_overlay_start_2:
0x5f: {  	(tag) =	ssettag $0x2  }
0x60: {  	s0 =	rddreg [dreg:$0x0];
	s2 =	stileid.u32  }
0x61: {  	s1 =	rddreg [dreg:$0x1];
	p0 =	sne.s32 s2, $0x0  }
0x62: {  	s3 =	rddreg [dreg:$0x2];
	[bflag:$0x3] =	sbarrier.arrive $0xFFFF;
	s2 =	simm.s32 @!p0 $0x1C01  }
0x63: {  	[timem:s3], [sflag:s2] =	dma.local @!p0 [hbm:s0], s1  }
0x64: {  	s0 =	simm.s32 @!p0 $0x1  }
0x65: {  	_ =	swait.ge @!p0 [sflag:s0], s1  }
0x66: {  	s1 =	ssub.s32 @!p0 $0x0, s1;
	[sflag:s0] =	ssyncset.done @!p0 $0x0  }
0x67: {  	[sflag:s0] =	ssyncadd.s32 @!p0 s1  }
0x68: {  	[bflag:$0x3] =	sbarrier.arrive $0xFFFF  }
0x69: {  	_ =	shalt  }

// kernel: kernel.14.cloned.1.call-start
scs
__scs_entry_jumppad:
0x0: {  	(pc) =	sbr.rel $0x88, $3  }
0x1: {  	(tag) =	ssettag $0x0;
	lr =	simm.s32 $0x1  }
0x2: {  	[smem:$0x3F99] =	sst lr;
	_ =	strace $0xD0000000  }
0x3: {  	_ = 	snop  }
0x4: {  	_ = 	snop  }
0x5: {  	_ = 	snop  }
0x6: {  	_ = 	snop  }
0x7: {  	_ = 	snop  }
__scs_overlays_trampoline_lowered:
0x8: {  	[smem:$0x3FA8] =	sst s0  }
0x9: {  	[smem:$0x3FA9] =	sst s1  }
0xa: {  	[smem:$0x3FAA] =	sst s2  }
0xb: {  	[smem:$0x3FAB] =	sst s3  }
0xc: {  	[smem:$0x3FAC] =	sst s4  }
0xd: {  	[smem:$0x3FAD] =	sst s5  }
0xe: {  	[smem:$0x3FAE] =	sst s6  }
0xf: {  	[smem:$0x3FAF] =	sst s7  }
0x10: {  	[smem:$0x3FB0] =	sst s8  }
0x11: {  	[smem:$0x3FB1] =	sst s9;
	s0 =	simm.s32 @!p0 $0x0  }
0x12: {  	s1 =	sld [smem:$0x3F97];
	s0 =	simm.s32 @p0 $0x1  }
0x13: {  	[smem:$0x3FB2] =	sst s0;
	s0 =	simm.s32 @!p1 $0x0  }
0x14: {  	s2 =	sld [smem:$0x3F96];
	s0 =	simm.s32 @p1 $0x1  }
0x15: {  	[smem:$0x3FB3] =	sst s0;
	s0 =	simm.s32 @!p2 $0x0  }
0x16: {  	s3 =	sld [smem:$0x3FDB];
	s0 =	simm.s32 @p2 $0x1  }
0x17: {  	s4 =	simm.s32 $0x1BF5;
	[smem:$0x3FB5] =	sst s0  }
0x18: {  	s0 =	sld [smem:$0x3F98];
	_ =	swait.ge [sflag:s4], $0x0  }
0x19: {  	s7 =	sld [smem:$0x3F99]  }
0x1a: {  	s8 =	sadd.s32 $0xFFFFE003, lr  }
0x1b: {  	s9 =	sadd.s32 $0xFFFFFEF7, lr;
	s5 =	simm.s32 $0xFFFFFFFF;
	p2 =	slt.u32 s8, $0xFFFFF086  }
0x1c: {  	p1 =	slt.u32 s9, $0xF7A;
	s5 =	simm.s32 @!p2 $0x0  }
0x1d: {  	s5 =	simm.s32 @p1 $0x1;
	p0 =	seq.s32 s7, s2  }
0x1e: {  	s7 =	smul.u32 @!p0 $0xF7A, s2;
	p2 =	seq.s32 @!p0 s5, $0x0  }
0x1f: {  	s9 =	smul.u32 $0xF7A, s1;
	s8 =	simm.s32 @!p0 $0x1BF5;
	p2 =	por !p2, p0  }
0x20: {  	[sflag:s8] =	ssyncset.s32 @!p0 $0xFFFFF086;
	s6 =	sadd.s32 @!p0 s3, s7;
	s7 =	simm.s32 @!p0 $0x108  }
0x21: {  	s3 =	sadd.s32 s3, s9;
	s6 =	sadd.s32 @!p0 $0x88, s6;
	s7 =	simm.s32 @p2 $0x1082  }
0x22: {  	[simem:s7], [sflag:s8] =	dma.local @!p0 [hbm:s6], $0xF7A  }
0x23: {  	s9 =	sor.u32 $0xD0000000, s2;
	s6 =	simm.s32 $0x108;
	_ =	swait.ge @!p0 [sflag:s8], $0x0  }
0x24: {  	s3 =	sadd.s32 $0x88, s3;
	s6 =	simm.s32 @!p1 $0x1082;
	[sflag:s4] =	ssyncset.s32 $0xFFFFF086  }
0x25: {  	[simem:s6], [sflag:s4] =	dma.local [hbm:s3], $0xF7A  }
0x26: {  	[smem:$0x3F99] =	sst s1;
	(tag) =	ssettag s2;
	_ =	strace s9  }
0x27: {  	s1 =	sld [smem:$0x3FA9]  }
0x28: {  	s2 =	sld [smem:$0x3FAA]  }
0x29: {  	s4 =	sld [smem:$0x3FAC]  }
0x2a: {  	p0 =	seq.s32 s5, $0x0;
	s5 =	sld [smem:$0x3FAD]  }
0x2b: {  	s6 =	sld [smem:$0x3FAE]  }
0x2c: {  	s7 =	sld [smem:$0x3FAF]  }
0x2d: {  	s3 =	simm.s32 $0x108;
	s8 =	sld [smem:$0x3FB0]  }
0x2e: {  	s3 =	simm.s32 @!p0 $0x1082;
	s9 =	sld [smem:$0x3FB1]  }
0x2f: {  	lr =	sadd.s32 s0, s3;
	s0 =	sld [smem:$0x3FA8]  }
0x30: {  	s3 =	sld [smem:$0x3FAB]  }
0x31: {  	[smem:$0x3FB4] =	sst s10  }
0x32: {  	s10 =	sld [smem:$0x3FB2];
	_ =	sdelay $0x3  }
0x33: {  	p0 =	seq.s32 s10, $0x1;
	s10 =	sld [smem:$0x3FB4];
	_ =	sdelay $0x3  }
0x34: {  	[smem:$0x3FB4] =	sst s10  }
0x35: {  	s10 =	sld [smem:$0x3FB3];
	_ =	sdelay $0x3  }
0x36: {  	p1 =	seq.s32 s10, $0x1;
	s10 =	sld [smem:$0x3FB4];
	_ =	sdelay $0x3  }
0x37: {  	[smem:$0x3FB4] =	sst s10  }
0x38: {  	s10 =	sld [smem:$0x3FB5]  }
0x39: {  	_ = 	snop;
	(pc) =	sbr.ind lr, $3  }
0x3a: {  	_ = 	snop  }
0x3b: {  	_ = 	snop  }
0x3c: {  	p2 =	seq.s32 s10, $0x1;
	s10 =	sld [smem:$0x3FB4]  }
0x3d: {  	_ =	shalt  }
0x3e: {  	_ =	shalt  }
0x3f: {  	_ =	shalt  }
0x40: {  	_ =	shalt  }
0x41: {  	_ =	shalt  }
0x42: {  	_ =	shalt  }
0x43: {  	_ =	shalt  }
0x44: {  	_ =	shalt  }
0x45: {  	_ =	shalt  }
0x46: {  	_ =	shalt  }
0x47: {  	_ =	shalt  }
0x48: {  	_ =	shalt  }
0x49: {  	_ =	shalt  }
0x4a: {  	_ =	shalt  }
0x4b: {  	_ =	shalt  }
0x4c: {  	_ =	shalt  }
0x4d: {  	_ =	shalt  }
0x4e: {  	_ =	shalt  }
0x4f: {  	_ =	shalt  }
0x50: {  	_ =	shalt  }
0x51: {  	_ =	shalt  }
0x52: {  	_ =	shalt  }
0x53: {  	_ =	shalt  }
0x54: {  	_ =	shalt  }
0x55: {  	_ =	shalt  }
0x56: {  	_ =	shalt  }
0x57: {  	_ =	shalt  }
0x58: {  	_ =	shalt  }
0x59: {  	_ =	shalt  }
0x5a: {  	_ =	shalt  }
0x5b: {  	_ =	shalt  }
0x5c: {  	_ =	shalt  }
0x5d: {  	_ =	shalt  }
0x5e: {  	_ =	shalt  }
0x5f: {  	_ =	shalt  }
0x60: {  	_ =	shalt  }
0x61: {  	_ =	shalt  }
0x62: {  	_ =	shalt  }
0x63: {  	_ =	shalt  }
0x64: {  	_ =	shalt  }
0x65: {  	_ =	shalt  }
0x66: {  	_ =	shalt  }
0x67: {  	_ =	shalt  }
0x68: {  	_ =	shalt  }
0x69: {  	_ =	shalt  }
0x6a: {  	_ =	shalt  }
0x6b: {  	_ =	shalt  }
0x6c: {  	_ =	shalt  }
0x6d: {  	_ =	shalt  }
0x6e: {  	_ =	shalt  }
0x6f: {  	_ =	shalt  }
0x70: {  	_ =	shalt  }
0x71: {  	_ =	shalt  }
0x72: {  	_ =	shalt  }
0x73: {  	_ =	shalt  }
0x74: {  	_ =	shalt  }
0x75: {  	_ =	shalt  }
0x76: {  	_ =	shalt  }
0x77: {  	_ =	shalt  }
0x78: {  	_ =	shalt  }
0x79: {  	_ =	shalt  }
0x7a: {  	_ =	shalt  }
0x7b: {  	_ =	shalt  }
0x7c: {  	_ =	shalt  }
0x7d: {  	_ =	shalt  }
0x7e: {  	_ =	shalt  }
0x7f: {  	_ =	shalt  }
0x80: {  	_ =	shalt  }
0x81: {  	_ =	shalt  }
0x82: {  	_ =	shalt  }
0x83: {  	_ =	shalt  }
0x84: {  	_ =	shalt  }
0x85: {  	_ =	shalt  }
0x86: {  	_ =	shalt  }
0x87: {  	_ =	shalt  }
.Lfunc_end0:
.L_simem_size_0:
called_computation.1_lowered:
.L_overlay_start_0:
0x88: {  	s2 =	sld [smem:$0x3FD9]  }
0x89: {  	s3 =	sld [smem:$0x3FFE];
	_ =	sdelay $0x1  }
0x8a: {  	s1 =	srdreg.scid  }
0x8b: {  	s0 =	sand.u32 $0x1, s1  }
0x8c: {  	s17 =	sshll.u32 s0, $0xA;
	s2 =	sadd.s32 s3, s2  }
0x8d: {  	s2 =	sadd.s32 s2, s17  }
0x8e: {  	[smem:$0x3FC0] =	sst s2  }
0x8f: {  	_ = 	snop  }
0x90: {  	s2 =	sld [smem:$0x3FD0];
	(tm) =	ssettm $0x1  }
0x91: {  	s18 =	sld [smem:$0x3FFB];
	_ =	sdelay $0x3  }
0x92: {  	_ =	strace s18  }
0x93: {  	s3 =	sld [smem:$0x3FFC];
	_ =	sdelay $0x3  }
0x94: {  	_ =	strace s3  }
0x95: {  	s3 =	sld [smem:$0x3FFD];
	_ =	sdelay $0x3  }
0x96: {  	_ =	strace s3  }
0x97: {  	_ =	strace $0x8FFFFFFF  }
0x98: {  	s19 =	sld [smem:$0x3FDB];
	_ =	sdelay $0x1  }
0x99: {  	s4 =	simm.s32 $_scs_section_size  }
0x9a: {  	s5 =	simm.s32 $_size__tile_overlayer_lowered;
	s6 =	simm.s32 $_tile_overlayer_lowered  }
0x9b: {  	s22 =	simm.s32 $0x1BFF;
	s21 =	sshll.u32 s6, $0x1;
	s3 =	sadd.s32 s4, s19  }
0x9c: {  	s7 =	simm.s32 $0x0;
	s20 =	sshll.u32 s5, $0x1;
	s5 =	sadd.s32 s21, s3  }
0x9d: {  	[timem:s7], [sflag:s22] =	dma.local [hbm:s5], s20  }
0x9e: {  	_ =	swait.ge [sflag:s22], s20  }
0x9f: {  	s4 =	ssub.s32 $0x0, s20;
	[sflag:s22] =	ssyncset.done $0x0  }
0xa0: {  	[sflag:s22] =	ssyncadd.s32 s4;
	_ =	sdelay $0x1  }
0xa1: {  	s23 =	simm.s32 $0x1B8B  }
0xa2: {  	_ =	swait.ge [sflag:s23], $0x1  }
0xa3: {  	[sflag:s23] =	ssyncset.done $0x0  }
0xa4: {  	s25 =	simm.s32 $0x1B8E;
	s24 =	sld [smem:$0x3FFE];
	[sflag:s23] =	ssyncadd.s32 $0xFFFFFFFF  }
0xa5: {  	s26 =	simm.s32 $execute0_lowered;
	[smem:$0x3FD2] =	sst s25  }
0xa6: {  	s5 =	sshll.u32 s26, $0x1;
	_ =	strace $0x80000049;
	[dreg:$0x1] =	wrdreg $0xFFFFFFFF  }
0xa7: {  	s28 =	simm.s32 $_size_execute0_lowered;
	s3 =	sadd.s32 s3, s5;
	[dreg:$0x0] =	wrdreg $0x0  }
0xa8: {  	s5 =	sshll.u32 s28, $0x1;
	[dreg:$0x2] =	wrdreg s3  }
0xa9: {  	[dreg:$0x3] =	wrdreg s5  }
0xaa: {  	[dreg:$0x4] =	wrdreg $0xC0  }
0xab: {  	_ =	task [dreg:s7], $0x5FFFF  }
0xac: {  	[dreg:$0x1] =	wrdreg $0xFFFFFFFF  }
0xad: {  	[dreg:$0x0] =	wrdreg $0x60  }
0xae: {  	[dreg:$0x2] =	wrdreg s24  }
0xaf: {  	[dreg:$0x3] =	wrdreg s2  }
0xb0: {  	[dreg:$0x4] =	wrdreg $0x152200  }
0xb1: {  	[dreg:$0x5] =	wrdreg $0x9  }
0xb2: {  	_ =	task.clear_ibuf [dreg:s7], $0x6FFFF;
	_ =	strace $0x90000049  }
0xb3: {  	s29 =	simm.s32 $0x9;
	_ =	strace $0x8000004B  }
0xb4: {  	_ =	swait.ge [sflag:s29], $0x1  }
0xb5: {  	[sflag:s29] =	ssyncadd.s32 $0xFFFFFFFF  }
0xb6: {  	_ =	strace $0x9000004B  }
0xb7: {  	_ =	sfence  }
0xb8: {  	s30 =	sld [smem:$0x0];
	_ =	sdelay $0x2  }
0xb9: {  	s31 =	sshll.u32 s1, $0xD;
	s1 =	sshrl.u32 s1, $0x2  }
0xba: {  	s3 =	sand.u32 $0x4000, s31;
	s1 =	sadd.s32 s1, s30  }
0xbb: {  	s0 =	sor.u32 s3, s0;
	s1 =	sshll.u32 s1, $0x11  }
0xbc: {  	s0 =	sor.u32 s1, s0  }
0xbd: {  	s0 =	sadd.s32 $0x8F2B, s0  }
0xbe: {  	[sflag:s0] =	ssyncadd.remote.s32 $0x1  }
0xbf: {  	_ =	sfence.sel $0xFFFF  }
0xc0: {  	[dreg:$0x0] =	wrdreg $0xFFFFFFFF;
	(pc) =	sbr.abs _section_cstart, $3  }
0xc1: {  	[dreg:$0x1] =	wrdreg $0xFFFFFFFF  }
0xc2: {  	_ =	task.clear_ibuf [dreg:s7], $0x2FFFF;
	_ =	strace $0x9FFFFFFF  }
0xc3: {  	(tm) =	ssettm $0x7FFFFFFF  }
tec
execute0_lowered:
.L_overlay_start_1:
0x0: {  	(tag) =	ssettag $0x1  }
0x1: {  	s0 =	srdreg.scid  }
0x2: {  	s7 =	stileid.u32;
	s1 =	rddreg [dreg:$0x0]  }
0x3: {  	s11 =	rddreg [dreg:$0x1];
	s13 =	simm.s32 $0x14820;
	s14 =	simm.s32 $0x3  }
0x4: {  	s15 =	simm.s32 $0x2710;
	s16 =	simm.s32 $0x3E8;
	s17 =	simm.s32 $0x4E20  }
0x5: {  	s18 =	simm.s32 $0x8CA0;
	s19 =	simm.s32 $0x1;
	s21 =	simm.s32 $0xCB20  }
0x6: {  	s23 =	simm.s32 $0x109A0;
	s20 =	simm.s32 $0x3A98;
	s22 =	simm.s32 $0x1F40  }
0x7: {  	s24 =	simm.s32 $0x2328;
	s28 =	simm.s32 $0x4268;
	s29 =	simm.s32 $0x4650  }
0x8: {  	s30 =	simm.s32 $0x4A38;
	s31 =	simm.s32 $0x0;
	s6 =	smul.u32 $0x9E00, s7  }
0x9: {  	s0 =	sand.u32 $0x1, s0;
	s2 =	sshll.u32 s7, $0x1;
	s9 =	smul.u32 $0x2780, s7  }
0xa: {  	s3 =	sor.u32 s0, s2;
	s25 =	ssub.s32 $0x2, s0;
	s0 =	smul.u32 $0x27800, s0  }
0xb: {  	s2 =	rddreg [dreg:$0x2];
	s4 =	smul.u32 $0x2710, s3;
	s3 =	simm.s32 $0x0  }
0xc: {  	s6 =	sshrl.u32 s6, $0x2;
	s26 =	sshrl.u32 s25, $0x1;
	[smem:$0x7FF] =	sst s3  }
0xd: {  	s8 =	sadd.s32 s6, s2;
	s12 =	ssub.s32 s25, s26;
	s0 =	sadd.s32 s9, s0  }
0xe: {  	s25 =	simm.s32 $0x2;
	s26 =	simm.s32 $0x3E80;
	s5 =	sshrl.u32 s4, $0x3  }
0xf: {  	_ =	strace $0x8000004A;
	s4 =	sadd.s32 $0x3DC00, s1;
	s6 =	sadd.s32 $0xA00, s8  }
0x10: {  	s7 =	sadd.s32 $0x1400, s8;
	s8 =	sadd.s32 $0x1E00, s8;
	s0 =	sshrl.u32 s0, $0x3  }
0x11: {  	s12 =	smax.u32 s12, $0x1;
	s1 =	sadd.s32 s5, s1;
	s5 =	sadd.s32 s9, s2  }
0x12: {  	v0 =	vimm.f32 $0.0e+00;
	s11 =	sadd.s32 s11, s0;
	s9 =	sadd.s32 $0x2A00, s1;
	s10 =	sadd.s32 $0xC640, s1  }
.LBB2_1:
0x13: {  	s1 =	simm.s32 $0x14840  }
0x14: {  	[tilespmem:s1+$0xFFFFFFE0] =	vst v0  }
0x15: {  	[tilespmem:s1+$0x10] =	vst v0  }
0x16: {  	s0 =	simm.s32 $0x0;
	[tilespmem:s1+$0x0] =	vst v0  }
.LBB2_2:
0x17: {  	s0 =	sadd.s32 $0x4, s0  }
0x18: {  	[tilespmem:s1+$0xFFFFFFF0] =	vst v0;
	s1 =	sadd.s32 $0x40, s1;
	p0 =	slt.u32 s0, $0x9C  }
.Ltmp0:
0x19: {  	[tilespmem:s1+$0xFFFFFFE0] =	vst v0;
	(pc) =	sbr.rel @p0 .LBB2_2-.Ltmp0, $3  }
0x1a: {  	_ =	sdelay $0x1  }
0x1b: {  	[tilespmem:s1+$0x10] =	vst v0  }
0x1c: {  	[tilespmem:s1+$0x0] =	vst v0  }
0x1d: {  	[tilespmem:s1+$0xFFFFFFF0] =	vst v0  }
0x1e: {  	[spmem:s5] =	stream.linear.scatter [tilespmem:s13], [sflag:$0x3], $0xA00, $0x38;
	[tilespmem:$0x179A0] =	vst v63  }
0x1f: {  	_ =	swait.ge [sflag:s14], $0xA00  }
0x20: {  	[sflag:s14] =	ssyncset.done $0x0  }
0x21: {  	[sflag:s14] =	ssyncadd.s32 $0xFFFFF600  }
0x22: {  	[spmem:s6] =	stream.linear.scatter [tilespmem:s13], [sflag:$0x3], $0xA00, $0x38;
	[tilespmem:$0x179A0] =	vst v63  }
0x23: {  	_ =	swait.ge [sflag:s14], $0xA00  }
0x24: {  	[sflag:s14] =	ssyncset.done $0x0  }
0x25: {  	[sflag:s14] =	ssyncadd.s32 $0xFFFFF600  }
0x26: {  	[spmem:s7] =	stream.linear.scatter [tilespmem:s13], [sflag:$0x3], $0xA00, $0x38;
	[tilespmem:$0x179A0] =	vst v63  }
0x27: {  	_ =	swait.ge [sflag:s14], $0xA00  }
0x28: {  	[sflag:s14] =	ssyncset.done $0x0  }
0x29: {  	[sflag:s14] =	ssyncadd.s32 $0xFFFFF600  }
0x2a: {  	[spmem:s8] =	stream.linear.scatter [tilespmem:s13], [sflag:$0x3], $0x980, $0x38;
	[tilespmem:$0x179A0] =	vst v63  }
0x2b: {  	_ =	swait.ge [sflag:s14], $0x980  }
0x2c: {  	[sflag:s14] =	ssyncset.done $0x0  }
0x2d: {  	[sflag:s14] =	ssyncadd.s32 $0xFFFFF680  }
0x2e: {  	[bflag:$0x0] =	sbarrier.arrive $0xFFFF  }
0x2f: {  	[tilespmem:s3], [sflag:$0x3] =	stream.linear.gather [hbm4b:s9+s3], $0x2710, $0x38;
	[tilespmem:$0x179A0] =	vst v63  }
0x30: {  	_ =	swait.ge [sflag:s14], $0x2710  }
0x31: {  	[sflag:s14] =	ssyncset.done $0x0  }
0x32: {  	[sflag:s14] =	ssyncadd.s32 $0xFFFFD8F0  }
0x33: {  	[tilespmem:s15], [sflag:$0x3] =	stream.linear.gather [hbm4b:s10+s3], $0x2710, $0x38;
	[tilespmem:$0x179A0] =	vst v63  }
0x34: {  	_ =	swait.ge [sflag:s14], $0x2710  }
0x35: {  	[sflag:s14] =	ssyncset.done $0x0  }
0x36: {  	[sflag:s14] =	ssyncadd.s32 $0xFFFFD8F0  }
0x37: {  	[tilespmem:s17], [sflag:$0x1] =	stream.indirect.gather [hbm4b:s4+s16], $0x10, s3, s16, $0xb8;
	[tilespmem:$0x179A0] =	vst v63  }
0x38: {  	_ = 	snop  }
0x39: {  	[tilespmem:s18], [sflag:$0x1] =	stream.indirect.gather [hbm4b:s4+s16], $0x10, s16, s16, $0xb8;
	[tilespmem:$0x179A0] =	vst v63  }
0x3a: {  	_ =	swait.ge [sflag:s19], $0x3E80  }
0x3b: {  	[sflag:s19] =	ssyncset.done $0x0  }
0x3c: {  	[sflag:s19] =	ssyncadd.s32 $0xFFFFC180  }
0x3d: {  	_ =	swait.ge [sflag:s19], $0x3E80  }
0x3e: {  	[sflag:s19] =	ssyncset.done $0x0  }
0x3f: {  	s0 =	simm.s32 $0x7D0;
	[sflag:s19] =	ssyncadd.s32 $0xFFFFC180  }
0x40: {  	[tilespmem:s21], [sflag:$0x1] =	stream.indirect.gather [hbm4b:s4+s16], $0x10, s0, s16, $0xb8;
	[tilespmem:$0x179A0] =	vst v63  }
0x41: {  	s1 =	simm.s32 $0xBB8  }
0x42: {  	[tilespmem:s23], [sflag:$0x1] =	stream.indirect.gather [hbm4b:s4+s16], $0x10, s1, s16, $0xb8;
	[tilespmem:$0x179A0] =	vst v63  }
0x43: {  	_ = 	snop  }
0x44: {  	[spmem:s2] =	stream.indirect.scatter.add.f32 [tilespmem:s17], [sflag:$0x2], $0x10, s15, s16, $0xb8;
	[tilespmem:$0x179A0] =	vst v63  }
0x45: {  	s1 =	simm.s32 $0x2AF8  }
0x46: {  	[spmem:s2] =	stream.indirect.scatter.add.f32 [tilespmem:s18], [sflag:$0x2], $0x10, s1, s16, $0xb8;
	[tilespmem:$0x179A0] =	vst v63  }
0x47: {  	_ =	swait.ge [sflag:s19], $0x3E80  }
0x48: {  	[sflag:s19] =	ssyncset.done $0x0  }
0x49: {  	[sflag:s19] =	ssyncadd.s32 $0xFFFFC180  }
0x4a: {  	_ =	swait.ge [sflag:s19], $0x3E80  }
0x4b: {  	[sflag:s19] =	ssyncset.done $0x0  }
0x4c: {  	[sflag:s19] =	ssyncadd.s32 $0xFFFFC180  }
0x4d: {  	_ =	swait.ge [sflag:s25], $0x3E80  }
0x4e: {  	[sflag:s25] =	ssyncset.done $0x0  }
0x4f: {  	[sflag:s25] =	ssyncadd.s32 $0xFFFFC180  }
0x50: {  	_ =	swait.ge [sflag:s25], $0x3E80  }
0x51: {  	[sflag:s25] =	ssyncset.done $0x0  }
0x52: {  	s1 =	simm.s32 $0xFA0;
	[sflag:s25] =	ssyncadd.s32 $0xFFFFC180  }
0x53: {  	[tilespmem:s17], [sflag:$0x1] =	stream.indirect.gather [hbm4b:s4+s16], $0x10, s1, s16, $0xb8;
	[tilespmem:$0x179A0] =	vst v63  }
0x54: {  	s1 =	simm.s32 $0x1388  }
0x55: {  	[tilespmem:s18], [sflag:$0x1] =	stream.indirect.gather [hbm4b:s4+s16], $0x10, s1, s16, $0xb8;
	[tilespmem:$0x179A0] =	vst v63  }
0x56: {  	s1 =	simm.s32 $0x2EE0  }
0x57: {  	[spmem:s2] =	stream.indirect.scatter.add.f32 [tilespmem:s21], [sflag:$0x2], $0x10, s1, s16, $0xb8;
	[tilespmem:$0x179A0] =	vst v63  }
0x58: {  	s1 =	simm.s32 $0x32C8  }
0x59: {  	[spmem:s2] =	stream.indirect.scatter.add.f32 [tilespmem:s23], [sflag:$0x2], $0x10, s1, s16, $0xb8;
	[tilespmem:$0x179A0] =	vst v63  }
0x5a: {  	_ =	swait.ge [sflag:s19], $0x3E80  }
0x5b: {  	[sflag:s19] =	ssyncset.done $0x0  }
0x5c: {  	[sflag:s19] =	ssyncadd.s32 $0xFFFFC180  }
0x5d: {  	_ =	swait.ge [sflag:s19], $0x3E80  }
0x5e: {  	[sflag:s19] =	ssyncset.done $0x0  }
0x5f: {  	[sflag:s19] =	ssyncadd.s32 $0xFFFFC180  }
0x60: {  	_ =	swait.ge [sflag:s25], $0x3E80  }
0x61: {  	[sflag:s25] =	ssyncset.done $0x0  }
0x62: {  	[sflag:s25] =	ssyncadd.s32 $0xFFFFC180  }
0x63: {  	_ =	swait.ge [sflag:s25], $0x3E80  }
0x64: {  	[sflag:s25] =	ssyncset.done $0x0  }
0x65: {  	s1 =	simm.s32 $0x1770;
	[sflag:s25] =	ssyncadd.s32 $0xFFFFC180  }
0x66: {  	[tilespmem:s21], [sflag:$0x1] =	stream.indirect.gather [hbm4b:s4+s16], $0x10, s1, s16, $0xb8;
	[tilespmem:$0x179A0] =	vst v63  }
0x67: {  	s1 =	simm.s32 $0x1B58  }
0x68: {  	[tilespmem:s23], [sflag:$0x1] =	stream.indirect.gather [hbm4b:s4+s16], $0x10, s1, s16, $0xb8;
	[tilespmem:$0x179A0] =	vst v63  }
0x69: {  	s1 =	simm.s32 $0x36B0  }
0x6a: {  	[spmem:s2] =	stream.indirect.scatter.add.f32 [tilespmem:s17], [sflag:$0x2], $0x10, s1, s16, $0xb8;
	[tilespmem:$0x179A0] =	vst v63  }
0x6b: {  	_ = 	snop  }
0x6c: {  	[spmem:s2] =	stream.indirect.scatter.add.f32 [tilespmem:s18], [sflag:$0x2], $0x10, s20, s16, $0xb8;
	[tilespmem:$0x179A0] =	vst v63  }
0x6d: {  	_ =	swait.ge [sflag:s19], $0x3E80  }
0x6e: {  	[sflag:s19] =	ssyncset.done $0x0  }
0x6f: {  	[sflag:s19] =	ssyncadd.s32 $0xFFFFC180  }
0x70: {  	_ =	swait.ge [sflag:s19], $0x3E80  }
0x71: {  	[sflag:s19] =	ssyncset.done $0x0  }
0x72: {  	[sflag:s19] =	ssyncadd.s32 $0xFFFFC180  }
0x73: {  	_ =	swait.ge [sflag:s25], $0x3E80  }
0x74: {  	[sflag:s25] =	ssyncset.done $0x0  }
0x75: {  	[sflag:s25] =	ssyncadd.s32 $0xFFFFC180  }
0x76: {  	_ =	swait.ge [sflag:s25], $0x3E80  }
0x77: {  	[sflag:s25] =	ssyncset.done $0x0  }
0x78: {  	[sflag:s25] =	ssyncadd.s32 $0xFFFFC180  }
0x79: {  	[tilespmem:s17], [sflag:$0x1] =	stream.indirect.gather [hbm4b:s4+s16], $0x10, s22, s16, $0xb8;
	[tilespmem:$0x179A0] =	vst v63  }
0x7a: {  	_ = 	snop  }
0x7b: {  	[tilespmem:s18], [sflag:$0x1] =	stream.indirect.gather [hbm4b:s4+s16], $0x10, s24, s16, $0xb8;
	[tilespmem:$0x179A0] =	vst v63  }
0x7c: {  	_ = 	snop  }
0x7d: {  	[spmem:s2] =	stream.indirect.scatter.add.f32 [tilespmem:s21], [sflag:$0x2], $0x10, s26, s16, $0xb8;
	[tilespmem:$0x179A0] =	vst v63  }
0x7e: {  	_ = 	snop  }
0x7f: {  	[spmem:s2] =	stream.indirect.scatter.add.f32 [tilespmem:s23], [sflag:$0x2], $0x10, s28, s16, $0xb8;
	[tilespmem:$0x179A0] =	vst v63  }
0x80: {  	_ =	swait.ge [sflag:s19], $0x3E80  }
0x81: {  	[sflag:s19] =	ssyncset.done $0x0  }
0x82: {  	[sflag:s19] =	ssyncadd.s32 $0xFFFFC180  }
0x83: {  	_ =	swait.ge [sflag:s19], $0x3E80  }
0x84: {  	[sflag:s19] =	ssyncset.done $0x0  }
0x85: {  	[sflag:s19] =	ssyncadd.s32 $0xFFFFC180  }
0x86: {  	_ =	swait.ge [sflag:s25], $0x3E80  }
0x87: {  	[sflag:s25] =	ssyncset.done $0x0  }
0x88: {  	[sflag:s25] =	ssyncadd.s32 $0xFFFFC180  }
0x89: {  	_ =	swait.ge [sflag:s25], $0x3E80  }
0x8a: {  	[sflag:s25] =	ssyncset.done $0x0  }
0x8b: {  	[sflag:s25] =	ssyncadd.s32 $0xFFFFC180  }
0x8c: {  	[spmem:s2] =	stream.indirect.scatter.add.f32 [tilespmem:s17], [sflag:$0x2], $0x10, s29, s16, $0xb8;
	[tilespmem:$0x179A0] =	vst v63  }
0x8d: {  	_ = 	snop  }
0x8e: {  	[spmem:s2] =	stream.indirect.scatter.add.f32 [tilespmem:s18], [sflag:$0x2], $0x10, s30, s16, $0xb8;
	[tilespmem:$0x179A0] =	vst v63  }
0x8f: {  	_ =	swait.ge [sflag:s25], $0x3E80  }
0x90: {  	[sflag:s25] =	ssyncset.done $0x0  }
0x91: {  	[sflag:s25] =	ssyncadd.s32 $0xFFFFC180  }
0x92: {  	s31 =	sadd.s32 $0x1, s31;
	_ =	swait.ge [sflag:s25], $0x3E80  }
0x93: {  	p0 =	sne.s32 s31, s12;
	s1 =	stileid.u32;
	[sflag:s25] =	ssyncset.done $0x0  }
0x94: {  	s0 =	sshll.u32 s1, $0x6;
	s1 =	sshrl.u32 s5, $0x3;
	[sflag:s25] =	ssyncadd.s32 $0xFFFFC180  }
.Ltmp1:
0x95: {  	s0 =	sor.u32 $0x1C03, s0;
	[bflag:$0x0] =	sbarrier.arrive $0xFFFF;
	(pc) =	sbr.rel @p0 .LBB2_1-.Ltmp1, $4  }
0x96: {  	[hbm:s11], [sflag:s0] =	dma.local [spmem:s1], $0x4F0  }
0x97: {  	_ =	swait.ge [sflag:s14], $0x4F0  }
0x98: {  	[sflag:s14] =	ssyncset.done $0x0  }
0x99: {  	[sflag:s14] =	ssyncadd.s32 $0xFFFFFB10  }
0x9a: {  	_ =	sfence.sel $0x180000  }
0x9b: {  	[bflag:$0x0] =	sbarrier.arrive $0xFFFF  }
0x9c: {  	_ =	strace $0x9000004A  }
0x9d: {  	s0 =	stileid.u32;
	[bflag:$0x2] =	sbarrier.arrive $0xFFFF  }
0x9e: {  	p0 =	sne.s32 s0, $0x0;
	s0 =	rddreg [dreg:$0x3]  }
0x9f: {  	s0 =	sadd.s32 @!p0 $0x100000, s0  }
0xa0: {  	[sflag:s0] =	ssyncadd.tile.s32 @!p0 $0x1;
	_ =	shalt  }
.Lfunc_end2:
_tile_overlayer_lowered:
.L_overlay_start_2:
0xa1: {  	(tag) =	ssettag $0x2  }
0xa2: {  	s0 =	rddreg [dreg:$0x0];
	s2 =	stileid.u32  }
0xa3: {  	s1 =	rddreg [dreg:$0x1];
	p0 =	sne.s32 s2, $0x0  }
0xa4: {  	s3 =	rddreg [dreg:$0x2];
	[bflag:$0x3] =	sbarrier.arrive $0xFFFF;
	s2 =	simm.s32 @!p0 $0x1C03  }
0xa5: {  	[timem:s3], [sflag:s2] =	dma.local @!p0 [hbm:s0], s1  }
0xa6: {  	s0 =	simm.s32 @!p0 $0x3  }
0xa7: {  	_ =	swait.ge @!p0 [sflag:s0], s1  }
0xa8: {  	s1 =	ssub.s32 @!p0 $0x0, s1;
	[sflag:s0] =	ssyncset.done @!p0 $0x0  }
0xa9: {  	[sflag:s0] =	ssyncadd.s32 @!p0 s1  }
0xaa: {  	[bflag:$0x3] =	sbarrier.arrive $0xFFFF  }
0xab: {  	_ =	shalt  }

// kernel: kernel.17.cloned.1.call-start
scs
__scs_entry_jumppad:
0x0: {  	(pc) =	sbr.rel $0x88, $3  }
0x1: {  	(tag) =	ssettag $0x0;
	lr =	simm.s32 $0x1  }
0x2: {  	[smem:$0x3F99] =	sst lr;
	_ =	strace $0xD0000000  }
0x3: {  	_ = 	snop  }
0x4: {  	_ = 	snop  }
0x5: {  	_ = 	snop  }
0x6: {  	_ = 	snop  }
0x7: {  	_ = 	snop  }
__scs_overlays_trampoline_lowered:
0x8: {  	[smem:$0x3FA8] =	sst s0  }
0x9: {  	[smem:$0x3FA9] =	sst s1  }
0xa: {  	[smem:$0x3FAA] =	sst s2  }
0xb: {  	[smem:$0x3FAB] =	sst s3  }
0xc: {  	[smem:$0x3FAC] =	sst s4  }
0xd: {  	[smem:$0x3FAD] =	sst s5  }
0xe: {  	[smem:$0x3FAE] =	sst s6  }
0xf: {  	[smem:$0x3FAF] =	sst s7  }
0x10: {  	[smem:$0x3FB0] =	sst s8  }
0x11: {  	[smem:$0x3FB1] =	sst s9;
	s0 =	simm.s32 @!p0 $0x0  }
0x12: {  	s1 =	sld [smem:$0x3F97];
	s0 =	simm.s32 @p0 $0x1  }
0x13: {  	[smem:$0x3FB2] =	sst s0;
	s0 =	simm.s32 @!p1 $0x0  }
0x14: {  	s2 =	sld [smem:$0x3F96];
	s0 =	simm.s32 @p1 $0x1  }
0x15: {  	[smem:$0x3FB3] =	sst s0;
	s0 =	simm.s32 @!p2 $0x0  }
0x16: {  	s3 =	sld [smem:$0x3FDB];
	s0 =	simm.s32 @p2 $0x1  }
0x17: {  	s4 =	simm.s32 $0x1BF5;
	[smem:$0x3FB5] =	sst s0  }
0x18: {  	s0 =	sld [smem:$0x3F98];
	_ =	swait.ge [sflag:s4], $0x0  }
0x19: {  	s7 =	sld [smem:$0x3F99]  }
0x1a: {  	s8 =	sadd.s32 $0xFFFFE003, lr  }
0x1b: {  	s9 =	sadd.s32 $0xFFFFFEF7, lr;
	s5 =	simm.s32 $0xFFFFFFFF;
	p2 =	slt.u32 s8, $0xFFFFF086  }
0x1c: {  	p1 =	slt.u32 s9, $0xF7A;
	s5 =	simm.s32 @!p2 $0x0  }
0x1d: {  	s5 =	simm.s32 @p1 $0x1;
	p0 =	seq.s32 s7, s2  }
0x1e: {  	s7 =	smul.u32 @!p0 $0xF7A, s2;
	p2 =	seq.s32 @!p0 s5, $0x0  }
0x1f: {  	s9 =	smul.u32 $0xF7A, s1;
	s8 =	simm.s32 @!p0 $0x1BF5;
	p2 =	por !p2, p0  }
0x20: {  	[sflag:s8] =	ssyncset.s32 @!p0 $0xFFFFF086;
	s6 =	sadd.s32 @!p0 s3, s7;
	s7 =	simm.s32 @!p0 $0x108  }
0x21: {  	s3 =	sadd.s32 s3, s9;
	s6 =	sadd.s32 @!p0 $0x88, s6;
	s7 =	simm.s32 @p2 $0x1082  }
0x22: {  	[simem:s7], [sflag:s8] =	dma.local @!p0 [hbm:s6], $0xF7A  }
0x23: {  	s9 =	sor.u32 $0xD0000000, s2;
	s6 =	simm.s32 $0x108;
	_ =	swait.ge @!p0 [sflag:s8], $0x0  }
0x24: {  	s3 =	sadd.s32 $0x88, s3;
	s6 =	simm.s32 @!p1 $0x1082;
	[sflag:s4] =	ssyncset.s32 $0xFFFFF086  }
0x25: {  	[simem:s6], [sflag:s4] =	dma.local [hbm:s3], $0xF7A  }
0x26: {  	[smem:$0x3F99] =	sst s1;
	(tag) =	ssettag s2;
	_ =	strace s9  }
0x27: {  	s1 =	sld [smem:$0x3FA9]  }
0x28: {  	s2 =	sld [smem:$0x3FAA]  }
0x29: {  	s4 =	sld [smem:$0x3FAC]  }
0x2a: {  	p0 =	seq.s32 s5, $0x0;
	s5 =	sld [smem:$0x3FAD]  }
0x2b: {  	s6 =	sld [smem:$0x3FAE]  }
0x2c: {  	s7 =	sld [smem:$0x3FAF]  }
0x2d: {  	s3 =	simm.s32 $0x108;
	s8 =	sld [smem:$0x3FB0]  }
0x2e: {  	s3 =	simm.s32 @!p0 $0x1082;
	s9 =	sld [smem:$0x3FB1]  }
0x2f: {  	lr =	sadd.s32 s0, s3;
	s0 =	sld [smem:$0x3FA8]  }
0x30: {  	s3 =	sld [smem:$0x3FAB]  }
0x31: {  	[smem:$0x3FB4] =	sst s10  }
0x32: {  	s10 =	sld [smem:$0x3FB2];
	_ =	sdelay $0x3  }
0x33: {  	p0 =	seq.s32 s10, $0x1;
	s10 =	sld [smem:$0x3FB4];
	_ =	sdelay $0x3  }
0x34: {  	[smem:$0x3FB4] =	sst s10  }
0x35: {  	s10 =	sld [smem:$0x3FB3];
	_ =	sdelay $0x3  }
0x36: {  	p1 =	seq.s32 s10, $0x1;
	s10 =	sld [smem:$0x3FB4];
	_ =	sdelay $0x3  }
0x37: {  	[smem:$0x3FB4] =	sst s10  }
0x38: {  	s10 =	sld [smem:$0x3FB5]  }
0x39: {  	_ = 	snop;
	(pc) =	sbr.ind lr, $3  }
0x3a: {  	_ = 	snop  }
0x3b: {  	_ = 	snop  }
0x3c: {  	p2 =	seq.s32 s10, $0x1;
	s10 =	sld [smem:$0x3FB4]  }
0x3d: {  	_ =	shalt  }
0x3e: {  	_ =	shalt  }
0x3f: {  	_ =	shalt  }
0x40: {  	_ =	shalt  }
0x41: {  	_ =	shalt  }
0x42: {  	_ =	shalt  }
0x43: {  	_ =	shalt  }
0x44: {  	_ =	shalt  }
0x45: {  	_ =	shalt  }
0x46: {  	_ =	shalt  }
0x47: {  	_ =	shalt  }
0x48: {  	_ =	shalt  }
0x49: {  	_ =	shalt  }
0x4a: {  	_ =	shalt  }
0x4b: {  	_ =	shalt  }
0x4c: {  	_ =	shalt  }
0x4d: {  	_ =	shalt  }
0x4e: {  	_ =	shalt  }
0x4f: {  	_ =	shalt  }
0x50: {  	_ =	shalt  }
0x51: {  	_ =	shalt  }
0x52: {  	_ =	shalt  }
0x53: {  	_ =	shalt  }
0x54: {  	_ =	shalt  }
0x55: {  	_ =	shalt  }
0x56: {  	_ =	shalt  }
0x57: {  	_ =	shalt  }
0x58: {  	_ =	shalt  }
0x59: {  	_ =	shalt  }
0x5a: {  	_ =	shalt  }
0x5b: {  	_ =	shalt  }
0x5c: {  	_ =	shalt  }
0x5d: {  	_ =	shalt  }
0x5e: {  	_ =	shalt  }
0x5f: {  	_ =	shalt  }
0x60: {  	_ =	shalt  }
0x61: {  	_ =	shalt  }
0x62: {  	_ =	shalt  }
0x63: {  	_ =	shalt  }
0x64: {  	_ =	shalt  }
0x65: {  	_ =	shalt  }
0x66: {  	_ =	shalt  }
0x67: {  	_ =	shalt  }
0x68: {  	_ =	shalt  }
0x69: {  	_ =	shalt  }
0x6a: {  	_ =	shalt  }
0x6b: {  	_ =	shalt  }
0x6c: {  	_ =	shalt  }
0x6d: {  	_ =	shalt  }
0x6e: {  	_ =	shalt  }
0x6f: {  	_ =	shalt  }
0x70: {  	_ =	shalt  }
0x71: {  	_ =	shalt  }
0x72: {  	_ =	shalt  }
0x73: {  	_ =	shalt  }
0x74: {  	_ =	shalt  }
0x75: {  	_ =	shalt  }
0x76: {  	_ =	shalt  }
0x77: {  	_ =	shalt  }
0x78: {  	_ =	shalt  }
0x79: {  	_ =	shalt  }
0x7a: {  	_ =	shalt  }
0x7b: {  	_ =	shalt  }
0x7c: {  	_ =	shalt  }
0x7d: {  	_ =	shalt  }
0x7e: {  	_ =	shalt  }
0x7f: {  	_ =	shalt  }
0x80: {  	_ =	shalt  }
0x81: {  	_ =	shalt  }
0x82: {  	_ =	shalt  }
0x83: {  	_ =	shalt  }
0x84: {  	_ =	shalt  }
0x85: {  	_ =	shalt  }
0x86: {  	_ =	shalt  }
0x87: {  	_ =	shalt  }
.Lfunc_end0:
.L_simem_size_0:
called_computation.2_lowered:
.L_overlay_start_0:
0x88: {  	s2 =	sld [smem:$0x3FD9]  }
0x89: {  	s3 =	sld [smem:$0x3FFE];
	_ =	sdelay $0x1  }
0x8a: {  	s1 =	srdreg.scid  }
0x8b: {  	s0 =	sand.u32 $0x1, s1  }
0x8c: {  	s17 =	sshll.u32 s0, $0xA;
	s2 =	sadd.s32 s3, s2  }
0x8d: {  	s2 =	sadd.s32 s2, s17  }
0x8e: {  	[smem:$0x3FC0] =	sst s2  }
0x8f: {  	_ = 	snop  }
0x90: {  	s2 =	sld [smem:$0x3FD0];
	(tm) =	ssettm $0x1  }
0x91: {  	s18 =	sld [smem:$0x3FFB];
	_ =	sdelay $0x3  }
0x92: {  	_ =	strace s18  }
0x93: {  	s3 =	sld [smem:$0x3FFC];
	_ =	sdelay $0x3  }
0x94: {  	_ =	strace s3  }
0x95: {  	s3 =	sld [smem:$0x3FFD];
	_ =	sdelay $0x3  }
0x96: {  	_ =	strace s3  }
0x97: {  	_ =	strace $0x8FFFFFFF  }
0x98: {  	s19 =	sld [smem:$0x3FDB];
	_ =	sdelay $0x1  }
0x99: {  	s4 =	simm.s32 $_scs_section_size  }
0x9a: {  	s5 =	simm.s32 $_size__tile_overlayer_lowered;
	s6 =	simm.s32 $_tile_overlayer_lowered  }
0x9b: {  	s22 =	simm.s32 $0x1BFF;
	s21 =	sshll.u32 s6, $0x1;
	s3 =	sadd.s32 s4, s19  }
0x9c: {  	s7 =	simm.s32 $0x0;
	s20 =	sshll.u32 s5, $0x1;
	s5 =	sadd.s32 s21, s3  }
0x9d: {  	[timem:s7], [sflag:s22] =	dma.local [hbm:s5], s20  }
0x9e: {  	_ =	swait.ge [sflag:s22], s20  }
0x9f: {  	s4 =	ssub.s32 $0x0, s20;
	[sflag:s22] =	ssyncset.done $0x0  }
0xa0: {  	[sflag:s22] =	ssyncadd.s32 s4;
	_ =	sdelay $0x1  }
0xa1: {  	s23 =	simm.s32 $0x1B8B  }
0xa2: {  	_ =	swait.ge [sflag:s23], $0x1  }
0xa3: {  	[sflag:s23] =	ssyncset.done $0x0  }
0xa4: {  	s25 =	simm.s32 $0x1B8E;
	s24 =	sld [smem:$0x3FFE];
	[sflag:s23] =	ssyncadd.s32 $0xFFFFFFFF  }
0xa5: {  	s26 =	simm.s32 $execute0_lowered;
	[smem:$0x3FD2] =	sst s25  }
0xa6: {  	s5 =	sshll.u32 s26, $0x1;
	_ =	strace $0x8000004C;
	[dreg:$0x1] =	wrdreg $0xFFFFFFFF  }
0xa7: {  	s28 =	simm.s32 $_size_execute0_lowered;
	s3 =	sadd.s32 s3, s5;
	[dreg:$0x0] =	wrdreg $0x0  }
0xa8: {  	s5 =	sshll.u32 s28, $0x1;
	[dreg:$0x2] =	wrdreg s3  }
0xa9: {  	[dreg:$0x3] =	wrdreg s5  }
0xaa: {  	[dreg:$0x4] =	wrdreg $0xC0  }
0xab: {  	_ =	task [dreg:s7], $0x5FFFF  }
0xac: {  	[dreg:$0x1] =	wrdreg $0xFFFFFFFF  }
0xad: {  	[dreg:$0x0] =	wrdreg $0x60  }
0xae: {  	[dreg:$0x2] =	wrdreg s2  }
0xaf: {  	[dreg:$0x3] =	wrdreg s24  }
0xb0: {  	[dreg:$0x4] =	wrdreg $0x15C200  }
0xb1: {  	[dreg:$0x5] =	wrdreg $0x9  }
0xb2: {  	_ =	task.clear_ibuf [dreg:s7], $0x6FFFF;
	_ =	strace $0x9000004C  }
0xb3: {  	s29 =	simm.s32 $0x9;
	_ =	strace $0x8000004E  }
0xb4: {  	_ =	swait.ge [sflag:s29], $0x1  }
0xb5: {  	[sflag:s29] =	ssyncadd.s32 $0xFFFFFFFF  }
0xb6: {  	_ =	strace $0x9000004E  }
0xb7: {  	_ =	sfence  }
0xb8: {  	s30 =	sld [smem:$0x0];
	_ =	sdelay $0x2  }
0xb9: {  	s31 =	sshll.u32 s1, $0xD;
	s1 =	sshrl.u32 s1, $0x2  }
0xba: {  	s3 =	sand.u32 $0x4000, s31;
	s1 =	sadd.s32 s1, s30  }
0xbb: {  	s0 =	sor.u32 s3, s0;
	s1 =	sshll.u32 s1, $0x11  }
0xbc: {  	s0 =	sor.u32 s1, s0  }
0xbd: {  	s0 =	sadd.s32 $0x8F2B, s0  }
0xbe: {  	[sflag:s0] =	ssyncadd.remote.s32 $0x1  }
0xbf: {  	_ =	sfence.sel $0xFFFF  }
0xc0: {  	[dreg:$0x0] =	wrdreg $0xFFFFFFFF;
	(pc) =	sbr.abs _section_cstart, $3  }
0xc1: {  	[dreg:$0x1] =	wrdreg $0xFFFFFFFF  }
0xc2: {  	_ =	task.clear_ibuf [dreg:s7], $0x2FFFF;
	_ =	strace $0x9FFFFFFF  }
0xc3: {  	(tm) =	ssettm $0x7FFFFFFF  }
tec
execute0_lowered:
.L_overlay_start_1:
0x0: {  	(tag) =	ssettag $0x1  }
0x1: {  	s1 =	rddreg [dreg:$0x0]  }
0x2: {  	s0 =	srdreg.scid;
	s5 =	rddreg [dreg:$0x1]  }
0x3: {  	s8 =	stileid.u32;
	s3 =	rddreg [dreg:$0x2];
	s4 =	simm.s32 $0x0  }
0x4: {  	s13 =	simm.s32 $0x14820;
	s14 =	simm.s32 $0x3;
	s15 =	simm.s32 $0x2710  }
0x5: {  	s16 =	simm.s32 $0x3E8;
	s17 =	simm.s32 $0x4E20;
	s18 =	simm.s32 $0x1  }
0x6: {  	s19 =	simm.s32 $0xCB20;
	s20 =	simm.s32 $0x2;
	s30 =	simm.s32 $0x1770  }
0x7: {  	s31 =	simm.s32 $0x3A98;
	s21 =	simm.s32 $0x1F40;
	s22 =	simm.s32 $0x4268  }
0x8: {  	s23 =	simm.s32 $0x2328;
	s24 =	simm.s32 $0x4650;
	s25 =	simm.s32 $0x4A38  }
0x9: {  	s26 =	simm.s32 $0x0;
	s0 =	sand.u32 $0x1, s0;
	s6 =	smul.u32 $0x4F00, s8  }
0xa: {  	s2 =	sshll.u32 s8, $0x1;
	[smem:$0x7FF] =	sst s4;
	s8 =	smul.u32 $0x13C00, s8  }
0xb: {  	s2 =	sor.u32 s0, s2;
	s7 =	smul.u32 $0x4F000, s0;
	s0 =	ssub.s32 $0x2, s0  }
0xc: {  	_ =	strace $0x8000004D;
	s2 =	smul.u32 $0x2710, s2;
	s28 =	sshrl.u32 s0, $0x1  }
0xd: {  	s29 =	sshrl.u32 s8, $0x2;
	s7 =	sadd.s32 s6, s7;
	s0 =	ssub.s32 s0, s28  }
0xe: {  	s8 =	sadd.s32 s29, s3;
	s2 =	sshrl.u32 s2, $0x3;
	s7 =	sshrl.u32 s7, $0x3  }
0xf: {  	s12 =	smax.u32 s0, $0x1;
	s0 =	simm.s32 $0x3E80;
	s2 =	sadd.s32 s2, s5  }
0x10: {  	s11 =	sadd.s32 s7, s5;
	s5 =	sadd.s32 s6, s3;
	s6 =	sadd.s32 $0x1400, s8  }
0x11: {  	s7 =	sadd.s32 $0x2800, s8;
	s8 =	sadd.s32 $0x3C00, s8;
	s9 =	sadd.s32 $0x2A00, s2  }
0x12: {  	v0 =	vimm.f32 $0.0e+00;
	s10 =	sadd.s32 $0xC640, s2;
	s11 =	sadd.s32 $0x16400, s11;
	s2 =	simm.s32 $0x1B58  }
.LBB2_1:
0x13: {  	s28 =	simm.s32 $0x14860  }
0x14: {  	[tilespmem:s28+$0xFFFFFFC0] =	vst v0  }
0x15: {  	[tilespmem:s28+$0x30] =	vst v0  }
0x16: {  	[tilespmem:s28+$0x20] =	vst v0  }
0x17: {  	[tilespmem:s28+$0x10] =	vst v0  }
0x18: {  	[tilespmem:s28+$0x0] =	vst v0  }
0x19: {  	[tilespmem:s28+$0xFFFFFFF0] =	vst v0  }
0x1a: {  	s29 =	simm.s32 $0x0;
	[tilespmem:s28+$0xFFFFFFE0] =	vst v0  }
.LBB2_2:
0x1b: {  	s29 =	sadd.s32 $0x4, s29;
	[tilespmem:s28+$0xFFFFFFD0] =	vst v0;
	s28 =	sadd.s32 $0x80, s28  }
0x1c: {  	[tilespmem:s28+$0xFFFFFFC0] =	vst v0;
	p0 =	slt.u32 s29, $0x9C  }
0x1d: {  	[tilespmem:s28+$0x30] =	vst v0  }
.Ltmp0:
0x1e: {  	[tilespmem:s28+$0x20] =	vst v0;
	(pc) =	sbr.rel @p0 .LBB2_2-.Ltmp0, $4  }
0x1f: {  	[tilespmem:s28+$0x10] =	vst v0  }
0x20: {  	[tilespmem:s28+$0x0] =	vst v0  }
0x21: {  	[tilespmem:s28+$0xFFFFFFF0] =	vst v0  }
0x22: {  	[tilespmem:s28+$0xFFFFFFE0] =	vst v0  }
0x23: {  	[tilespmem:s28+$0xFFFFFFD0] =	vst v0  }
0x24: {  	[spmem:s5] =	stream.linear.scatter [tilespmem:s13], [sflag:$0x3], $0x1400, $0x38;
	[tilespmem:$0x1AB20] =	vst v63  }
0x25: {  	_ =	swait.ge [sflag:s14], $0x1400  }
0x26: {  	[sflag:s14] =	ssyncset.done $0x0  }
0x27: {  	[sflag:s14] =	ssyncadd.s32 $0xFFFFEC00  }
0x28: {  	[spmem:s6] =	stream.linear.scatter [tilespmem:s13], [sflag:$0x3], $0x1400, $0x38;
	[tilespmem:$0x1AB20] =	vst v63  }
0x29: {  	_ =	swait.ge [sflag:s14], $0x1400  }
0x2a: {  	[sflag:s14] =	ssyncset.done $0x0  }
0x2b: {  	[sflag:s14] =	ssyncadd.s32 $0xFFFFEC00  }
0x2c: {  	[spmem:s7] =	stream.linear.scatter [tilespmem:s13], [sflag:$0x3], $0x1400, $0x38;
	[tilespmem:$0x1AB20] =	vst v63  }
0x2d: {  	_ =	swait.ge [sflag:s14], $0x1400  }
0x2e: {  	[sflag:s14] =	ssyncset.done $0x0  }
0x2f: {  	[sflag:s14] =	ssyncadd.s32 $0xFFFFEC00  }
0x30: {  	[spmem:s8] =	stream.linear.scatter [tilespmem:s13], [sflag:$0x3], $0x1300, $0x38;
	[tilespmem:$0x1AB20] =	vst v63  }
0x31: {  	_ =	swait.ge [sflag:s14], $0x1300  }
0x32: {  	[sflag:s14] =	ssyncset.done $0x0  }
0x33: {  	[sflag:s14] =	ssyncadd.s32 $0xFFFFED00  }
0x34: {  	[bflag:$0x0] =	sbarrier.arrive $0xFFFF  }
0x35: {  	[tilespmem:s4], [sflag:$0x3] =	stream.linear.gather [hbm4b:s9+s4], $0x2710, $0x38;
	[tilespmem:$0x1AB20] =	vst v63  }
0x36: {  	_ =	swait.ge [sflag:s14], $0x2710  }
0x37: {  	[sflag:s14] =	ssyncset.done $0x0  }
0x38: {  	[sflag:s14] =	ssyncadd.s32 $0xFFFFD8F0  }
0x39: {  	[tilespmem:s15], [sflag:$0x3] =	stream.linear.gather [hbm4b:s10+s4], $0x2710, $0x38;
	[tilespmem:$0x1AB20] =	vst v63  }
0x3a: {  	_ =	swait.ge [sflag:s14], $0x2710  }
0x3b: {  	[sflag:s14] =	ssyncset.done $0x0  }
0x3c: {  	[sflag:s14] =	ssyncadd.s32 $0xFFFFD8F0  }
0x3d: {  	[tilespmem:s17], [sflag:$0x1] =	stream.indirect.gather [hbm4b:s1+s16], $0x20, s4, s16, $0xb8;
	[tilespmem:$0x1AB20] =	vst v63  }
0x3e: {  	_ =	swait.ge [sflag:s18], $0x7D00  }
0x3f: {  	[sflag:s18] =	ssyncset.done $0x0  }
0x40: {  	[sflag:s18] =	ssyncadd.s32 $0xFFFF8300  }
0x41: {  	[tilespmem:s19], [sflag:$0x1] =	stream.indirect.gather [hbm4b:s1+s16], $0x20, s16, s16, $0xb8;
	[tilespmem:$0x1AB20] =	vst v63  }
0x42: {  	_ = 	snop  }
0x43: {  	[spmem:s3] =	stream.indirect.scatter.add.f32 [tilespmem:s17], [sflag:$0x2], $0x20, s15, s16, $0xb8;
	[tilespmem:$0x1AB20] =	vst v63  }
0x44: {  	_ =	swait.ge [sflag:s18], $0x7D00  }
0x45: {  	[sflag:s18] =	ssyncset.done $0x0  }
0x46: {  	[sflag:s18] =	ssyncadd.s32 $0xFFFF8300  }
0x47: {  	_ =	swait.ge [sflag:s20], $0x7D00  }
0x48: {  	[sflag:s20] =	ssyncset.done $0x0  }
0x49: {  	s29 =	simm.s32 $0x7D0;
	[sflag:s20] =	ssyncadd.s32 $0xFFFF8300  }
0x4a: {  	[tilespmem:s17], [sflag:$0x1] =	stream.indirect.gather [hbm4b:s1+s16], $0x20, s29, s16, $0xb8;
	[tilespmem:$0x1AB20] =	vst v63  }
0x4b: {  	s29 =	simm.s32 $0x2AF8  }
0x4c: {  	[spmem:s3] =	stream.indirect.scatter.add.f32 [tilespmem:s19], [sflag:$0x2], $0x20, s29, s16, $0xb8;
	[tilespmem:$0x1AB20] =	vst v63  }
0x4d: {  	_ =	swait.ge [sflag:s18], $0x7D00  }
0x4e: {  	[sflag:s18] =	ssyncset.done $0x0  }
0x4f: {  	[sflag:s18] =	ssyncadd.s32 $0xFFFF8300  }
0x50: {  	_ =	swait.ge [sflag:s20], $0x7D00  }
0x51: {  	[sflag:s20] =	ssyncset.done $0x0  }
0x52: {  	s29 =	simm.s32 $0xBB8;
	[sflag:s20] =	ssyncadd.s32 $0xFFFF8300  }
0x53: {  	[tilespmem:s19], [sflag:$0x1] =	stream.indirect.gather [hbm4b:s1+s16], $0x20, s29, s16, $0xb8;
	[tilespmem:$0x1AB20] =	vst v63  }
0x54: {  	s29 =	simm.s32 $0x2EE0  }
0x55: {  	[spmem:s3] =	stream.indirect.scatter.add.f32 [tilespmem:s17], [sflag:$0x2], $0x20, s29, s16, $0xb8;
	[tilespmem:$0x1AB20] =	vst v63  }
0x56: {  	_ =	swait.ge [sflag:s18], $0x7D00  }
0x57: {  	[sflag:s18] =	ssyncset.done $0x0  }
0x58: {  	[sflag:s18] =	ssyncadd.s32 $0xFFFF8300  }
0x59: {  	_ =	swait.ge [sflag:s20], $0x7D00  }
0x5a: {  	[sflag:s20] =	ssyncset.done $0x0  }
0x5b: {  	s29 =	simm.s32 $0xFA0;
	[sflag:s20] =	ssyncadd.s32 $0xFFFF8300  }
0x5c: {  	[tilespmem:s17], [sflag:$0x1] =	stream.indirect.gather [hbm4b:s1+s16], $0x20, s29, s16, $0xb8;
	[tilespmem:$0x1AB20] =	vst v63  }
0x5d: {  	s29 =	simm.s32 $0x32C8  }
0x5e: {  	[spmem:s3] =	stream.indirect.scatter.add.f32 [tilespmem:s19], [sflag:$0x2], $0x20, s29, s16, $0xb8;
	[tilespmem:$0x1AB20] =	vst v63  }
0x5f: {  	_ =	swait.ge [sflag:s18], $0x7D00  }
0x60: {  	[sflag:s18] =	ssyncset.done $0x0  }
0x61: {  	[sflag:s18] =	ssyncadd.s32 $0xFFFF8300  }
0x62: {  	_ =	swait.ge [sflag:s20], $0x7D00  }
0x63: {  	[sflag:s20] =	ssyncset.done $0x0  }
0x64: {  	s29 =	simm.s32 $0x1388;
	[sflag:s20] =	ssyncadd.s32 $0xFFFF8300  }
0x65: {  	[tilespmem:s19], [sflag:$0x1] =	stream.indirect.gather [hbm4b:s1+s16], $0x20, s29, s16, $0xb8;
	[tilespmem:$0x1AB20] =	vst v63  }
0x66: {  	s29 =	simm.s32 $0x36B0  }
0x67: {  	[spmem:s3] =	stream.indirect.scatter.add.f32 [tilespmem:s17], [sflag:$0x2], $0x20, s29, s16, $0xb8;
	[tilespmem:$0x1AB20] =	vst v63  }
0x68: {  	_ =	swait.ge [sflag:s18], $0x7D00  }
0x69: {  	[sflag:s18] =	ssyncset.done $0x0  }
0x6a: {  	[sflag:s18] =	ssyncadd.s32 $0xFFFF8300  }
0x6b: {  	_ =	swait.ge [sflag:s20], $0x7D00  }
0x6c: {  	[sflag:s20] =	ssyncset.done $0x0  }
0x6d: {  	[sflag:s20] =	ssyncadd.s32 $0xFFFF8300  }
0x6e: {  	[tilespmem:s17], [sflag:$0x1] =	stream.indirect.gather [hbm4b:s1+s16], $0x20, s30, s16, $0xb8;
	[tilespmem:$0x1AB20] =	vst v63  }
0x6f: {  	_ = 	snop  }
0x70: {  	[spmem:s3] =	stream.indirect.scatter.add.f32 [tilespmem:s19], [sflag:$0x2], $0x20, s31, s16, $0xb8;
	[tilespmem:$0x1AB20] =	vst v63  }
0x71: {  	_ =	swait.ge [sflag:s18], $0x7D00  }
0x72: {  	[sflag:s18] =	ssyncset.done $0x0  }
0x73: {  	[sflag:s18] =	ssyncadd.s32 $0xFFFF8300  }
0x74: {  	_ =	swait.ge [sflag:s20], $0x7D00  }
0x75: {  	[sflag:s20] =	ssyncset.done $0x0  }
0x76: {  	[sflag:s20] =	ssyncadd.s32 $0xFFFF8300  }
0x77: {  	[tilespmem:s19], [sflag:$0x1] =	stream.indirect.gather [hbm4b:s1+s16], $0x20, s2, s16, $0xb8;
	[tilespmem:$0x1AB20] =	vst v63  }
0x78: {  	_ = 	snop  }
0x79: {  	[spmem:s3] =	stream.indirect.scatter.add.f32 [tilespmem:s17], [sflag:$0x2], $0x20, s0, s16, $0xb8;
	[tilespmem:$0x1AB20] =	vst v63  }
0x7a: {  	_ =	swait.ge [sflag:s18], $0x7D00  }
0x7b: {  	[sflag:s18] =	ssyncset.done $0x0  }
0x7c: {  	[sflag:s18] =	ssyncadd.s32 $0xFFFF8300  }
0x7d: {  	_ =	swait.ge [sflag:s20], $0x7D00  }
0x7e: {  	[sflag:s20] =	ssyncset.done $0x0  }
0x7f: {  	[sflag:s20] =	ssyncadd.s32 $0xFFFF8300  }
0x80: {  	[tilespmem:s17], [sflag:$0x1] =	stream.indirect.gather [hbm4b:s1+s16], $0x20, s21, s16, $0xb8;
	[tilespmem:$0x1AB20] =	vst v63  }
0x81: {  	_ = 	snop  }
0x82: {  	[spmem:s3] =	stream.indirect.scatter.add.f32 [tilespmem:s19], [sflag:$0x2], $0x20, s22, s16, $0xb8;
	[tilespmem:$0x1AB20] =	vst v63  }
0x83: {  	_ =	swait.ge [sflag:s18], $0x7D00  }
0x84: {  	[sflag:s18] =	ssyncset.done $0x0  }
0x85: {  	[sflag:s18] =	ssyncadd.s32 $0xFFFF8300  }
0x86: {  	_ =	swait.ge [sflag:s20], $0x7D00  }
0x87: {  	[sflag:s20] =	ssyncset.done $0x0  }
0x88: {  	[sflag:s20] =	ssyncadd.s32 $0xFFFF8300  }
0x89: {  	[tilespmem:s19], [sflag:$0x1] =	stream.indirect.gather [hbm4b:s1+s16], $0x20, s23, s16, $0xb8;
	[tilespmem:$0x1AB20] =	vst v63  }
0x8a: {  	_ = 	snop  }
0x8b: {  	[spmem:s3] =	stream.indirect.scatter.add.f32 [tilespmem:s17], [sflag:$0x2], $0x20, s24, s16, $0xb8;
	[tilespmem:$0x1AB20] =	vst v63  }
0x8c: {  	_ =	swait.ge [sflag:s18], $0x7D00  }
0x8d: {  	[sflag:s18] =	ssyncset.done $0x0  }
0x8e: {  	[sflag:s18] =	ssyncadd.s32 $0xFFFF8300  }
0x8f: {  	_ =	swait.ge [sflag:s20], $0x7D00  }
0x90: {  	[sflag:s20] =	ssyncset.done $0x0  }
0x91: {  	[sflag:s20] =	ssyncadd.s32 $0xFFFF8300  }
0x92: {  	[spmem:s3] =	stream.indirect.scatter.add.f32 [tilespmem:s19], [sflag:$0x2], $0x20, s25, s16, $0xb8;
	[tilespmem:$0x1AB20] =	vst v63  }
0x93: {  	s26 =	sadd.s32 $0x1, s26;
	_ =	swait.ge [sflag:s20], $0x7D00  }
0x94: {  	p0 =	sne.s32 s26, s12;
	s29 =	stileid.u32;
	[sflag:s20] =	ssyncset.done $0x0  }
0x95: {  	s28 =	sshll.u32 s29, $0x6;
	s29 =	sshrl.u32 s5, $0x3;
	[sflag:s20] =	ssyncadd.s32 $0xFFFF8300  }
.Ltmp1:
0x96: {  	s28 =	sor.u32 $0x1C03, s28;
	[bflag:$0x0] =	sbarrier.arrive $0xFFFF;
	(pc) =	sbr.rel @p0 .LBB2_1-.Ltmp1, $4  }
0x97: {  	[hbm:s11], [sflag:s28] =	dma.local [spmem:s29], $0x9E0  }
0x98: {  	_ =	swait.ge [sflag:s14], $0x9E0  }
0x99: {  	[sflag:s14] =	ssyncset.done $0x0  }
0x9a: {  	[sflag:s14] =	ssyncadd.s32 $0xFFFFF620  }
0x9b: {  	_ =	sfence.sel $0x180000  }
0x9c: {  	[bflag:$0x0] =	sbarrier.arrive $0xFFFF  }
0x9d: {  	_ =	strace $0x9000004D  }
0x9e: {  	s0 =	stileid.u32;
	[bflag:$0x2] =	sbarrier.arrive $0xFFFF  }
0x9f: {  	p0 =	sne.s32 s0, $0x0;
	s0 =	rddreg [dreg:$0x3]  }
0xa0: {  	s0 =	sadd.s32 @!p0 $0x100000, s0  }
0xa1: {  	[sflag:s0] =	ssyncadd.tile.s32 @!p0 $0x1;
	_ =	shalt  }
.Lfunc_end2:
_tile_overlayer_lowered:
.L_overlay_start_2:
0xa2: {  	(tag) =	ssettag $0x2  }
0xa3: {  	s0 =	rddreg [dreg:$0x0];
	s2 =	stileid.u32  }
0xa4: {  	s1 =	rddreg [dreg:$0x1];
	p0 =	sne.s32 s2, $0x0  }
0xa5: {  	s3 =	rddreg [dreg:$0x2];
	[bflag:$0x3] =	sbarrier.arrive $0xFFFF;
	s2 =	simm.s32 @!p0 $0x1C03  }
0xa6: {  	[timem:s3], [sflag:s2] =	dma.local @!p0 [hbm:s0], s1  }
0xa7: {  	s0 =	simm.s32 @!p0 $0x3  }
0xa8: {  	_ =	swait.ge @!p0 [sflag:s0], s1  }
0xa9: {  	s1 =	ssub.s32 @!p0 $0x0, s1;
	[sflag:s0] =	ssyncset.done @!p0 $0x0  }
0xaa: {  	[sflag:s0] =	ssyncadd.s32 @!p0 s1  }
0xab: {  	[bflag:$0x3] =	sbarrier.arrive $0xFFFF  }
0xac: {  	_ =	shalt  }

// kernel: kernel.20.cloned.1.call-start
scs
__scs_entry_jumppad:
0x0: {  	(pc) =	sbr.rel $0x88, $3  }
0x1: {  	(tag) =	ssettag $0x0;
	lr =	simm.s32 $0x1  }
0x2: {  	[smem:$0x3F99] =	sst lr;
	_ =	strace $0xD0000000  }
0x3: {  	_ = 	snop  }
0x4: {  	_ = 	snop  }
0x5: {  	_ = 	snop  }
0x6: {  	_ = 	snop  }
0x7: {  	_ = 	snop  }
__scs_overlays_trampoline_lowered:
0x8: {  	[smem:$0x3FA8] =	sst s0  }
0x9: {  	[smem:$0x3FA9] =	sst s1  }
0xa: {  	[smem:$0x3FAA] =	sst s2  }
0xb: {  	[smem:$0x3FAB] =	sst s3  }
0xc: {  	[smem:$0x3FAC] =	sst s4  }
0xd: {  	[smem:$0x3FAD] =	sst s5  }
0xe: {  	[smem:$0x3FAE] =	sst s6  }
0xf: {  	[smem:$0x3FAF] =	sst s7  }
0x10: {  	[smem:$0x3FB0] =	sst s8  }
0x11: {  	[smem:$0x3FB1] =	sst s9;
	s0 =	simm.s32 @!p0 $0x0  }
0x12: {  	s1 =	sld [smem:$0x3F97];
	s0 =	simm.s32 @p0 $0x1  }
0x13: {  	[smem:$0x3FB2] =	sst s0;
	s0 =	simm.s32 @!p1 $0x0  }
0x14: {  	s2 =	sld [smem:$0x3F96];
	s0 =	simm.s32 @p1 $0x1  }
0x15: {  	[smem:$0x3FB3] =	sst s0;
	s0 =	simm.s32 @!p2 $0x0  }
0x16: {  	s3 =	sld [smem:$0x3FDB];
	s0 =	simm.s32 @p2 $0x1  }
0x17: {  	s4 =	simm.s32 $0x1BF5;
	[smem:$0x3FB5] =	sst s0  }
0x18: {  	s0 =	sld [smem:$0x3F98];
	_ =	swait.ge [sflag:s4], $0x0  }
0x19: {  	s7 =	sld [smem:$0x3F99]  }
0x1a: {  	s8 =	sadd.s32 $0xFFFFE003, lr  }
0x1b: {  	s9 =	sadd.s32 $0xFFFFFEF7, lr;
	s5 =	simm.s32 $0xFFFFFFFF;
	p2 =	slt.u32 s8, $0xFFFFF086  }
0x1c: {  	p1 =	slt.u32 s9, $0xF7A;
	s5 =	simm.s32 @!p2 $0x0  }
0x1d: {  	s5 =	simm.s32 @p1 $0x1;
	p0 =	seq.s32 s7, s2  }
0x1e: {  	s7 =	smul.u32 @!p0 $0xF7A, s2;
	p2 =	seq.s32 @!p0 s5, $0x0  }
0x1f: {  	s9 =	smul.u32 $0xF7A, s1;
	s8 =	simm.s32 @!p0 $0x1BF5;
	p2 =	por !p2, p0  }
0x20: {  	[sflag:s8] =	ssyncset.s32 @!p0 $0xFFFFF086;
	s6 =	sadd.s32 @!p0 s3, s7;
	s7 =	simm.s32 @!p0 $0x108  }
0x21: {  	s3 =	sadd.s32 s3, s9;
	s6 =	sadd.s32 @!p0 $0x88, s6;
	s7 =	simm.s32 @p2 $0x1082  }
0x22: {  	[simem:s7], [sflag:s8] =	dma.local @!p0 [hbm:s6], $0xF7A  }
0x23: {  	s9 =	sor.u32 $0xD0000000, s2;
	s6 =	simm.s32 $0x108;
	_ =	swait.ge @!p0 [sflag:s8], $0x0  }
0x24: {  	s3 =	sadd.s32 $0x88, s3;
	s6 =	simm.s32 @!p1 $0x1082;
	[sflag:s4] =	ssyncset.s32 $0xFFFFF086  }
0x25: {  	[simem:s6], [sflag:s4] =	dma.local [hbm:s3], $0xF7A  }
0x26: {  	[smem:$0x3F99] =	sst s1;
	(tag) =	ssettag s2;
	_ =	strace s9  }
0x27: {  	s1 =	sld [smem:$0x3FA9]  }
0x28: {  	s2 =	sld [smem:$0x3FAA]  }
0x29: {  	s4 =	sld [smem:$0x3FAC]  }
0x2a: {  	p0 =	seq.s32 s5, $0x0;
	s5 =	sld [smem:$0x3FAD]  }
0x2b: {  	s6 =	sld [smem:$0x3FAE]  }
0x2c: {  	s7 =	sld [smem:$0x3FAF]  }
0x2d: {  	s3 =	simm.s32 $0x108;
	s8 =	sld [smem:$0x3FB0]  }
0x2e: {  	s3 =	simm.s32 @!p0 $0x1082;
	s9 =	sld [smem:$0x3FB1]  }
0x2f: {  	lr =	sadd.s32 s0, s3;
	s0 =	sld [smem:$0x3FA8]  }
0x30: {  	s3 =	sld [smem:$0x3FAB]  }
0x31: {  	[smem:$0x3FB4] =	sst s10  }
0x32: {  	s10 =	sld [smem:$0x3FB2];
	_ =	sdelay $0x3  }
0x33: {  	p0 =	seq.s32 s10, $0x1;
	s10 =	sld [smem:$0x3FB4];
	_ =	sdelay $0x3  }
0x34: {  	[smem:$0x3FB4] =	sst s10  }
0x35: {  	s10 =	sld [smem:$0x3FB3];
	_ =	sdelay $0x3  }
0x36: {  	p1 =	seq.s32 s10, $0x1;
	s10 =	sld [smem:$0x3FB4];
	_ =	sdelay $0x3  }
0x37: {  	[smem:$0x3FB4] =	sst s10  }
0x38: {  	s10 =	sld [smem:$0x3FB5]  }
0x39: {  	_ = 	snop;
	(pc) =	sbr.ind lr, $3  }
0x3a: {  	_ = 	snop  }
0x3b: {  	_ = 	snop  }
0x3c: {  	p2 =	seq.s32 s10, $0x1;
	s10 =	sld [smem:$0x3FB4]  }
0x3d: {  	_ =	shalt  }
0x3e: {  	_ =	shalt  }
0x3f: {  	_ =	shalt  }
0x40: {  	_ =	shalt  }
0x41: {  	_ =	shalt  }
0x42: {  	_ =	shalt  }
0x43: {  	_ =	shalt  }
0x44: {  	_ =	shalt  }
0x45: {  	_ =	shalt  }
0x46: {  	_ =	shalt  }
0x47: {  	_ =	shalt  }
0x48: {  	_ =	shalt  }
0x49: {  	_ =	shalt  }
0x4a: {  	_ =	shalt  }
0x4b: {  	_ =	shalt  }
0x4c: {  	_ =	shalt  }
0x4d: {  	_ =	shalt  }
0x4e: {  	_ =	shalt  }
0x4f: {  	_ =	shalt  }
0x50: {  	_ =	shalt  }
0x51: {  	_ =	shalt  }
0x52: {  	_ =	shalt  }
0x53: {  	_ =	shalt  }
0x54: {  	_ =	shalt  }
0x55: {  	_ =	shalt  }
0x56: {  	_ =	shalt  }
0x57: {  	_ =	shalt  }
0x58: {  	_ =	shalt  }
0x59: {  	_ =	shalt  }
0x5a: {  	_ =	shalt  }
0x5b: {  	_ =	shalt  }
0x5c: {  	_ =	shalt  }
0x5d: {  	_ =	shalt  }
0x5e: {  	_ =	shalt  }
0x5f: {  	_ =	shalt  }
0x60: {  	_ =	shalt  }
0x61: {  	_ =	shalt  }
0x62: {  	_ =	shalt  }
0x63: {  	_ =	shalt  }
0x64: {  	_ =	shalt  }
0x65: {  	_ =	shalt  }
0x66: {  	_ =	shalt  }
0x67: {  	_ =	shalt  }
0x68: {  	_ =	shalt  }
0x69: {  	_ =	shalt  }
0x6a: {  	_ =	shalt  }
0x6b: {  	_ =	shalt  }
0x6c: {  	_ =	shalt  }
0x6d: {  	_ =	shalt  }
0x6e: {  	_ =	shalt  }
0x6f: {  	_ =	shalt  }
0x70: {  	_ =	shalt  }
0x71: {  	_ =	shalt  }
0x72: {  	_ =	shalt  }
0x73: {  	_ =	shalt  }
0x74: {  	_ =	shalt  }
0x75: {  	_ =	shalt  }
0x76: {  	_ =	shalt  }
0x77: {  	_ =	shalt  }
0x78: {  	_ =	shalt  }
0x79: {  	_ =	shalt  }
0x7a: {  	_ =	shalt  }
0x7b: {  	_ =	shalt  }
0x7c: {  	_ =	shalt  }
0x7d: {  	_ =	shalt  }
0x7e: {  	_ =	shalt  }
0x7f: {  	_ =	shalt  }
0x80: {  	_ =	shalt  }
0x81: {  	_ =	shalt  }
0x82: {  	_ =	shalt  }
0x83: {  	_ =	shalt  }
0x84: {  	_ =	shalt  }
0x85: {  	_ =	shalt  }
0x86: {  	_ =	shalt  }
0x87: {  	_ =	shalt  }
.Lfunc_end0:
.L_simem_size_0:
called_computation.3_lowered:
.L_overlay_start_0:
0x88: {  	s2 =	sld [smem:$0x3FD9]  }
0x89: {  	s3 =	sld [smem:$0x3FFE];
	_ =	sdelay $0x1  }
0x8a: {  	s1 =	srdreg.scid  }
0x8b: {  	s0 =	sand.u32 $0x1, s1  }
0x8c: {  	s16 =	sshll.u32 s0, $0xA;
	s2 =	sadd.s32 s3, s2  }
0x8d: {  	s2 =	sadd.s32 s2, s16  }
0x8e: {  	[smem:$0x3FC0] =	sst s2  }
0x8f: {  	_ = 	snop  }
0x90: {  	(tm) =	ssettm $0x1  }
0x91: {  	s17 =	sld [smem:$0x3FFB];
	_ =	sdelay $0x3  }
0x92: {  	_ =	strace s17  }
0x93: {  	s2 =	sld [smem:$0x3FFC];
	_ =	sdelay $0x3  }
0x94: {  	_ =	strace s2  }
0x95: {  	s2 =	sld [smem:$0x3FFD];
	_ =	sdelay $0x3  }
0x96: {  	_ =	strace s2  }
0x97: {  	_ =	strace $0x8FFFFFFF  }
0x98: {  	s18 =	sld [smem:$0x3FDB];
	_ =	sdelay $0x1  }
0x99: {  	s19 =	simm.s32 $_scs_section_size  }
0x9a: {  	s4 =	simm.s32 $_size__tile_overlayer_lowered;
	s5 =	simm.s32 $_tile_overlayer_lowered  }
0x9b: {  	s22 =	simm.s32 $0x1BFF;
	s21 =	sshll.u32 s5, $0x1;
	s2 =	sadd.s32 s19, s18  }
0x9c: {  	s6 =	simm.s32 $0x0;
	s20 =	sshll.u32 s4, $0x1;
	s4 =	sadd.s32 s21, s2  }
0x9d: {  	[timem:s6], [sflag:s22] =	dma.local [hbm:s4], s20  }
0x9e: {  	_ =	swait.ge [sflag:s22], s20  }
0x9f: {  	s3 =	ssub.s32 $0x0, s20;
	[sflag:s22] =	ssyncset.done $0x0  }
0xa0: {  	[sflag:s22] =	ssyncadd.s32 s3;
	_ =	sdelay $0x1  }
0xa1: {  	s23 =	simm.s32 $0x1B8B  }
0xa2: {  	_ =	swait.ge [sflag:s23], $0x1  }
0xa3: {  	[sflag:s23] =	ssyncset.done $0x0  }
0xa4: {  	s25 =	simm.s32 $0x1B8E;
	s24 =	sld [smem:$0x3FFE];
	[sflag:s23] =	ssyncadd.s32 $0xFFFFFFFF  }
0xa5: {  	s26 =	simm.s32 $execute0_lowered;
	[smem:$0x3FD2] =	sst s25  }
0xa6: {  	s4 =	sshll.u32 s26, $0x1;
	_ =	strace $0x8000004F;
	[dreg:$0x1] =	wrdreg $0xFFFFFFFF  }
0xa7: {  	s28 =	simm.s32 $_size_execute0_lowered;
	s2 =	sadd.s32 s2, s4;
	[dreg:$0x0] =	wrdreg $0x0  }
0xa8: {  	s4 =	sshll.u32 s28, $0x1;
	[dreg:$0x2] =	wrdreg s2  }
0xa9: {  	[dreg:$0x3] =	wrdreg s4  }
0xaa: {  	[dreg:$0x4] =	wrdreg $0xC0  }
0xab: {  	_ =	task [dreg:s6], $0x5FFFF  }
0xac: {  	[dreg:$0x1] =	wrdreg $0xFFFFFFFF  }
0xad: {  	[dreg:$0x0] =	wrdreg $0x60  }
0xae: {  	[dreg:$0x2] =	wrdreg s24  }
0xaf: {  	[dreg:$0x3] =	wrdreg $0x102200  }
0xb0: {  	[dreg:$0x4] =	wrdreg $0x9  }
0xb1: {  	_ =	task.clear_ibuf [dreg:s6], $0x5FFFF;
	_ =	strace $0x9000004F  }
0xb2: {  	s29 =	simm.s32 $0x9;
	_ =	strace $0x80000051  }
0xb3: {  	_ =	swait.ge [sflag:s29], $0x1  }
0xb4: {  	[sflag:s29] =	ssyncadd.s32 $0xFFFFFFFF  }
0xb5: {  	_ =	strace $0x90000051  }
0xb6: {  	_ =	sfence  }
0xb7: {  	s30 =	sld [smem:$0x0];
	_ =	sdelay $0x2  }
0xb8: {  	s31 =	sshll.u32 s1, $0xD;
	s1 =	sshrl.u32 s1, $0x2  }
0xb9: {  	s3 =	sand.u32 $0x4000, s31;
	s1 =	sadd.s32 s1, s30  }
0xba: {  	s0 =	sor.u32 s3, s0;
	s1 =	sshll.u32 s1, $0x11  }
0xbb: {  	s0 =	sor.u32 s1, s0  }
0xbc: {  	s0 =	sadd.s32 $0x8F2B, s0  }
0xbd: {  	[sflag:s0] =	ssyncadd.remote.s32 $0x1  }
0xbe: {  	_ =	sfence.sel $0xFFFF  }
0xbf: {  	[dreg:$0x0] =	wrdreg $0xFFFFFFFF;
	(pc) =	sbr.abs _section_cstart, $3  }
0xc0: {  	[dreg:$0x1] =	wrdreg $0xFFFFFFFF  }
0xc1: {  	_ =	task.clear_ibuf [dreg:s6], $0x2FFFF;
	_ =	strace $0x9FFFFFFF  }
0xc2: {  	(tm) =	ssettm $0x7FFFFFFF  }
0xc3: {  	_ =	shalt  }
tec
execute0_lowered:
.L_overlay_start_1:
0x0: {  	(tag) =	ssettag $0x1  }
0x1: {  	s1 =	srdreg.scid;
	s6 =	rddreg [dreg:$0x0]  }
0x2: {  	s0 =	stileid.u32;
	s2 =	rddreg [dreg:$0x1]  }
0x3: {  	s3 =	simm.s32 $0x0;
	s14 =	simm.s32 $0x3;
	s15 =	simm.s32 $0x2710  }
0x4: {  	s16 =	simm.s32 $0x190;
	s17 =	simm.s32 $0x4E20;
	s18 =	simm.s32 $0x1  }
0x5: {  	s19 =	simm.s32 $0x2;
	s20 =	simm.s32 $0x4C90;
	s7 =	smul.u32 $0x7680, s0  }
0x6: {  	s5 =	sand.u32 $0x1, s1;
	s28 =	sshll.u32 s0, $0x1;
	s10 =	smul.u32 $0x1DA00, s0  }
0x7: {  	s21 =	simm.s32 $0x0;
	s1 =	sor.u32 s5, s28;
	s8 =	smul.u32 $0x76800, s5  }
0x8: {  	[smem:$0x7FF] =	sst s3;
	s5 =	ssub.s32 $0x2, s5;
	s4 =	smul.u32 $0x2710, s1  }
0x9: {  	s1 =	rddreg [dreg:$0x2];
	_ =	strace $0x80000050;
	s29 =	sshrl.u32 s10, $0x2  }
0xa: {  	s30 =	sshrl.u32 s5, $0x1;
	s8 =	sadd.s32 s7, s8;
	s31 =	sadd.s32 s29, s2  }
0xb: {  	s13 =	ssub.s32 s5, s30;
	s5 =	sadd.s32 s7, s2;
	s9 =	sshrl.u32 s4, $0x3  }
0xc: {  	s4 =	sadd.s32 $0x16400, s6;
	s8 =	sshrl.u32 s8, $0x3;
	s7 =	sadd.s32 $0x3C00, s31  }
0xd: {  	s11 =	sadd.s32 s9, s6;
	s12 =	sadd.s32 s8, s6;
	s6 =	sadd.s32 $0x1E00, s31  }
0xe: {  	s8 =	sadd.s32 $0x5A00, s31;
	s9 =	sadd.s32 $0x2A00, s11;
	s10 =	sadd.s32 $0xC640, s11  }
0xf: {  	v0 =	vimm.f32 $0.0e+00;
	s11 =	sadd.s32 $0x25200, s12;
	s12 =	smax.u32 s13, $0x1;
	s13 =	simm.s32 $0xE420  }
.LBB2_1:
0x10: {  	s22 =	simm.s32 $0xE480  }
0x11: {  	[tilespmem:s22+$0xFFFFFFA0] =	vst v0  }
0x12: {  	[tilespmem:s22+$0x50] =	vst v0  }
0x13: {  	[tilespmem:s22+$0x40] =	vst v0  }
0x14: {  	[tilespmem:s22+$0x30] =	vst v0  }
0x15: {  	[tilespmem:s22+$0x20] =	vst v0  }
0x16: {  	[tilespmem:s22+$0x10] =	vst v0  }
0x17: {  	[tilespmem:s22+$0x0] =	vst v0  }
0x18: {  	[tilespmem:s22+$0xFFFFFFF0] =	vst v0  }
0x19: {  	[tilespmem:s22+$0xFFFFFFE0] =	vst v0  }
0x1a: {  	[tilespmem:s22+$0xFFFFFFD0] =	vst v0  }
0x1b: {  	s23 =	simm.s32 $0x0;
	[tilespmem:s22+$0xFFFFFFC0] =	vst v0  }
.LBB2_2:
0x1c: {  	s23 =	sadd.s32 $0x4, s23;
	[tilespmem:s22+$0xFFFFFFB0] =	vst v0;
	s22 =	sadd.s32 $0xC0, s22  }
0x1d: {  	[tilespmem:s22+$0xFFFFFFA0] =	vst v0;
	p0 =	slt.u32 s23, $0x9C  }
0x1e: {  	[tilespmem:s22+$0x50] =	vst v0  }
0x1f: {  	[tilespmem:s22+$0x40] =	vst v0  }
0x20: {  	[tilespmem:s22+$0x30] =	vst v0  }
0x21: {  	[tilespmem:s22+$0x20] =	vst v0  }
0x22: {  	[tilespmem:s22+$0x10] =	vst v0  }
.Ltmp0:
0x23: {  	[tilespmem:s22+$0x0] =	vst v0;
	(pc) =	sbr.rel @p0 .LBB2_2-.Ltmp0, $4  }
0x24: {  	[tilespmem:s22+$0xFFFFFFF0] =	vst v0  }
0x25: {  	[tilespmem:s22+$0xFFFFFFE0] =	vst v0  }
0x26: {  	[tilespmem:s22+$0xFFFFFFD0] =	vst v0  }
0x27: {  	[tilespmem:s22+$0xFFFFFFC0] =	vst v0  }
0x28: {  	[tilespmem:s22+$0xFFFFFFB0] =	vst v0  }
0x29: {  	[spmem:s5] =	stream.linear.scatter [tilespmem:s13], [sflag:$0x3], $0x1E00, $0x38;
	[tilespmem:$0x178A0] =	vst v63  }
0x2a: {  	_ =	swait.ge [sflag:s14], $0x1E00  }
0x2b: {  	[sflag:s14] =	ssyncset.done $0x0  }
0x2c: {  	[sflag:s14] =	ssyncadd.s32 $0xFFFFE200  }
0x2d: {  	[spmem:s6] =	stream.linear.scatter [tilespmem:s13], [sflag:$0x3], $0x1E00, $0x38;
	[tilespmem:$0x178A0] =	vst v63  }
0x2e: {  	_ =	swait.ge [sflag:s14], $0x1E00  }
0x2f: {  	[sflag:s14] =	ssyncset.done $0x0  }
0x30: {  	[sflag:s14] =	ssyncadd.s32 $0xFFFFE200  }
0x31: {  	[spmem:s7] =	stream.linear.scatter [tilespmem:s13], [sflag:$0x3], $0x1E00, $0x38;
	[tilespmem:$0x178A0] =	vst v63  }
0x32: {  	_ =	swait.ge [sflag:s14], $0x1E00  }
0x33: {  	[sflag:s14] =	ssyncset.done $0x0  }
0x34: {  	[sflag:s14] =	ssyncadd.s32 $0xFFFFE200  }
0x35: {  	[spmem:s8] =	stream.linear.scatter [tilespmem:s13], [sflag:$0x3], $0x1C80, $0x38;
	[tilespmem:$0x178A0] =	vst v63  }
0x36: {  	_ =	swait.ge [sflag:s14], $0x1C80  }
0x37: {  	[sflag:s14] =	ssyncset.done $0x0  }
0x38: {  	[sflag:s14] =	ssyncadd.s32 $0xFFFFE380  }
0x39: {  	[bflag:$0x0] =	sbarrier.arrive $0xFFFF  }
0x3a: {  	[tilespmem:s3], [sflag:$0x3] =	stream.linear.gather [hbm4b:s9+s3], $0x2710, $0x38;
	[tilespmem:$0x178A0] =	vst v63  }
0x3b: {  	_ =	swait.ge [sflag:s14], $0x2710  }
0x3c: {  	[sflag:s14] =	ssyncset.done $0x0  }
0x3d: {  	[sflag:s14] =	ssyncadd.s32 $0xFFFFD8F0  }
0x3e: {  	[tilespmem:s15], [sflag:$0x3] =	stream.linear.gather [hbm4b:s10+s3], $0x2710, $0x38;
	[tilespmem:$0x178A0] =	vst v63  }
0x3f: {  	_ =	swait.ge [sflag:s14], $0x2710  }
0x40: {  	[sflag:s14] =	ssyncset.done $0x0  }
0x41: {  	s26 =	simm.s32 $0x1;
	[sflag:s14] =	ssyncadd.s32 $0xFFFFD8F0  }
0x42: {  	[tilespmem:s17], [sflag:$0x1] =	stream.indirect.gather [hbm4b:s4+s16], $0x30, s3, s16, $0xb8;
	[tilespmem:$0x178A0] =	vst v63  }
0x43: {  	_ =	swait.ge [sflag:s26], $0x4B00  }
0x44: {  	[sflag:s26] =	ssyncset.done $0x0  }
0x45: {  	s23 =	simm.s32 $0x9920;
	[sflag:s26] =	ssyncadd.s32 $0xFFFFB500  }
0x46: {  	[tilespmem:s23], [sflag:$0x1] =	stream.indirect.gather [hbm4b:s4+s16], $0x30, s16, s16, $0xb8;
	[tilespmem:$0x178A0] =	vst v63  }
0x47: {  	_ = 	snop  }
0x48: {  	[spmem:s2] =	stream.indirect.scatter.add.f32 [tilespmem:s17], [sflag:$0x2], $0x30, s15, s16, $0xb8;
	[tilespmem:$0x178A0] =	vst v63  }
0x49: {  	_ =	swait.ge [sflag:s26], $0x4B00  }
0x4a: {  	s24 =	sxor.u32 $0x1, s26;
	[sflag:s26] =	ssyncset.done $0x0  }
0x4b: {  	s25 =	simm.s32 $0x2;
	s29 =	smul.u32 $0x12C00, s24;
	[sflag:s26] =	ssyncadd.s32 $0xFFFFB500  }
0x4c: {  	_ =	swait.ge [sflag:s25], $0x4B00  }
0x4d: {  	s22 =	sshra.s32 s29, $0x2;
	[sflag:s25] =	ssyncset.done $0x0  }
0x4e: {  	s30 =	simm.s32 $0x320;
	s22 =	sadd.s32 $0x4E20, s22;
	[sflag:s25] =	ssyncadd.s32 $0xFFFFB500  }
0x4f: {  	[tilespmem:s22], [sflag:$0x1] =	stream.indirect.gather [hbm4b:s4+s16], $0x30, s30, s16, $0xb8;
	[tilespmem:$0x178A0] =	vst v63  }
0x50: {  	s31 =	sand.u32 $0x1, s25;
	s22 =	simm.s32 $0x28A0  }
0x51: {  	[spmem:s2] =	stream.indirect.scatter.add.f32 [tilespmem:s23], [sflag:$0x2], $0x30, s22, s16, $0xb8;
	[tilespmem:$0x178A0] =	vst v63  }
0x52: {  	s26 =	smul.u32 $0x12C00, s31;
	_ =	swait.ge [sflag:s18], $0x4B00  }
0x53: {  	s24 =	simm.s32 $0x4;
	s25 =	sxor.u32 $0x1, s31;
	[sflag:s18] =	ssyncset.done $0x0  }
0x54: {  	s26 =	sshrl.u32 s26, $0x2;
	s28 =	smul.u32 $0x12C00, s25;
	[sflag:s18] =	ssyncadd.s32 $0xFFFFB500  }
0x55: {  	s26 =	sadd.s32 $0x4E20, s26;
	s25 =	simm.s32 $0x4B0;
	_ =	swait.ge [sflag:s19], $0x4B00  }
0x56: {  	s23 =	simm.s32 $0x3;
	s28 =	sshra.s32 s28, $0x2;
	[sflag:s19] =	ssyncset.done $0x0  }
.LBB2_4:
0x57: {  	s28 =	sadd.s32 $0x4E20, s28;
	[sflag:s19] =	ssyncadd.s32 $0xFFFFB500;
	s22 =	sadd.s32 $0x190, s22  }
0x58: {  	[tilespmem:s28], [sflag:$0x1] =	stream.indirect.gather [hbm4b:s4+s16], $0x30, s25, s16, $0xb8;
	[tilespmem:$0x178A0] =	vst v63  }
0x59: {  	p0 =	sne.s32 s24, $0x18;
	s28 =	smov.u32 s24;
	s24 =	sadd.s32 $0x1, s24  }
0x5a: {  	[spmem:s2] =	stream.indirect.scatter.add.f32 [tilespmem:s26], [sflag:$0x2], $0x30, s22, s16, $0xb8;
	[tilespmem:$0x178A0] =	vst v63  }
.Ltmp1:
0x5b: {  	s23 =	sand.u32 $0x1, s23;
	_ =	swait.ge [sflag:s18], $0x4B00;
	(pc) =	sbr.rel @p0 .LBB2_4-.Ltmp1, $4  }
0x5c: {  	s29 =	smul.u32 $0x12C00, s23;
	s26 =	sxor.u32 $0x1, s23;
	[sflag:s18] =	ssyncset.done $0x0  }
0x5d: {  	s23 =	smov.u32 s28;
	s26 =	smul.u32 $0x12C00, s26;
	[sflag:s18] =	ssyncadd.s32 $0xFFFFB500  }
0x5e: {  	s25 =	sadd.s32 $0x190, s25;
	s29 =	sshrl.u32 s29, $0x2;
	_ =	swait.ge [sflag:s19], $0x4B00  }
0x5f: {  	s28 =	sshra.s32 s26, $0x2;
	s26 =	sadd.s32 $0x4E20, s29;
	[sflag:s19] =	ssyncset.done $0x0  }
0x60: {  	s24 =	sadd.s32 $0x4E20, s28;
	[sflag:s19] =	ssyncadd.s32 $0xFFFFB500  }
0x61: {  	[tilespmem:s24], [sflag:$0x1] =	stream.indirect.gather [hbm4b:s4+s16], $0x30, s25, s16, $0xb8;
	[tilespmem:$0x178A0] =	vst v63  }
0x62: {  	s22 =	sadd.s32 $0x190, s22  }
0x63: {  	[spmem:s2] =	stream.indirect.scatter.add.f32 [tilespmem:s26], [sflag:$0x2], $0x30, s22, s16, $0xb8;
	[tilespmem:$0x178A0] =	vst v63  }
0x64: {  	_ =	swait.ge [sflag:s18], $0x4B00  }
0x65: {  	s29 =	sand.u32 $0x1, s23;
	[sflag:s18] =	ssyncset.done $0x0  }
0x66: {  	s22 =	smul.u32 $0x12C00, s29;
	[sflag:s18] =	ssyncadd.s32 $0xFFFFB500  }
0x67: {  	_ =	swait.ge [sflag:s19], $0x4B00  }
0x68: {  	s22 =	sshrl.u32 s22, $0x2;
	[sflag:s19] =	ssyncset.done $0x0  }
0x69: {  	s22 =	sadd.s32 $0x4E20, s22;
	[sflag:s19] =	ssyncadd.s32 $0xFFFFB500  }
0x6a: {  	[spmem:s2] =	stream.indirect.scatter.add.f32 [tilespmem:s22], [sflag:$0x2], $0x30, s20, s16, $0xb8;
	[tilespmem:$0x178A0] =	vst v63  }
0x6b: {  	_ =	swait.ge [sflag:s19], $0x4B00  }
0x6c: {  	s30 =	sshll.u32 s0, $0x6;
	s21 =	sadd.s32 $0x1, s21;
	[sflag:s19] =	ssyncset.done $0x0  }
0x6d: {  	s31 =	sshrl.u32 s5, $0x3;
	p0 =	sne.s32 s21, s12;
	[sflag:s19] =	ssyncadd.s32 $0xFFFFB500  }
.Ltmp2:
0x6e: {  	s22 =	sor.u32 $0x1C03, s30;
	[bflag:$0x0] =	sbarrier.arrive $0xFFFF;
	(pc) =	sbr.rel @p0 .LBB2_1-.Ltmp2, $4  }
0x6f: {  	[hbm:s11], [sflag:s22] =	dma.local [spmem:s31], $0xED0  }
0x70: {  	_ =	swait.ge [sflag:s14], $0xED0  }
0x71: {  	[sflag:s14] =	ssyncset.done $0x0  }
0x72: {  	[sflag:s14] =	ssyncadd.s32 $0xFFFFF130  }
0x73: {  	_ =	sfence.sel $0x180000  }
0x74: {  	[bflag:$0x0] =	sbarrier.arrive $0xFFFF  }
0x75: {  	p0 =	sne.s32 s0, $0x0;
	_ =	strace $0x90000050  }
0x76: {  	s0 =	sadd.s32 @!p0 $0x100000, s1;
	[bflag:$0x2] =	sbarrier.arrive $0xFFFF  }
0x77: {  	[sflag:s0] =	ssyncadd.tile.s32 @!p0 $0x1;
	_ =	shalt  }
.Lfunc_end2:
_tile_overlayer_lowered:
.L_overlay_start_2:
0x78: {  	(tag) =	ssettag $0x2  }
0x79: {  	s0 =	rddreg [dreg:$0x0];
	s2 =	stileid.u32  }
0x7a: {  	s1 =	rddreg [dreg:$0x1];
	p0 =	sne.s32 s2, $0x0  }
0x7b: {  	s3 =	rddreg [dreg:$0x2];
	[bflag:$0x3] =	sbarrier.arrive $0xFFFF;
	s2 =	simm.s32 @!p0 $0x1C03  }
0x7c: {  	[timem:s3], [sflag:s2] =	dma.local @!p0 [hbm:s0], s1  }
0x7d: {  	s0 =	simm.s32 @!p0 $0x3  }
0x7e: {  	_ =	swait.ge @!p0 [sflag:s0], s1  }
0x7f: {  	s1 =	ssub.s32 @!p0 $0x0, s1;
	[sflag:s0] =	ssyncset.done @!p0 $0x0  }
0x80: {  	[sflag:s0] =	ssyncadd.s32 @!p0 s1  }
0x81: {  	[bflag:$0x3] =	sbarrier.arrive $0xFFFF  }
0x82: {  	_ =	shalt  }

</sc_bundles>
